<compile_context>
chip_gen: v7x
topology: tpu7x:2x2x1
jax: 0.10.2.dev20260603
libtpu: 0.0.44.dev20260713+nightly
codegen_flags: <defaults>
</compile_context>

<pallas_src>
import jax
import jax.numpy as jnp
from jax import lax
from jax.experimental import pallas as pl
from jax.experimental.pallas import tpu as pltpu
from jax.experimental.pallas import tpu_sc as plsc

_L = 200
_B = 1024
_M = 64
_N = _L * _B
_SUB = 128
_UNIT = 1024
_NSUB = _UNIT // _SUB
_NW = 32
_ZROWS = _B // _NW


def _zero_fill(rows_v, outs, w):
    zvec = jnp.zeros((16,), jnp.float32)

    def _zrow(r, carry):
        for cc in range(_M // 16):
            rows_v[r, pl.ds(cc * 16, 16)] = zvec
        return carry

    lax.fori_loop(0, _ZROWS, _zrow, 0)
    zbase = w * _ZROWS
    for out_h in outs:
        pltpu.sync_copy(rows_v.at[pl.ds(0, _ZROWS)],
                        out_h.at[0, pl.ds(zbase, _ZROWS), :])


def _unit(idx_h, tab_h, out_h, idx_v, rows_v, sem, irow, l):
    pltpu.sync_copy(idx_h.at[pl.ds(irow, _NSUB)], idx_v)
    descs = [
        pltpu.async_copy(tab_h.at[idx_v.at[j]],
                         rows_v.at[pl.ds(j * _SUB, _SUB)], sem)
        for j in range(_NSUB)
    ]
    for d in descs:
        d.wait()
    pltpu.sync_copy(rows_v, out_h.at[l])


def _make_body(shifted):

    def _body(idx_h, tab_h, out_h, idx_v, rows_v, sem):
        w = lax.axis_index("s") * 2 + lax.axis_index("c")
        _zero_fill(rows_v, (out_h,), w)
        tot = _L - 1
        nu = (tot // _NW) + jnp.where(w < (tot % _NW), 1, 0)

        def _step(i, carry):
            l = 1 + w + i * _NW
            irow = (l - 1) * _NSUB if shifted else l * _NSUB
            _unit(idx_h, tab_h, out_h, idx_v, rows_v, sem, irow, l)
            return carry

        lax.fori_loop(0, nu, _step, 0)

    return _body


_sbody = _make_body(True)
_rbody = _make_body(False)


@jax.jit
def kernel(ly, lp, ry, emb_table, pos_table):
    ly2 = ly.astype(jnp.int32).reshape(_N // _SUB, _SUB)
    lp2 = lp.astype(jnp.int32).reshape(_N // _SUB, _SUB)
    ry2 = ry.astype(jnp.int32).reshape(_N // _SUB, _SUB)

    mesh = plsc.VectorSubcoreMesh(core_axis_name="c", subcore_axis_name="s")
    scratch = [
        pltpu.VMEM((_NSUB, _SUB), jnp.int32),
        pltpu.VMEM((_UNIT, _M), jnp.float32),
        pltpu.SemaphoreType.DMA,
    ]
    params = pltpu.CompilerParams(use_tc_tiling_on_sc=False)

    out1 = jax.ShapeDtypeStruct((_L, _B, _M), jnp.float32)

    def _call(body, name):
        return pl.kernel(
            body,
            mesh=mesh,
            out_type=out1,
            scratch_types=scratch,
            compiler_params=params,
            name=name,
        )

    po = _call(_sbody, "pos_gather")(lp2, pos_table)
    lo = _call(_sbody, "lemb_gather")(ly2, emb_table)
    ro = _call(_rbody, "remb_gather")(ry2, emb_table)
    return (lo, po, ro)

# --- scband reference (transcript-rebuilt; emitter-appended) ---
"""Pipeline reference for scband-my-embedding-13932873908769 (READ-ONLY COPY).

The authoritative reference and input builder live on the scoring server;
editing this copy changes nothing except your own understanding.
"""

import jax, jax.numpy as jnp
import numpy as np

K = 1000000
M = 64
MAXLEN = 200
L = 200
B = 1024

def _pos_table():
    pos = np.arange(MAXLEN, dtype=np.float64)[:, None]
    i = np.arange(M // 2, dtype=np.float64)[None, :]
    angle = pos / (10000.0 ** (2.0 * i / M))
    tab = np.zeros((MAXLEN, M), dtype=np.float32)
    tab[:, 0::2] = np.sin(angle)
    tab[:, 1::2] = np.cos(angle)
    return jnp.asarray(tab)

def setup_inputs(seed: int = 0):
    key = jax.random.key(seed)
    k1, k2, k3, k4 = jax.random.split(key, 4)
    ly = jax.random.randint(k1, (L, B), 0, K)
    lp = jax.random.randint(k2, (L, B), 0, MAXLEN)
    ry = jax.random.randint(k3, (L, B), 0, K)
    emb_table = jax.random.normal(k4, (K, M), dtype=jnp.float32)
    pos_table = _pos_table()
    return {"ly": ly, "lp": lp, "ry": ry, "emb_table": emb_table, "pos_table": pos_table}

def reference(ly, lp, ry, emb_table, pos_table):
    # lemb: embedding lookup then shift down by one along seq dim (row 0 zeroed)
    lemb = jnp.take(emb_table, ly, axis=0)
    zrow = jnp.zeros((1,) + lemb.shape[1:], dtype=lemb.dtype)
    lemb = jnp.concatenate([zrow, lemb[:-1]], axis=0)
    # Pemb: positional embedding lookup then same shift
    Pemb = jnp.take(pos_table, lp, axis=0)
    zrow_p = jnp.zeros((1,) + Pemb.shape[1:], dtype=Pemb.dtype)
    Pemb = jnp.concatenate([zrow_p, Pemb[:-1]], axis=0)
    # remb: embedding lookup; shifted[1:] = remb[1:], shifted[0] = 0 -> zero first row
    remb = jnp.take(emb_table, ry, axis=0)
    remb = remb.at[0].set(0.0)
    return (lemb, Pemb, remb)

if __name__ == "__main__":
    import jax
    _d = setup_inputs()
    print(jax.jit(kernel)(*tuple(_d.values())))

</pallas_src>

<mosaic_0001>
#map = affine_map<(d0, d1) -> (0, 0)>
#map1 = affine_map<(d0, d1) -> (0, 0, 0)>
module attributes {stable_mosaic.version = 14 : i64} {
  func.func @lemb_gather(%arg0: i32, %arg1: i32, %arg2: memref<1600x128xi32, #tpu.memory_space<hbm>>, %arg3: memref<1000000x64xf32, #tpu.memory_space<hbm>>, %arg4: memref<200x1024x64xf32, #tpu.memory_space<hbm>>, %arg5: memref<8x128xi32, #tpu.memory_space<vmem>>, %arg6: memref<1024x64xf32, #tpu.memory_space<vmem>>, %arg7: memref<!tpu.dma_semaphore, #tpu.memory_space<semaphore_mem>>) attributes {dimension_semantics = [#tpu.dimension_semantics<core_parallel>, #tpu.dimension_semantics<subcore_parallel>], iteration_bounds = array<i64: 2, 16>, scalar_prefetch = 0 : i64, scratch_operands = 3 : i64, tpu.core_type = #tpu.core_type<sc_vector_subcore>, window_params = [{transform_indices = #map}, {transform_indices = #map}, {transform_indices = #map1}]} {
    %mul3A = arith.constant 2 : i32
    %mul3A_0 = arith.muli %arg1, %mul3A : i32
    %add3A = arith.addi %mul3A_0, %arg0 : i32
    %broadcast_in_dim3A = arith.constant 0.000000e+00 : f32
    %broadcast_in_dim3A_1 = vector.broadcast %broadcast_in_dim3A : f32 to vector<16xf32>
    %scan3A = arith.constant 0 : i32
    %scan3A_2 = arith.constant 0 : i32
    %scan3A_3 = arith.constant 32 : i32
    %scan3A_4 = arith.addi %scan3A_2, %scan3A_3 : i32
    %scan3A_5 = arith.constant 1 : i32
    scf.for %scan3A_22 = %scan3A_2 to %scan3A_4 step %scan3A_5  : i32 {
      %swap3A = arith.index_cast %scan3A_22 : i32 to index
      %swap3A_23 = arith.constant 0 : index
      %swap3A_24 = tpu.vector_load %arg6[%swap3A, %swap3A_23] {strides = array<i32>} : memref<1024x64xf32, #tpu.memory_space<vmem>>, vector<1x16xf32>,
      %swap3A_25 = vector.shape_cast %swap3A_24 : vector<1x16xf32> to vector<16xf32>
      %swap3A_26 = vector.shape_cast %broadcast_in_dim3A_1 : vector<16xf32> to vector<1x16xf32>
      tpu.vector_store %arg6[%swap3A, %swap3A_23], %swap3A_26 {strides = array<i32>} : memref<1024x64xf32, #tpu.memory_space<vmem>>, vector<1x16xf32>,
      %swap3A_27 = arith.index_cast %scan3A_22 : i32 to index
      %swap3A_28 = arith.constant 16 : index
      %swap3A_29 = tpu.vector_load %arg6[%swap3A_27, %swap3A_28] {strides = array<i32>} : memref<1024x64xf32, #tpu.memory_space<vmem>>, vector<1x16xf32>,
      %swap3A_30 = vector.shape_cast %swap3A_29 : vector<1x16xf32> to vector<16xf32>
      %swap3A_31 = vector.shape_cast %broadcast_in_dim3A_1 : vector<16xf32> to vector<1x16xf32>
      tpu.vector_store %arg6[%swap3A_27, %swap3A_28], %swap3A_31 {strides = array<i32>} : memref<1024x64xf32, #tpu.memory_space<vmem>>, vector<1x16xf32>,
      %swap3A_32 = arith.index_cast %scan3A_22 : i32 to index
      %swap3A_33 = arith.constant 32 : index
      %swap3A_34 = tpu.vector_load %arg6[%swap3A_32, %swap3A_33] {strides = array<i32>} : memref<1024x64xf32, #tpu.memory_space<vmem>>, vector<1x16xf32>,
      %swap3A_35 = vector.shape_cast %swap3A_34 : vector<1x16xf32> to vector<16xf32>
      %swap3A_36 = vector.shape_cast %broadcast_in_dim3A_1 : vector<16xf32> to vector<1x16xf32>
      tpu.vector_store %arg6[%swap3A_32, %swap3A_33], %swap3A_36 {strides = array<i32>} : memref<1024x64xf32, #tpu.memory_space<vmem>>, vector<1x16xf32>,
      %swap3A_37 = arith.index_cast %scan3A_22 : i32 to index
      %swap3A_38 = arith.constant 48 : index
      %swap3A_39 = tpu.vector_load %arg6[%swap3A_37, %swap3A_38] {strides = array<i32>} : memref<1024x64xf32, #tpu.memory_space<vmem>>, vector<1x16xf32>,
      %swap3A_40 = vector.shape_cast %swap3A_39 : vector<1x16xf32> to vector<16xf32>
      %swap3A_41 = vector.shape_cast %broadcast_in_dim3A_1 : vector<16xf32> to vector<1x16xf32>
      tpu.vector_store %arg6[%swap3A_37, %swap3A_38], %swap3A_41 {strides = array<i32>} : memref<1024x64xf32, #tpu.memory_space<vmem>>, vector<1x16xf32>,
    }
    %scan3A_6 = arith.constant 32 : i32
    %mul3A_7 = arith.constant 32 : i32
    %mul3A_8 = arith.muli %add3A, %mul3A_7 : i32
    %run_scoped3A = arith.constant 0 : i32
    "tpu.region"() ({
      %run_scoped3A_22 = tpu.sem_alloc : memref<!tpu.dma_semaphore, #tpu.memory_space<semaphore_mem>>
      %dma_start3A = arith.constant 0 : i32
      %dma_start3A_23 = arith.constant 0 : i32
      %dma_start3A_24 = tpu.memref_slice %arg6[%dma_start3A, %dma_start3A_23] : memref<1024x64xf32, #tpu.memory_space<vmem>> -> memref<32x64xf32, #tpu.memory_space<vmem>>
      %dma_start3A_25 = arith.constant 0 : i32
      %dma_start3A_26 = tpu.memref_slice %arg4[%run_scoped3A, %mul3A_8, %dma_start3A_25] : memref<200x1024x64xf32, #tpu.memory_space<hbm>> -> memref<1x32x64xf32, #tpu.memory_space<hbm>>
      %dma_start3A_27 = tpu.memref_squeeze %dma_start3A_26 : memref<1x32x64xf32, #tpu.memory_space<hbm>> -> memref<32x64xf32, #tpu.memory_space<hbm>>
      %dma_start3A_28 = arith.constant 0 : i32
      %dma_start3A_29 = tpu.memref_slice %arg4[%run_scoped3A, %mul3A_8, %dma_start3A_28] : memref<200x1024x64xf32, #tpu.memory_space<hbm>> -> memref<1x32x64xf32, #tpu.memory_space<hbm>>
      %dma_start3A_30 = tpu.memref_squeeze %dma_start3A_29 : memref<1x32x64xf32, #tpu.memory_space<hbm>> -> memref<32x64xf32, #tpu.memory_space<hbm>>
      %dma_start3A_31 = arith.constant 0 : i32
      %dma_start3A_32 = arith.constant 0 : i32
      %dma_start3A_33 = tpu.memref_slice %arg6[%dma_start3A_31, %dma_start3A_32] : memref<1024x64xf32, #tpu.memory_space<vmem>> -> memref<32x64xf32, #tpu.memory_space<vmem>>
      tpu.enqueue_dma source(%dma_start3A_33 : memref<32x64xf32, #tpu.memory_space<vmem>>) target(%dma_start3A_30 : memref<32x64xf32, #tpu.memory_space<hbm>>) target_semaphore(%run_scoped3A_22 : memref<!tpu.dma_semaphore, #tpu.memory_space<semaphore_mem>>)
      %dma_wait3A = arith.constant 0 : i32
      %dma_wait3A_34 = arith.constant 0 : i32
      %dma_wait3A_35 = tpu.memref_slice %arg6[%dma_wait3A, %dma_wait3A_34] : memref<1024x64xf32, #tpu.memory_space<vmem>> -> memref<32x64xf32, #tpu.memory_space<vmem>>
      %dma_wait3A_36 = arith.constant 0 : i32
      %dma_wait3A_37 = tpu.memref_slice %arg4[%run_scoped3A, %mul3A_8, %dma_wait3A_36] : memref<200x1024x64xf32, #tpu.memory_space<hbm>> -> memref<1x32x64xf32, #tpu.memory_space<hbm>>
      %dma_wait3A_38 = tpu.memref_squeeze %dma_wait3A_37 : memref<1x32x64xf32, #tpu.memory_space<hbm>> -> memref<32x64xf32, #tpu.memory_space<hbm>>
      %dma_wait3A_39 = arith.constant 0 : i32
      %dma_wait3A_40 = tpu.memref_slice %arg4[%run_scoped3A, %mul3A_8, %dma_wait3A_39] : memref<200x1024x64xf32, #tpu.memory_space<hbm>> -> memref<1x32x64xf32, #tpu.memory_space<hbm>>
      %dma_wait3A_41 = tpu.memref_squeeze %dma_wait3A_40 : memref<1x32x64xf32, #tpu.memory_space<hbm>> -> memref<32x64xf32, #tpu.memory_space<hbm>>
      %dma_wait3A_42 = arith.constant 0 : i32
      %dma_wait3A_43 = arith.constant 0 : i32
      %dma_wait3A_44 = tpu.memref_slice %arg6[%dma_wait3A_42, %dma_wait3A_43] : memref<1024x64xf32, #tpu.memory_space<vmem>> -> memref<32x64xf32, #tpu.memory_space<vmem>>
      tpu.wait_dma2 semaphore(%run_scoped3A_22 : memref<!tpu.dma_semaphore, #tpu.memory_space<semaphore_mem>>) src(%dma_wait3A_44 : memref<32x64xf32, #tpu.memory_space<vmem>>) dst(%dma_wait3A_41 : memref<32x64xf32, #tpu.memory_space<hbm>>)
      tpu.yield
    }) : () -> ()
    %lt3A = arith.constant 7 : i32
    %lt3A_9 = arith.cmpi slt, %add3A, %lt3A : i32
    %jit3A = arith.constant 1 : i32
    %jit3A_10 = arith.constant 0 : i32
    %select_n3A = arith.select %lt3A_9, %jit3A, %jit3A_10 : i32
    %add3A_11 = arith.constant 6 : i32
    %add3A_12 = arith.addi %add3A_11, %select_n3A : i32
    %while3A = arith.constant 0 : i32
    %while3A_13 = arith.constant 0 : i32
    %while3A_14 = arith.subi %add3A_12, %while3A_13 : i32
    %while3A_15 = arith.addi %while3A_13, %while3A_14 : i32
    %while3A_16 = arith.constant 1 : i32
    %while3A_17 = arith.divsi %while3A_14, %while3A_16 : i32
    %while3A_18 = arith.muli %while3A_17, %while3A_16 : i32
    %while3A_19 = arith.addi %while3A_13, %while3A_18 : i32
    %while3A_20 = arith.constant 1 : i32
    scf.for %while3A_22 = %while3A_13 to %while3A_19 step %while3A_20  : i32 {
      %add3A_23 = arith.constant 1 : i32
      %add3A_24 = arith.addi %add3A_23, %add3A : i32
      %mul3A_25 = arith.constant 32 : i32
      %mul3A_26 = arith.muli %while3A_22, %mul3A_25 : i32
      %add3A_27 = arith.addi %add3A_24, %mul3A_26 : i32
      %sub3A = arith.constant 1 : i32
      %sub3A_28 = arith.subi %add3A_27, %sub3A : i32
      %mul3A_29 = arith.constant 8 : i32
      %mul3A_30 = arith.muli %sub3A_28, %mul3A_29 : i32
      "tpu.region"() ({
        %run_scoped3A_189 = tpu.sem_alloc : memref<!tpu.dma_semaphore, #tpu.memory_space<semaphore_mem>>
        %dma_start3A_190 = arith.constant 0 : i32
        %dma_start3A_191 = tpu.memref_slice %arg2[%mul3A_30, %dma_start3A_190] : memref<1600x128xi32, #tpu.memory_space<hbm>> -> memref<8x128xi32, #tpu.memory_space<hbm>>
        %dma_start3A_192 = arith.constant 0 : i32
        %dma_start3A_193 = tpu.memref_slice %arg2[%mul3A_30, %dma_start3A_192] : memref<1600x128xi32, #tpu.memory_space<hbm>> -> memref<8x128xi32, #tpu.memory_space<hbm>>
        tpu.enqueue_dma source(%dma_start3A_193 : memref<8x128xi32, #tpu.memory_space<hbm>>) target(%arg5 : memref<8x128xi32, #tpu.memory_space<vmem>>) target_semaphore(%run_scoped3A_189 : memref<!tpu.dma_semaphore, #tpu.memory_space<semaphore_mem>>)
        %dma_wait3A_194 = arith.constant 0 : i32
        %dma_wait3A_195 = tpu.memref_slice %arg2[%mul3A_30, %dma_wait3A_194] : memref<1600x128xi32, #tpu.memory_space<hbm>> -> memref<8x128xi32, #tpu.memory_space<hbm>>
        %dma_wait3A_196 = arith.constant 0 : i32
        %dma_wait3A_197 = tpu.memref_slice %arg2[%mul3A_30, %dma_wait3A_196] : memref<1600x128xi32, #tpu.memory_space<hbm>> -> memref<8x128xi32, #tpu.memory_space<hbm>>
        tpu.wait_dma2 semaphore(%run_scoped3A_189 : memref<!tpu.dma_semaphore, #tpu.memory_space<semaphore_mem>>) src(%dma_wait3A_197 : memref<8x128xi32, #tpu.memory_space<hbm>>) dst(%arg5 : memref<8x128xi32, #tpu.memory_space<vmem>>)
        tpu.yield
      }) : () -> ()
      %dma_start3A = arith.constant 0 : i32
      %dma_start3A_31 = arith.constant 0 : i32
      %dma_start3A_32 = arith.constant 0 : i32
      %dma_start3A_33 = tpu.memref_slice %arg6[%dma_start3A_31, %dma_start3A_32] : memref<1024x64xf32, #tpu.memory_space<vmem>> -> memref<128x64xf32, #tpu.memory_space<vmem>>
      %dma_start3A_34 = arith.constant 0 : i32
      %dma_start3A_35 = tpu.memref_slice %arg5[%dma_start3A, %dma_start3A_34] : memref<8x128xi32, #tpu.memory_space<vmem>> -> memref<1x128xi32, #tpu.memory_space<vmem>>
      %dma_start3A_36 = tpu.memref_squeeze %dma_start3A_35 : memref<1x128xi32, #tpu.memory_space<vmem>> -> memref<128xi32, #tpu.memory_space<vmem>>
      %dma_start3A_37 = arith.constant 0 : i32
      %dma_start3A_38 = arith.constant 0 : i32
      %dma_start3A_39 = tpu.memref_slice %arg3[%dma_start3A_37, %dma_start3A_38] : memref<1000000x64xf32, #tpu.memory_space<hbm>> -> memref<1000000x64xf32, #tpu.memory_space<hbm>>
      tpu.enqueue_indirect_dma source(%dma_start3A_39 : memref<1000000x64xf32, #tpu.memory_space<hbm>>) target(%dma_start3A_33 : memref<128x64xf32, #tpu.memory_space<vmem>>) offsets(%dma_start3A_36 : memref<128xi32, #tpu.memory_space<vmem>>) semaphore(%arg7 : memref<!tpu.dma_semaphore, #tpu.memory_space<semaphore_mem>>)
      %dma_start3A_40 = arith.constant 1 : i32
      %dma_start3A_41 = arith.constant 128 : i32
      %dma_start3A_42 = arith.constant 0 : i32
      %dma_start3A_43 = tpu.memref_slice %arg6[%dma_start3A_41, %dma_start3A_42] : memref<1024x64xf32, #tpu.memory_space<vmem>> -> memref<128x64xf32, #tpu.memory_space<vmem>>
      %dma_start3A_44 = arith.constant 0 : i32
      %dma_start3A_45 = tpu.memref_slice %arg5[%dma_start3A_40, %dma_start3A_44] : memref<8x128xi32, #tpu.memory_space<vmem>> -> memref<1x128xi32, #tpu.memory_space<vmem>>
      %dma_start3A_46 = tpu.memref_squeeze %dma_start3A_45 : memref<1x128xi32, #tpu.memory_space<vmem>> -> memref<128xi32, #tpu.memory_space<vmem>>
      %dma_start3A_47 = arith.constant 0 : i32
      %dma_start3A_48 = arith.constant 0 : i32
      %dma_start3A_49 = tpu.memref_slice %arg3[%dma_start3A_47, %dma_start3A_48] : memref<1000000x64xf32, #tpu.memory_space<hbm>> -> memref<1000000x64xf32, #tpu.memory_space<hbm>>
      tpu.enqueue_indirect_dma source(%dma_start3A_49 : memref<1000000x64xf32, #tpu.memory_space<hbm>>) target(%dma_start3A_43 : memref<128x64xf32, #tpu.memory_space<vmem>>) offsets(%dma_start3A_46 : memref<128xi32, #tpu.memory_space<vmem>>) semaphore(%arg7 : memref<!tpu.dma_semaphore, #tpu.memory_space<semaphore_mem>>)
      %dma_start3A_50 = arith.constant 2 : i32
      %dma_start3A_51 = arith.constant 256 : i32
      %dma_start3A_52 = arith.constant 0 : i32
      %dma_start3A_53 = tpu.memref_slice %arg6[%dma_start3A_51, %dma_start3A_52] : memref<1024x64xf32, #tpu.memory_space<vmem>> -> memref<128x64xf32, #tpu.memory_space<vmem>>
      %dma_start3A_54 = arith.constant 0 : i32
      %dma_start3A_55 = tpu.memref_slice %arg5[%dma_start3A_50, %dma_start3A_54] : memref<8x128xi32, #tpu.memory_space<vmem>> -> memref<1x128xi32, #tpu.memory_space<vmem>>
      %dma_start3A_56 = tpu.memref_squeeze %dma_start3A_55 : memref<1x128xi32, #tpu.memory_space<vmem>> -> memref<128xi32, #tpu.memory_space<vmem>>
      %dma_start3A_57 = arith.constant 0 : i32
      %dma_start3A_58 = arith.constant 0 : i32
      %dma_start3A_59 = tpu.memref_slice %arg3[%dma_start3A_57, %dma_start3A_58] : memref<1000000x64xf32, #tpu.memory_space<hbm>> -> memref<1000000x64xf32, #tpu.memory_space<hbm>>
      tpu.enqueue_indirect_dma source(%dma_start3A_59 : memref<1000000x64xf32, #tpu.memory_space<hbm>>) target(%dma_start3A_53 : memref<128x64xf32, #tpu.memory_space<vmem>>) offsets(%dma_start3A_56 : memref<128xi32, #tpu.memory_space<vmem>>) semaphore(%arg7 : memref<!tpu.dma_semaphore, #tpu.memory_space<semaphore_mem>>)
      %dma_start3A_60 = arith.constant 3 : i32
      %dma_start3A_61 = arith.constant 384 : i32
      %dma_start3A_62 = arith.constant 0 : i32
      %dma_start3A_63 = tpu.memref_slice %arg6[%dma_start3A_61, %dma_start3A_62] : memref<1024x64xf32, #tpu.memory_space<vmem>> -> memref<128x64xf32, #tpu.memory_space<vmem>>
      %dma_start3A_64 = arith.constant 0 : i32
      %dma_start3A_65 = tpu.memref_slice %arg5[%dma_start3A_60, %dma_start3A_64] : memref<8x128xi32, #tpu.memory_space<vmem>> -> memref<1x128xi32, #tpu.memory_space<vmem>>
      %dma_start3A_66 = tpu.memref_squeeze %dma_start3A_65 : memref<1x128xi32, #tpu.memory_space<vmem>> -> memref<128xi32, #tpu.memory_space<vmem>>
      %dma_start3A_67 = arith.constant 0 : i32
      %dma_start3A_68 = arith.constant 0 : i32
      %dma_start3A_69 = tpu.memref_slice %arg3[%dma_start3A_67, %dma_start3A_68] : memref<1000000x64xf32, #tpu.memory_space<hbm>> -> memref<1000000x64xf32, #tpu.memory_space<hbm>>
      tpu.enqueue_indirect_dma source(%dma_start3A_69 : memref<1000000x64xf32, #tpu.memory_space<hbm>>) target(%dma_start3A_63 : memref<128x64xf32, #tpu.memory_space<vmem>>) offsets(%dma_start3A_66 : memref<128xi32, #tpu.memory_space<vmem>>) semaphore(%arg7 : memref<!tpu.dma_semaphore, #tpu.memory_space<semaphore_mem>>)
      %dma_start3A_70 = arith.constant 4 : i32
      %dma_start3A_71 = arith.constant 512 : i32
      %dma_start3A_72 = arith.constant 0 : i32
      %dma_start3A_73 = tpu.memref_slice %arg6[%dma_start3A_71, %dma_start3A_72] : memref<1024x64xf32, #tpu.memory_space<vmem>> -> memref<128x64xf32, #tpu.memory_space<vmem>>
      %dma_start3A_74 = arith.constant 0 : i32
      %dma_start3A_75 = tpu.memref_slice %arg5[%dma_start3A_70, %dma_start3A_74] : memref<8x128xi32, #tpu.memory_space<vmem>> -> memref<1x128xi32, #tpu.memory_space<vmem>>
      %dma_start3A_76 = tpu.memref_squeeze %dma_start3A_75 : memref<1x128xi32, #tpu.memory_space<vmem>> -> memref<128xi32, #tpu.memory_space<vmem>>
      %dma_start3A_77 = arith.constant 0 : i32
      %dma_start3A_78 = arith.constant 0 : i32
      %dma_start3A_79 = tpu.memref_slice %arg3[%dma_start3A_77, %dma_start3A_78] : memref<1000000x64xf32, #tpu.memory_space<hbm>> -> memref<1000000x64xf32, #tpu.memory_space<hbm>>
      tpu.enqueue_indirect_dma source(%dma_start3A_79 : memref<1000000x64xf32, #tpu.memory_space<hbm>>) target(%dma_start3A_73 : memref<128x64xf32, #tpu.memory_space<vmem>>) offsets(%dma_start3A_76 : memref<128xi32, #tpu.memory_space<vmem>>) semaphore(%arg7 : memref<!tpu.dma_semaphore, #tpu.memory_space<semaphore_mem>>)
      %dma_start3A_80 = arith.constant 5 : i32
      %dma_start3A_81 = arith.constant 640 : i32
      %dma_start3A_82 = arith.constant 0 : i32
      %dma_start3A_83 = tpu.memref_slice %arg6[%dma_start3A_81, %dma_start3A_82] : memref<1024x64xf32, #tpu.memory_space<vmem>> -> memref<128x64xf32, #tpu.memory_space<vmem>>
      %dma_start3A_84 = arith.constant 0 : i32
      %dma_start3A_85 = tpu.memref_slice %arg5[%dma_start3A_80, %dma_start3A_84] : memref<8x128xi32, #tpu.memory_space<vmem>> -> memref<1x128xi32, #tpu.memory_space<vmem>>
      %dma_start3A_86 = tpu.memref_squeeze %dma_start3A_85 : memref<1x128xi32, #tpu.memory_space<vmem>> -> memref<128xi32, #tpu.memory_space<vmem>>
      %dma_start3A_87 = arith.constant 0 : i32
      %dma_start3A_88 = arith.constant 0 : i32
      %dma_start3A_89 = tpu.memref_slice %arg3[%dma_start3A_87, %dma_start3A_88] : memref<1000000x64xf32, #tpu.memory_space<hbm>> -> memref<1000000x64xf32, #tpu.memory_space<hbm>>
      tpu.enqueue_indirect_dma source(%dma_start3A_89 : memref<1000000x64xf32, #tpu.memory_space<hbm>>) target(%dma_start3A_83 : memref<128x64xf32, #tpu.memory_space<vmem>>) offsets(%dma_start3A_86 : memref<128xi32, #tpu.memory_space<vmem>>) semaphore(%arg7 : memref<!tpu.dma_semaphore, #tpu.memory_space<semaphore_mem>>)
      %dma_start3A_90 = arith.constant 6 : i32
      %dma_start3A_91 = arith.constant 768 : i32
      %dma_start3A_92 = arith.constant 0 : i32
      %dma_start3A_93 = tpu.memref_slice %arg6[%dma_start3A_91, %dma_start3A_92] : memref<1024x64xf32, #tpu.memory_space<vmem>> -> memref<128x64xf32, #tpu.memory_space<vmem>>
      %dma_start3A_94 = arith.constant 0 : i32
      %dma_start3A_95 = tpu.memref_slice %arg5[%dma_start3A_90, %dma_start3A_94] : memref<8x128xi32, #tpu.memory_space<vmem>> -> memref<1x128xi32, #tpu.memory_space<vmem>>
      %dma_start3A_96 = tpu.memref_squeeze %dma_start3A_95 : memref<1x128xi32, #tpu.memory_space<vmem>> -> memref<128xi32, #tpu.memory_space<vmem>>
      %dma_start3A_97 = arith.constant 0 : i32
      %dma_start3A_98 = arith.constant 0 : i32
      %dma_start3A_99 = tpu.memref_slice %arg3[%dma_start3A_97, %dma_start3A_98] : memref<1000000x64xf32, #tpu.memory_space<hbm>> -> memref<1000000x64xf32, #tpu.memory_space<hbm>>
      tpu.enqueue_indirect_dma source(%dma_start3A_99 : memref<1000000x64xf32, #tpu.memory_space<hbm>>) target(%dma_start3A_93 : memref<128x64xf32, #tpu.memory_space<vmem>>) offsets(%dma_start3A_96 : memref<128xi32, #tpu.memory_space<vmem>>) semaphore(%arg7 : memref<!tpu.dma_semaphore, #tpu.memory_space<semaphore_mem>>)
      %dma_start3A_100 = arith.constant 7 : i32
      %dma_start3A_101 = arith.constant 896 : i32
      %dma_start3A_102 = arith.constant 0 : i32
      %dma_start3A_103 = tpu.memref_slice %arg6[%dma_start3A_101, %dma_start3A_102] : memref<1024x64xf32, #tpu.memory_space<vmem>> -> memref<128x64xf32, #tpu.memory_space<vmem>>
      %dma_start3A_104 = arith.constant 0 : i32
      %dma_start3A_105 = tpu.memref_slice %arg5[%dma_start3A_100, %dma_start3A_104] : memref<8x128xi32, #tpu.memory_space<vmem>> -> memref<1x128xi32, #tpu.memory_space<vmem>>
      %dma_start3A_106 = tpu.memref_squeeze %dma_start3A_105 : memref<1x128xi32, #tpu.memory_space<vmem>> -> memref<128xi32, #tpu.memory_space<vmem>>
      %dma_start3A_107 = arith.constant 0 : i32
      %dma_start3A_108 = arith.constant 0 : i32
      %dma_start3A_109 = tpu.memref_slice %arg3[%dma_start3A_107, %dma_start3A_108] : memref<1000000x64xf32, #tpu.memory_space<hbm>> -> memref<1000000x64xf32, #tpu.memory_space<hbm>>
      tpu.enqueue_indirect_dma source(%dma_start3A_109 : memref<1000000x64xf32, #tpu.memory_space<hbm>>) target(%dma_start3A_103 : memref<128x64xf32, #tpu.memory_space<vmem>>) offsets(%dma_start3A_106 : memref<128xi32, #tpu.memory_space<vmem>>) semaphore(%arg7 : memref<!tpu.dma_semaphore, #tpu.memory_space<semaphore_mem>>)
      %dma_wait3A = arith.constant 0 : i32
      %dma_wait3A_110 = arith.constant 0 : i32
      %dma_wait3A_111 = arith.constant 0 : i32
      %dma_wait3A_112 = tpu.memref_slice %arg6[%dma_wait3A_110, %dma_wait3A_111] : memref<1024x64xf32, #tpu.memory_space<vmem>> -> memref<128x64xf32, #tpu.memory_space<vmem>>
      %dma_wait3A_113 = arith.constant 0 : i32
      %dma_wait3A_114 = tpu.memref_slice %arg5[%dma_wait3A, %dma_wait3A_113] : memref<8x128xi32, #tpu.memory_space<vmem>> -> memref<1x128xi32, #tpu.memory_space<vmem>>
      %dma_wait3A_115 = tpu.memref_squeeze %dma_wait3A_114 : memref<1x128xi32, #tpu.memory_space<vmem>> -> memref<128xi32, #tpu.memory_space<vmem>>
      %dma_wait3A_116 = arith.constant 0 : i32
      %dma_wait3A_117 = arith.constant 0 : i32
      %dma_wait3A_118 = tpu.memref_slice %arg3[%dma_wait3A_116, %dma_wait3A_117] : memref<1000000x64xf32, #tpu.memory_space<hbm>> -> memref<1000000x64xf32, #tpu.memory_space<hbm>>
      tpu.wait_indirect_dma semaphore(%arg7 : memref<!tpu.dma_semaphore, #tpu.memory_space<semaphore_mem>>) src(%dma_wait3A_118 : memref<1000000x64xf32, #tpu.memory_space<hbm>>) dst(%dma_wait3A_112 : memref<128x64xf32, #tpu.memory_space<vmem>>)
      %dma_wait3A_119 = arith.constant 1 : i32
      %dma_wait3A_120 = arith.constant 128 : i32
      %dma_wait3A_121 = arith.constant 0 : i32
      %dma_wait3A_122 = tpu.memref_slice %arg6[%dma_wait3A_120, %dma_wait3A_121] : memref<1024x64xf32, #tpu.memory_space<vmem>> -> memref<128x64xf32, #tpu.memory_space<vmem>>
      %dma_wait3A_123 = arith.constant 0 : i32
      %dma_wait3A_124 = tpu.memref_slice %arg5[%dma_wait3A_119, %dma_wait3A_123] : memref<8x128xi32, #tpu.memory_space<vmem>> -> memref<1x128xi32, #tpu.memory_space<vmem>>
      %dma_wait3A_125 = tpu.memref_squeeze %dma_wait3A_124 : memref<1x128xi32, #tpu.memory_space<vmem>> -> memref<128xi32, #tpu.memory_space<vmem>>
      %dma_wait3A_126 = arith.constant 0 : i32
      %dma_wait3A_127 = arith.constant 0 : i32
      %dma_wait3A_128 = tpu.memref_slice %arg3[%dma_wait3A_126, %dma_wait3A_127] : memref<1000000x64xf32, #tpu.memory_space<hbm>> -> memref<1000000x64xf32, #tpu.memory_space<hbm>>
      tpu.wait_indirect_dma semaphore(%arg7 : memref<!tpu.dma_semaphore, #tpu.memory_space<semaphore_mem>>) src(%dma_wait3A_128 : memref<1000000x64xf32, #tpu.memory_space<hbm>>) dst(%dma_wait3A_122 : memref<128x64xf32, #tpu.memory_space<vmem>>)
      %dma_wait3A_129 = arith.constant 2 : i32
      %dma_wait3A_130 = arith.constant 256 : i32
      %dma_wait3A_131 = arith.constant 0 : i32
      %dma_wait3A_132 = tpu.memref_slice %arg6[%dma_wait3A_130, %dma_wait3A_131] : memref<1024x64xf32, #tpu.memory_space<vmem>> -> memref<128x64xf32, #tpu.memory_space<vmem>>
      %dma_wait3A_133 = arith.constant 0 : i32
      %dma_wait3A_134 = tpu.memref_slice %arg5[%dma_wait3A_129, %dma_wait3A_133] : memref<8x128xi32, #tpu.memory_space<vmem>> -> memref<1x128xi32, #tpu.memory_space<vmem>>
      %dma_wait3A_135 = tpu.memref_squeeze %dma_wait3A_134 : memref<1x128xi32, #tpu.memory_space<vmem>> -> memref<128xi32, #tpu.memory_space<vmem>>
      %dma_wait3A_136 = arith.constant 0 : i32
      %dma_wait3A_137 = arith.constant 0 : i32
      %dma_wait3A_138 = tpu.memref_slice %arg3[%dma_wait3A_136, %dma_wait3A_137] : memref<1000000x64xf32, #tpu.memory_space<hbm>> -> memref<1000000x64xf32, #tpu.memory_space<hbm>>
      tpu.wait_indirect_dma semaphore(%arg7 : memref<!tpu.dma_semaphore, #tpu.memory_space<semaphore_mem>>) src(%dma_wait3A_138 : memref<1000000x64xf32, #tpu.memory_space<hbm>>) dst(%dma_wait3A_132 : memref<128x64xf32, #tpu.memory_space<vmem>>)
      %dma_wait3A_139 = arith.constant 3 : i32
      %dma_wait3A_140 = arith.constant 384 : i32
      %dma_wait3A_141 = arith.constant 0 : i32
      %dma_wait3A_142 = tpu.memref_slice %arg6[%dma_wait3A_140, %dma_wait3A_141] : memref<1024x64xf32, #tpu.memory_space<vmem>> -> memref<128x64xf32, #tpu.memory_space<vmem>>
      %dma_wait3A_143 = arith.constant 0 : i32
      %dma_wait3A_144 = tpu.memref_slice %arg5[%dma_wait3A_139, %dma_wait3A_143] : memref<8x128xi32, #tpu.memory_space<vmem>> -> memref<1x128xi32, #tpu.memory_space<vmem>>
      %dma_wait3A_145 = tpu.memref_squeeze %dma_wait3A_144 : memref<1x128xi32, #tpu.memory_space<vmem>> -> memref<128xi32, #tpu.memory_space<vmem>>
      %dma_wait3A_146 = arith.constant 0 : i32
      %dma_wait3A_147 = arith.constant 0 : i32
      %dma_wait3A_148 = tpu.memref_slice %arg3[%dma_wait3A_146, %dma_wait3A_147] : memref<1000000x64xf32, #tpu.memory_space<hbm>> -> memref<1000000x64xf32, #tpu.memory_space<hbm>>
      tpu.wait_indirect_dma semaphore(%arg7 : memref<!tpu.dma_semaphore, #tpu.memory_space<semaphore_mem>>) src(%dma_wait3A_148 : memref<1000000x64xf32, #tpu.memory_space<hbm>>) dst(%dma_wait3A_142 : memref<128x64xf32, #tpu.memory_space<vmem>>)
      %dma_wait3A_149 = arith.constant 4 : i32
      %dma_wait3A_150 = arith.constant 512 : i32
      %dma_wait3A_151 = arith.constant 0 : i32
      %dma_wait3A_152 = tpu.memref_slice %arg6[%dma_wait3A_150, %dma_wait3A_151] : memref<1024x64xf32, #tpu.memory_space<vmem>> -> memref<128x64xf32, #tpu.memory_space<vmem>>
      %dma_wait3A_153 = arith.constant 0 : i32
      %dma_wait3A_154 = tpu.memref_slice %arg5[%dma_wait3A_149, %dma_wait3A_153] : memref<8x128xi32, #tpu.memory_space<vmem>> -> memref<1x128xi32, #tpu.memory_space<vmem>>
      %dma_wait3A_155 = tpu.memref_squeeze %dma_wait3A_154 : memref<1x128xi32, #tpu.memory_space<vmem>> -> memref<128xi32, #tpu.memory_space<vmem>>
      %dma_wait3A_156 = arith.constant 0 : i32
      %dma_wait3A_157 = arith.constant 0 : i32
      %dma_wait3A_158 = tpu.memref_slice %arg3[%dma_wait3A_156, %dma_wait3A_157] : memref<1000000x64xf32, #tpu.memory_space<hbm>> -> memref<1000000x64xf32, #tpu.memory_space<hbm>>
      tpu.wait_indirect_dma semaphore(%arg7 : memref<!tpu.dma_semaphore, #tpu.memory_space<semaphore_mem>>) src(%dma_wait3A_158 : memref<1000000x64xf32, #tpu.memory_space<hbm>>) dst(%dma_wait3A_152 : memref<128x64xf32, #tpu.memory_space<vmem>>)
      %dma_wait3A_159 = arith.constant 5 : i32
      %dma_wait3A_160 = arith.constant 640 : i32
      %dma_wait3A_161 = arith.constant 0 : i32
      %dma_wait3A_162 = tpu.memref_slice %arg6[%dma_wait3A_160, %dma_wait3A_161] : memref<1024x64xf32, #tpu.memory_space<vmem>> -> memref<128x64xf32, #tpu.memory_space<vmem>>
      %dma_wait3A_163 = arith.constant 0 : i32
      %dma_wait3A_164 = tpu.memref_slice %arg5[%dma_wait3A_159, %dma_wait3A_163] : memref<8x128xi32, #tpu.memory_space<vmem>> -> memref<1x128xi32, #tpu.memory_space<vmem>>
      %dma_wait3A_165 = tpu.memref_squeeze %dma_wait3A_164 : memref<1x128xi32, #tpu.memory_space<vmem>> -> memref<128xi32, #tpu.memory_space<vmem>>
      %dma_wait3A_166 = arith.constant 0 : i32
      %dma_wait3A_167 = arith.constant 0 : i32
      %dma_wait3A_168 = tpu.memref_slice %arg3[%dma_wait3A_166, %dma_wait3A_167] : memref<1000000x64xf32, #tpu.memory_space<hbm>> -> memref<1000000x64xf32, #tpu.memory_space<hbm>>
      tpu.wait_indirect_dma semaphore(%arg7 : memref<!tpu.dma_semaphore, #tpu.memory_space<semaphore_mem>>) src(%dma_wait3A_168 : memref<1000000x64xf32, #tpu.memory_space<hbm>>) dst(%dma_wait3A_162 : memref<128x64xf32, #tpu.memory_space<vmem>>)
      %dma_wait3A_169 = arith.constant 6 : i32
      %dma_wait3A_170 = arith.constant 768 : i32
      %dma_wait3A_171 = arith.constant 0 : i32
      %dma_wait3A_172 = tpu.memref_slice %arg6[%dma_wait3A_170, %dma_wait3A_171] : memref<1024x64xf32, #tpu.memory_space<vmem>> -> memref<128x64xf32, #tpu.memory_space<vmem>>
      %dma_wait3A_173 = arith.constant 0 : i32
      %dma_wait3A_174 = tpu.memref_slice %arg5[%dma_wait3A_169, %dma_wait3A_173] : memref<8x128xi32, #tpu.memory_space<vmem>> -> memref<1x128xi32, #tpu.memory_space<vmem>>
      %dma_wait3A_175 = tpu.memref_squeeze %dma_wait3A_174 : memref<1x128xi32, #tpu.memory_space<vmem>> -> memref<128xi32, #tpu.memory_space<vmem>>
      %dma_wait3A_176 = arith.constant 0 : i32
      %dma_wait3A_177 = arith.constant 0 : i32
      %dma_wait3A_178 = tpu.memref_slice %arg3[%dma_wait3A_176, %dma_wait3A_177] : memref<1000000x64xf32, #tpu.memory_space<hbm>> -> memref<1000000x64xf32, #tpu.memory_space<hbm>>
      tpu.wait_indirect_dma semaphore(%arg7 : memref<!tpu.dma_semaphore, #tpu.memory_space<semaphore_mem>>) src(%dma_wait3A_178 : memref<1000000x64xf32, #tpu.memory_space<hbm>>) dst(%dma_wait3A_172 : memref<128x64xf32, #tpu.memory_space<vmem>>)
      %dma_wait3A_179 = arith.constant 7 : i32
      %dma_wait3A_180 = arith.constant 896 : i32
      %dma_wait3A_181 = arith.constant 0 : i32
      %dma_wait3A_182 = tpu.memref_slice %arg6[%dma_wait3A_180, %dma_wait3A_181] : memref<1024x64xf32, #tpu.memory_space<vmem>> -> memref<128x64xf32, #tpu.memory_space<vmem>>
      %dma_wait3A_183 = arith.constant 0 : i32
      %dma_wait3A_184 = tpu.memref_slice %arg5[%dma_wait3A_179, %dma_wait3A_183] : memref<8x128xi32, #tpu.memory_space<vmem>> -> memref<1x128xi32, #tpu.memory_space<vmem>>
      %dma_wait3A_185 = tpu.memref_squeeze %dma_wait3A_184 : memref<1x128xi32, #tpu.memory_space<vmem>> -> memref<128xi32, #tpu.memory_space<vmem>>
      %dma_wait3A_186 = arith.constant 0 : i32
      %dma_wait3A_187 = arith.constant 0 : i32
      %dma_wait3A_188 = tpu.memref_slice %arg3[%dma_wait3A_186, %dma_wait3A_187] : memref<1000000x64xf32, #tpu.memory_space<hbm>> -> memref<1000000x64xf32, #tpu.memory_space<hbm>>
      tpu.wait_indirect_dma semaphore(%arg7 : memref<!tpu.dma_semaphore, #tpu.memory_space<semaphore_mem>>) src(%dma_wait3A_188 : memref<1000000x64xf32, #tpu.memory_space<hbm>>) dst(%dma_wait3A_182 : memref<128x64xf32, #tpu.memory_space<vmem>>)
      "tpu.region"() ({
        %run_scoped3A_189 = tpu.sem_alloc : memref<!tpu.dma_semaphore, #tpu.memory_space<semaphore_mem>>
        %dma_start3A_190 = arith.constant 0 : i32
        %dma_start3A_191 = arith.constant 0 : i32
        %dma_start3A_192 = tpu.memref_slice %arg4[%add3A_27, %dma_start3A_190, %dma_start3A_191] : memref<200x1024x64xf32, #tpu.memory_space<hbm>> -> memref<1x1024x64xf32, #tpu.memory_space<hbm>>
        %dma_start3A_193 = tpu.memref_squeeze %dma_start3A_192 : memref<1x1024x64xf32, #tpu.memory_space<hbm>> -> memref<1024x64xf32, #tpu.memory_space<hbm>>
        %dma_start3A_194 = arith.constant 0 : i32
        %dma_start3A_195 = arith.constant 0 : i32
        %dma_start3A_196 = tpu.memref_slice %arg4[%add3A_27, %dma_start3A_194, %dma_start3A_195] : memref<200x1024x64xf32, #tpu.memory_space<hbm>> -> memref<1x1024x64xf32, #tpu.memory_space<hbm>>
        %dma_start3A_197 = tpu.memref_squeeze %dma_start3A_196 : memref<1x1024x64xf32, #tpu.memory_space<hbm>> -> memref<1024x64xf32, #tpu.memory_space<hbm>>
        tpu.enqueue_dma source(%arg6 : memref<1024x64xf32, #tpu.memory_space<vmem>>) target(%dma_start3A_197 : memref<1024x64xf32, #tpu.memory_space<hbm>>) target_semaphore(%run_scoped3A_189 : memref<!tpu.dma_semaphore, #tpu.memory_space<semaphore_mem>>)
        %dma_wait3A_198 = arith.constant 0 : i32
        %dma_wait3A_199 = arith.constant 0 : i32
        %dma_wait3A_200 = tpu.memref_slice %arg4[%add3A_27, %dma_wait3A_198, %dma_wait3A_199] : memref<200x1024x64xf32, #tpu.memory_space<hbm>> -> memref<1x1024x64xf32, #tpu.memory_space<hbm>>
        %dma_wait3A_201 = tpu.memref_squeeze %dma_wait3A_200 : memref<1x1024x64xf32, #tpu.memory_space<hbm>> -> memref<1024x64xf32, #tpu.memory_space<hbm>>
        %dma_wait3A_202 = arith.constant 0 : i32
        %dma_wait3A_203 = arith.constant 0 : i32
        %dma_wait3A_204 = tpu.memref_slice %arg4[%add3A_27, %dma_wait3A_202, %dma_wait3A_203] : memref<200x1024x64xf32, #tpu.memory_space<hbm>> -> memref<1x1024x64xf32, #tpu.memory_space<hbm>>
        %dma_wait3A_205 = tpu.memref_squeeze %dma_wait3A_204 : memref<1x1024x64xf32, #tpu.memory_space<hbm>> -> memref<1024x64xf32, #tpu.memory_space<hbm>>
        tpu.wait_dma2 semaphore(%run_scoped3A_189 : memref<!tpu.dma_semaphore, #tpu.memory_space<semaphore_mem>>) src(%arg6 : memref<1024x64xf32, #tpu.memory_space<vmem>>) dst(%dma_wait3A_205 : memref<1024x64xf32, #tpu.memory_space<hbm>>)
        tpu.yield
      }) : () -> ()
    }
    %while3A_21 = arith.constant 1 : i32
    scf.for %while3A_22 = %while3A_19 to %while3A_15 step %while3A_21  : i32 {
      %add3A_23 = arith.constant 1 : i32
      %add3A_24 = arith.addi %add3A_23, %add3A : i32
      %mul3A_25 = arith.constant 32 : i32
      %mul3A_26 = arith.muli %while3A_22, %mul3A_25 : i32
      %add3A_27 = arith.addi %add3A_24, %mul3A_26 : i32
      %sub3A = arith.constant 1 : i32
      %sub3A_28 = arith.subi %add3A_27, %sub3A : i32
      %mul3A_29 = arith.constant 8 : i32
      %mul3A_30 = arith.muli %sub3A_28, %mul3A_29 : i32
      "tpu.region"() ({
        %run_scoped3A_189 = tpu.sem_alloc : memref<!tpu.dma_semaphore, #tpu.memory_space<semaphore_mem>>
        %dma_start3A_190 = arith.constant 0 : i32
        %dma_start3A_191 = tpu.memref_slice %arg2[%mul3A_30, %dma_start3A_190] : memref<1600x128xi32, #tpu.memory_space<hbm>> -> memref<8x128xi32, #tpu.memory_space<hbm>>
        %dma_start3A_192 = arith.constant 0 : i32
        %dma_start3A_193 = tpu.memref_slice %arg2[%mul3A_30, %dma_start3A_192] : memref<1600x128xi32, #tpu.memory_space<hbm>> -> memref<8x128xi32, #tpu.memory_space<hbm>>
        tpu.enqueue_dma source(%dma_start3A_193 : memref<8x128xi32, #tpu.memory_space<hbm>>) target(%arg5 : memref<8x128xi32, #tpu.memory_space<vmem>>) target_semaphore(%run_scoped3A_189 : memref<!tpu.dma_semaphore, #tpu.memory_space<semaphore_mem>>)
        %dma_wait3A_194 = arith.constant 0 : i32
        %dma_wait3A_195 = tpu.memref_slice %arg2[%mul3A_30, %dma_wait3A_194] : memref<1600x128xi32, #tpu.memory_space<hbm>> -> memref<8x128xi32, #tpu.memory_space<hbm>>
        %dma_wait3A_196 = arith.constant 0 : i32
        %dma_wait3A_197 = tpu.memref_slice %arg2[%mul3A_30, %dma_wait3A_196] : memref<1600x128xi32, #tpu.memory_space<hbm>> -> memref<8x128xi32, #tpu.memory_space<hbm>>
        tpu.wait_dma2 semaphore(%run_scoped3A_189 : memref<!tpu.dma_semaphore, #tpu.memory_space<semaphore_mem>>) src(%dma_wait3A_197 : memref<8x128xi32, #tpu.memory_space<hbm>>) dst(%arg5 : memref<8x128xi32, #tpu.memory_space<vmem>>)
        tpu.yield
      }) : () -> ()
      %dma_start3A = arith.constant 0 : i32
      %dma_start3A_31 = arith.constant 0 : i32
      %dma_start3A_32 = arith.constant 0 : i32
      %dma_start3A_33 = tpu.memref_slice %arg6[%dma_start3A_31, %dma_start3A_32] : memref<1024x64xf32, #tpu.memory_space<vmem>> -> memref<128x64xf32, #tpu.memory_space<vmem>>
      %dma_start3A_34 = arith.constant 0 : i32
      %dma_start3A_35 = tpu.memref_slice %arg5[%dma_start3A, %dma_start3A_34] : memref<8x128xi32, #tpu.memory_space<vmem>> -> memref<1x128xi32, #tpu.memory_space<vmem>>
      %dma_start3A_36 = tpu.memref_squeeze %dma_start3A_35 : memref<1x128xi32, #tpu.memory_space<vmem>> -> memref<128xi32, #tpu.memory_space<vmem>>
      %dma_start3A_37 = arith.constant 0 : i32
      %dma_start3A_38 = arith.constant 0 : i32
      %dma_start3A_39 = tpu.memref_slice %arg3[%dma_start3A_37, %dma_start3A_38] : memref<1000000x64xf32, #tpu.memory_space<hbm>> -> memref<1000000x64xf32, #tpu.memory_space<hbm>>
      tpu.enqueue_indirect_dma source(%dma_start3A_39 : memref<1000000x64xf32, #tpu.memory_space<hbm>>) target(%dma_start3A_33 : memref<128x64xf32, #tpu.memory_space<vmem>>) offsets(%dma_start3A_36 : memref<128xi32, #tpu.memory_space<vmem>>) semaphore(%arg7 : memref<!tpu.dma_semaphore, #tpu.memory_space<semaphore_mem>>)
      %dma_start3A_40 = arith.constant 1 : i32
      %dma_start3A_41 = arith.constant 128 : i32
      %dma_start3A_42 = arith.constant 0 : i32
      %dma_start3A_43 = tpu.memref_slice %arg6[%dma_start3A_41, %dma_start3A_42] : memref<1024x64xf32, #tpu.memory_space<vmem>> -> memref<128x64xf32, #tpu.memory_space<vmem>>
      %dma_start3A_44 = arith.constant 0 : i32
      %dma_start3A_45 = tpu.memref_slice %arg5[%dma_start3A_40, %dma_start3A_44] : memref<8x128xi32, #tpu.memory_space<vmem>> -> memref<1x128xi32, #tpu.memory_space<vmem>>
      %dma_start3A_46 = tpu.memref_squeeze %dma_start3A_45 : memref<1x128xi32, #tpu.memory_space<vmem>> -> memref<128xi32, #tpu.memory_space<vmem>>
      %dma_start3A_47 = arith.constant 0 : i32
      %dma_start3A_48 = arith.constant 0 : i32
      %dma_start3A_49 = tpu.memref_slice %arg3[%dma_start3A_47, %dma_start3A_48] : memref<1000000x64xf32, #tpu.memory_space<hbm>> -> memref<1000000x64xf32, #tpu.memory_space<hbm>>
      tpu.enqueue_indirect_dma source(%dma_start3A_49 : memref<1000000x64xf32, #tpu.memory_space<hbm>>) target(%dma_start3A_43 : memref<128x64xf32, #tpu.memory_space<vmem>>) offsets(%dma_start3A_46 : memref<128xi32, #tpu.memory_space<vmem>>) semaphore(%arg7 : memref<!tpu.dma_semaphore, #tpu.memory_space<semaphore_mem>>)
      %dma_start3A_50 = arith.constant 2 : i32
      %dma_start3A_51 = arith.constant 256 : i32
      %dma_start3A_52 = arith.constant 0 : i32
      %dma_start3A_53 = tpu.memref_slice %arg6[%dma_start3A_51, %dma_start3A_52] : memref<1024x64xf32, #tpu.memory_space<vmem>> -> memref<128x64xf32, #tpu.memory_space<vmem>>
      %dma_start3A_54 = arith.constant 0 : i32
      %dma_start3A_55 = tpu.memref_slice %arg5[%dma_start3A_50, %dma_start3A_54] : memref<8x128xi32, #tpu.memory_space<vmem>> -> memref<1x128xi32, #tpu.memory_space<vmem>>
      %dma_start3A_56 = tpu.memref_squeeze %dma_start3A_55 : memref<1x128xi32, #tpu.memory_space<vmem>> -> memref<128xi32, #tpu.memory_space<vmem>>
      %dma_start3A_57 = arith.constant 0 : i32
      %dma_start3A_58 = arith.constant 0 : i32
      %dma_start3A_59 = tpu.memref_slice %arg3[%dma_start3A_57, %dma_start3A_58] : memref<1000000x64xf32, #tpu.memory_space<hbm>> -> memref<1000000x64xf32, #tpu.memory_space<hbm>>
      tpu.enqueue_indirect_dma source(%dma_start3A_59 : memref<1000000x64xf32, #tpu.memory_space<hbm>>) target(%dma_start3A_53 : memref<128x64xf32, #tpu.memory_space<vmem>>) offsets(%dma_start3A_56 : memref<128xi32, #tpu.memory_space<vmem>>) semaphore(%arg7 : memref<!tpu.dma_semaphore, #tpu.memory_space<semaphore_mem>>)
      %dma_start3A_60 = arith.constant 3 : i32
      %dma_start3A_61 = arith.constant 384 : i32
      %dma_start3A_62 = arith.constant 0 : i32
      %dma_start3A_63 = tpu.memref_slice %arg6[%dma_start3A_61, %dma_start3A_62] : memref<1024x64xf32, #tpu.memory_space<vmem>> -> memref<128x64xf32, #tpu.memory_space<vmem>>
      %dma_start3A_64 = arith.constant 0 : i32
      %dma_start3A_65 = tpu.memref_slice %arg5[%dma_start3A_60, %dma_start3A_64] : memref<8x128xi32, #tpu.memory_space<vmem>> -> memref<1x128xi32, #tpu.memory_space<vmem>>
      %dma_start3A_66 = tpu.memref_squeeze %dma_start3A_65 : memref<1x128xi32, #tpu.memory_space<vmem>> -> memref<128xi32, #tpu.memory_space<vmem>>
      %dma_start3A_67 = arith.constant 0 : i32
      %dma_start3A_68 = arith.constant 0 : i32
      %dma_start3A_69 = tpu.memref_slice %arg3[%dma_start3A_67, %dma_start3A_68] : memref<1000000x64xf32, #tpu.memory_space<hbm>> -> memref<1000000x64xf32, #tpu.memory_space<hbm>>
      tpu.enqueue_indirect_dma source(%dma_start3A_69 : memref<1000000x64xf32, #tpu.memory_space<hbm>>) target(%dma_start3A_63 : memref<128x64xf32, #tpu.memory_space<vmem>>) offsets(%dma_start3A_66 : memref<128xi32, #tpu.memory_space<vmem>>) semaphore(%arg7 : memref<!tpu.dma_semaphore, #tpu.memory_space<semaphore_mem>>)
      %dma_start3A_70 = arith.constant 4 : i32
      %dma_start3A_71 = arith.constant 512 : i32
      %dma_start3A_72 = arith.constant 0 : i32
      %dma_start3A_73 = tpu.memref_slice %arg6[%dma_start3A_71, %dma_start3A_72] : memref<1024x64xf32, #tpu.memory_space<vmem>> -> memref<128x64xf32, #tpu.memory_space<vmem>>
      %dma_start3A_74 = arith.constant 0 : i32
      %dma_start3A_75 = tpu.memref_slice %arg5[%dma_start3A_70, %dma_start3A_74] : memref<8x128xi32, #tpu.memory_space<vmem>> -> memref<1x128xi32, #tpu.memory_space<vmem>>
      %dma_start3A_76 = tpu.memref_squeeze %dma_start3A_75 : memref<1x128xi32, #tpu.memory_space<vmem>> -> memref<128xi32, #tpu.memory_space<vmem>>
      %dma_start3A_77 = arith.constant 0 : i32
      %dma_start3A_78 = arith.constant 0 : i32
      %dma_start3A_79 = tpu.memref_slice %arg3[%dma_start3A_77, %dma_start3A_78] : memref<1000000x64xf32, #tpu.memory_space<hbm>> -> memref<1000000x64xf32, #tpu.memory_space<hbm>>
      tpu.enqueue_indirect_dma source(%dma_start3A_79 : memref<1000000x64xf32, #tpu.memory_space<hbm>>) target(%dma_start3A_73 : memref<128x64xf32, #tpu.memory_space<vmem>>) offsets(%dma_start3A_76 : memref<128xi32, #tpu.memory_space<vmem>>) semaphore(%arg7 : memref<!tpu.dma_semaphore, #tpu.memory_space<semaphore_mem>>)
      %dma_start3A_80 = arith.constant 5 : i32
      %dma_start3A_81 = arith.constant 640 : i32
      %dma_start3A_82 = arith.constant 0 : i32
      %dma_start3A_83 = tpu.memref_slice %arg6[%dma_start3A_81, %dma_start3A_82] : memref<1024x64xf32, #tpu.memory_space<vmem>> -> memref<128x64xf32, #tpu.memory_space<vmem>>
      %dma_start3A_84 = arith.constant 0 : i32
      %dma_start3A_85 = tpu.memref_slice %arg5[%dma_start3A_80, %dma_start3A_84] : memref<8x128xi32, #tpu.memory_space<vmem>> -> memref<1x128xi32, #tpu.memory_space<vmem>>
      %dma_start3A_86 = tpu.memref_squeeze %dma_start3A_85 : memref<1x128xi32, #tpu.memory_space<vmem>> -> memref<128xi32, #tpu.memory_space<vmem>>
      %dma_start3A_87 = arith.constant 0 : i32
      %dma_start3A_88 = arith.constant 0 : i32
      %dma_start3A_89 = tpu.memref_slice %arg3[%dma_start3A_87, %dma_start3A_88] : memref<1000000x64xf32, #tpu.memory_space<hbm>> -> memref<1000000x64xf32, #tpu.memory_space<hbm>>
      tpu.enqueue_indirect_dma source(%dma_start3A_89 : memref<1000000x64xf32, #tpu.memory_space<hbm>>) target(%dma_start3A_83 : memref<128x64xf32, #tpu.memory_space<vmem>>) offsets(%dma_start3A_86 : memref<128xi32, #tpu.memory_space<vmem>>) semaphore(%arg7 : memref<!tpu.dma_semaphore, #tpu.memory_space<semaphore_mem>>)
      %dma_start3A_90 = arith.constant 6 : i32
      %dma_start3A_91 = arith.constant 768 : i32
      %dma_start3A_92 = arith.constant 0 : i32
      %dma_start3A_93 = tpu.memref_slice %arg6[%dma_start3A_91, %dma_start3A_92] : memref<1024x64xf32, #tpu.memory_space<vmem>> -> memref<128x64xf32, #tpu.memory_space<vmem>>
      %dma_start3A_94 = arith.constant 0 : i32
      %dma_start3A_95 = tpu.memref_slice %arg5[%dma_start3A_90, %dma_start3A_94] : memref<8x128xi32, #tpu.memory_space<vmem>> -> memref<1x128xi32, #tpu.memory_space<vmem>>
      %dma_start3A_96 = tpu.memref_squeeze %dma_start3A_95 : memref<1x128xi32, #tpu.memory_space<vmem>> -> memref<128xi32, #tpu.memory_space<vmem>>
      %dma_start3A_97 = arith.constant 0 : i32
      %dma_start3A_98 = arith.constant 0 : i32
      %dma_start3A_99 = tpu.memref_slice %arg3[%dma_start3A_97, %dma_start3A_98] : memref<1000000x64xf32, #tpu.memory_space<hbm>> -> memref<1000000x64xf32, #tpu.memory_space<hbm>>
      tpu.enqueue_indirect_dma source(%dma_start3A_99 : memref<1000000x64xf32, #tpu.memory_space<hbm>>) target(%dma_start3A_93 : memref<128x64xf32, #tpu.memory_space<vmem>>) offsets(%dma_start3A_96 : memref<128xi32, #tpu.memory_space<vmem>>) semaphore(%arg7 : memref<!tpu.dma_semaphore, #tpu.memory_space<semaphore_mem>>)
      %dma_start3A_100 = arith.constant 7 : i32
      %dma_start3A_101 = arith.constant 896 : i32
      %dma_start3A_102 = arith.constant 0 : i32
      %dma_start3A_103 = tpu.memref_slice %arg6[%dma_start3A_101, %dma_start3A_102] : memref<1024x64xf32, #tpu.memory_space<vmem>> -> memref<128x64xf32, #tpu.memory_space<vmem>>
      %dma_start3A_104 = arith.constant 0 : i32
      %dma_start3A_105 = tpu.memref_slice %arg5[%dma_start3A_100, %dma_start3A_104] : memref<8x128xi32, #tpu.memory_space<vmem>> -> memref<1x128xi32, #tpu.memory_space<vmem>>
      %dma_start3A_106 = tpu.memref_squeeze %dma_start3A_105 : memref<1x128xi32, #tpu.memory_space<vmem>> -> memref<128xi32, #tpu.memory_space<vmem>>
      %dma_start3A_107 = arith.constant 0 : i32
      %dma_start3A_108 = arith.constant 0 : i32
      %dma_start3A_109 = tpu.memref_slice %arg3[%dma_start3A_107, %dma_start3A_108] : memref<1000000x64xf32, #tpu.memory_space<hbm>> -> memref<1000000x64xf32, #tpu.memory_space<hbm>>
      tpu.enqueue_indirect_dma source(%dma_start3A_109 : memref<1000000x64xf32, #tpu.memory_space<hbm>>) target(%dma_start3A_103 : memref<128x64xf32, #tpu.memory_space<vmem>>) offsets(%dma_start3A_106 : memref<128xi32, #tpu.memory_space<vmem>>) semaphore(%arg7 : memref<!tpu.dma_semaphore, #tpu.memory_space<semaphore_mem>>)
      %dma_wait3A = arith.constant 0 : i32
      %dma_wait3A_110 = arith.constant 0 : i32
      %dma_wait3A_111 = arith.constant 0 : i32
      %dma_wait3A_112 = tpu.memref_slice %arg6[%dma_wait3A_110, %dma_wait3A_111] : memref<1024x64xf32, #tpu.memory_space<vmem>> -> memref<128x64xf32, #tpu.memory_space<vmem>>
      %dma_wait3A_113 = arith.constant 0 : i32
      %dma_wait3A_114 = tpu.memref_slice %arg5[%dma_wait3A, %dma_wait3A_113] : memref<8x128xi32, #tpu.memory_space<vmem>> -> memref<1x128xi32, #tpu.memory_space<vmem>>
      %dma_wait3A_115 = tpu.memref_squeeze %dma_wait3A_114 : memref<1x128xi32, #tpu.memory_space<vmem>> -> memref<128xi32, #tpu.memory_space<vmem>>
      %dma_wait3A_116 = arith.constant 0 : i32
      %dma_wait3A_117 = arith.constant 0 : i32
      %dma_wait3A_118 = tpu.memref_slice %arg3[%dma_wait3A_116, %dma_wait3A_117] : memref<1000000x64xf32, #tpu.memory_space<hbm>> -> memref<1000000x64xf32, #tpu.memory_space<hbm>>
      tpu.wait_indirect_dma semaphore(%arg7 : memref<!tpu.dma_semaphore, #tpu.memory_space<semaphore_mem>>) src(%dma_wait3A_118 : memref<1000000x64xf32, #tpu.memory_space<hbm>>) dst(%dma_wait3A_112 : memref<128x64xf32, #tpu.memory_space<vmem>>)
      %dma_wait3A_119 = arith.constant 1 : i32
      %dma_wait3A_120 = arith.constant 128 : i32
      %dma_wait3A_121 = arith.constant 0 : i32
      %dma_wait3A_122 = tpu.memref_slice %arg6[%dma_wait3A_120, %dma_wait3A_121] : memref<1024x64xf32, #tpu.memory_space<vmem>> -> memref<128x64xf32, #tpu.memory_space<vmem>>
      %dma_wait3A_123 = arith.constant 0 : i32
      %dma_wait3A_124 = tpu.memref_slice %arg5[%dma_wait3A_119, %dma_wait3A_123] : memref<8x128xi32, #tpu.memory_space<vmem>> -> memref<1x128xi32, #tpu.memory_space<vmem>>
      %dma_wait3A_125 = tpu.memref_squeeze %dma_wait3A_124 : memref<1x128xi32, #tpu.memory_space<vmem>> -> memref<128xi32, #tpu.memory_space<vmem>>
      %dma_wait3A_126 = arith.constant 0 : i32
      %dma_wait3A_127 = arith.constant 0 : i32
      %dma_wait3A_128 = tpu.memref_slice %arg3[%dma_wait3A_126, %dma_wait3A_127] : memref<1000000x64xf32, #tpu.memory_space<hbm>> -> memref<1000000x64xf32, #tpu.memory_space<hbm>>
      tpu.wait_indirect_dma semaphore(%arg7 : memref<!tpu.dma_semaphore, #tpu.memory_space<semaphore_mem>>) src(%dma_wait3A_128 : memref<1000000x64xf32, #tpu.memory_space<hbm>>) dst(%dma_wait3A_122 : memref<128x64xf32, #tpu.memory_space<vmem>>)
      %dma_wait3A_129 = arith.constant 2 : i32
      %dma_wait3A_130 = arith.constant 256 : i32
      %dma_wait3A_131 = arith.constant 0 : i32
      %dma_wait3A_132 = tpu.memref_slice %arg6[%dma_wait3A_130, %dma_wait3A_131] : memref<1024x64xf32, #tpu.memory_space<vmem>> -> memref<128x64xf32, #tpu.memory_space<vmem>>
      %dma_wait3A_133 = arith.constant 0 : i32
      %dma_wait3A_134 = tpu.memref_slice %arg5[%dma_wait3A_129, %dma_wait3A_133] : memref<8x128xi32, #tpu.memory_space<vmem>> -> memref<1x128xi32, #tpu.memory_space<vmem>>
      %dma_wait3A_135 = tpu.memref_squeeze %dma_wait3A_134 : memref<1x128xi32, #tpu.memory_space<vmem>> -> memref<128xi32, #tpu.memory_space<vmem>>
      %dma_wait3A_136 = arith.constant 0 : i32
      %dma_wait3A_137 = arith.constant 0 : i32
      %dma_wait3A_138 = tpu.memref_slice %arg3[%dma_wait3A_136, %dma_wait3A_137] : memref<1000000x64xf32, #tpu.memory_space<hbm>> -> memref<1000000x64xf32, #tpu.memory_space<hbm>>
      tpu.wait_indirect_dma semaphore(%arg7 : memref<!tpu.dma_semaphore, #tpu.memory_space<semaphore_mem>>) src(%dma_wait3A_138 : memref<1000000x64xf32, #tpu.memory_space<hbm>>) dst(%dma_wait3A_132 : memref<128x64xf32, #tpu.memory_space<vmem>>)
      %dma_wait3A_139 = arith.constant 3 : i32
      %dma_wait3A_140 = arith.constant 384 : i32
      %dma_wait3A_141 = arith.constant 0 : i32
      %dma_wait3A_142 = tpu.memref_slice %arg6[%dma_wait3A_140, %dma_wait3A_141] : memref<1024x64xf32, #tpu.memory_space<vmem>> -> memref<128x64xf32, #tpu.memory_space<vmem>>
      %dma_wait3A_143 = arith.constant 0 : i32
      %dma_wait3A_144 = tpu.memref_slice %arg5[%dma_wait3A_139, %dma_wait3A_143] : memref<8x128xi32, #tpu.memory_space<vmem>> -> memref<1x128xi32, #tpu.memory_space<vmem>>
      %dma_wait3A_145 = tpu.memref_squeeze %dma_wait3A_144 : memref<1x128xi32, #tpu.memory_space<vmem>> -> memref<128xi32, #tpu.memory_space<vmem>>
      %dma_wait3A_146 = arith.constant 0 : i32
      %dma_wait3A_147 = arith.constant 0 : i32
      %dma_wait3A_148 = tpu.memref_slice %arg3[%dma_wait3A_146, %dma_wait3A_147] : memref<1000000x64xf32, #tpu.memory_space<hbm>> -> memref<1000000x64xf32, #tpu.memory_space<hbm>>
      tpu.wait_indirect_dma semaphore(%arg7 : memref<!tpu.dma_semaphore, #tpu.memory_space<semaphore_mem>>) src(%dma_wait3A_148 : memref<1000000x64xf32, #tpu.memory_space<hbm>>) dst(%dma_wait3A_142 : memref<128x64xf32, #tpu.memory_space<vmem>>)
      %dma_wait3A_149 = arith.constant 4 : i32
      %dma_wait3A_150 = arith.constant 512 : i32
      %dma_wait3A_151 = arith.constant 0 : i32
      %dma_wait3A_152 = tpu.memref_slice %arg6[%dma_wait3A_150, %dma_wait3A_151] : memref<1024x64xf32, #tpu.memory_space<vmem>> -> memref<128x64xf32, #tpu.memory_space<vmem>>
      %dma_wait3A_153 = arith.constant 0 : i32
      %dma_wait3A_154 = tpu.memref_slice %arg5[%dma_wait3A_149, %dma_wait3A_153] : memref<8x128xi32, #tpu.memory_space<vmem>> -> memref<1x128xi32, #tpu.memory_space<vmem>>
      %dma_wait3A_155 = tpu.memref_squeeze %dma_wait3A_154 : memref<1x128xi32, #tpu.memory_space<vmem>> -> memref<128xi32, #tpu.memory_space<vmem>>
      %dma_wait3A_156 = arith.constant 0 : i32
      %dma_wait3A_157 = arith.constant 0 : i32
      %dma_wait3A_158 = tpu.memref_slice %arg3[%dma_wait3A_156, %dma_wait3A_157] : memref<1000000x64xf32, #tpu.memory_space<hbm>> -> memref<1000000x64xf32, #tpu.memory_space<hbm>>
      tpu.wait_indirect_dma semaphore(%arg7 : memref<!tpu.dma_semaphore, #tpu.memory_space<semaphore_mem>>) src(%dma_wait3A_158 : memref<1000000x64xf32, #tpu.memory_space<hbm>>) dst(%dma_wait3A_152 : memref<128x64xf32, #tpu.memory_space<vmem>>)
      %dma_wait3A_159 = arith.constant 5 : i32
      %dma_wait3A_160 = arith.constant 640 : i32
      %dma_wait3A_161 = arith.constant 0 : i32
      %dma_wait3A_162 = tpu.memref_slice %arg6[%dma_wait3A_160, %dma_wait3A_161] : memref<1024x64xf32, #tpu.memory_space<vmem>> -> memref<128x64xf32, #tpu.memory_space<vmem>>
      %dma_wait3A_163 = arith.constant 0 : i32
      %dma_wait3A_164 = tpu.memref_slice %arg5[%dma_wait3A_159, %dma_wait3A_163] : memref<8x128xi32, #tpu.memory_space<vmem>> -> memref<1x128xi32, #tpu.memory_space<vmem>>
      %dma_wait3A_165 = tpu.memref_squeeze %dma_wait3A_164 : memref<1x128xi32, #tpu.memory_space<vmem>> -> memref<128xi32, #tpu.memory_space<vmem>>
      %dma_wait3A_166 = arith.constant 0 : i32
      %dma_wait3A_167 = arith.constant 0 : i32
      %dma_wait3A_168 = tpu.memref_slice %arg3[%dma_wait3A_166, %dma_wait3A_167] : memref<1000000x64xf32, #tpu.memory_space<hbm>> -> memref<1000000x64xf32, #tpu.memory_space<hbm>>
      tpu.wait_indirect_dma semaphore(%arg7 : memref<!tpu.dma_semaphore, #tpu.memory_space<semaphore_mem>>) src(%dma_wait3A_168 : memref<1000000x64xf32, #tpu.memory_space<hbm>>) dst(%dma_wait3A_162 : memref<128x64xf32, #tpu.memory_space<vmem>>)
      %dma_wait3A_169 = arith.constant 6 : i32
      %dma_wait3A_170 = arith.constant 768 : i32
      %dma_wait3A_171 = arith.constant 0 : i32
      %dma_wait3A_172 = tpu.memref_slice %arg6[%dma_wait3A_170, %dma_wait3A_171] : memref<1024x64xf32, #tpu.memory_space<vmem>> -> memref<128x64xf32, #tpu.memory_space<vmem>>
      %dma_wait3A_173 = arith.constant 0 : i32
      %dma_wait3A_174 = tpu.memref_slice %arg5[%dma_wait3A_169, %dma_wait3A_173] : memref<8x128xi32, #tpu.memory_space<vmem>> -> memref<1x128xi32, #tpu.memory_space<vmem>>
      %dma_wait3A_175 = tpu.memref_squeeze %dma_wait3A_174 : memref<1x128xi32, #tpu.memory_space<vmem>> -> memref<128xi32, #tpu.memory_space<vmem>>
      %dma_wait3A_176 = arith.constant 0 : i32
      %dma_wait3A_177 = arith.constant 0 : i32
      %dma_wait3A_178 = tpu.memref_slice %arg3[%dma_wait3A_176, %dma_wait3A_177] : memref<1000000x64xf32, #tpu.memory_space<hbm>> -> memref<1000000x64xf32, #tpu.memory_space<hbm>>
      tpu.wait_indirect_dma semaphore(%arg7 : memref<!tpu.dma_semaphore, #tpu.memory_space<semaphore_mem>>) src(%dma_wait3A_178 : memref<1000000x64xf32, #tpu.memory_space<hbm>>) dst(%dma_wait3A_172 : memref<128x64xf32, #tpu.memory_space<vmem>>)
      %dma_wait3A_179 = arith.constant 7 : i32
      %dma_wait3A_180 = arith.constant 896 : i32
      %dma_wait3A_181 = arith.constant 0 : i32
      %dma_wait3A_182 = tpu.memref_slice %arg6[%dma_wait3A_180, %dma_wait3A_181] : memref<1024x64xf32, #tpu.memory_space<vmem>> -> memref<128x64xf32, #tpu.memory_space<vmem>>
      %dma_wait3A_183 = arith.constant 0 : i32
      %dma_wait3A_184 = tpu.memref_slice %arg5[%dma_wait3A_179, %dma_wait3A_183] : memref<8x128xi32, #tpu.memory_space<vmem>> -> memref<1x128xi32, #tpu.memory_space<vmem>>
      %dma_wait3A_185 = tpu.memref_squeeze %dma_wait3A_184 : memref<1x128xi32, #tpu.memory_space<vmem>> -> memref<128xi32, #tpu.memory_space<vmem>>
      %dma_wait3A_186 = arith.constant 0 : i32
      %dma_wait3A_187 = arith.constant 0 : i32
      %dma_wait3A_188 = tpu.memref_slice %arg3[%dma_wait3A_186, %dma_wait3A_187] : memref<1000000x64xf32, #tpu.memory_space<hbm>> -> memref<1000000x64xf32, #tpu.memory_space<hbm>>
      tpu.wait_indirect_dma semaphore(%arg7 : memref<!tpu.dma_semaphore, #tpu.memory_space<semaphore_mem>>) src(%dma_wait3A_188 : memref<1000000x64xf32, #tpu.memory_space<hbm>>) dst(%dma_wait3A_182 : memref<128x64xf32, #tpu.memory_space<vmem>>)
      "tpu.region"() ({
        %run_scoped3A_189 = tpu.sem_alloc : memref<!tpu.dma_semaphore, #tpu.memory_space<semaphore_mem>>
        %dma_start3A_190 = arith.constant 0 : i32
        %dma_start3A_191 = arith.constant 0 : i32
        %dma_start3A_192 = tpu.memref_slice %arg4[%add3A_27, %dma_start3A_190, %dma_start3A_191] : memref<200x1024x64xf32, #tpu.memory_space<hbm>> -> memref<1x1024x64xf32, #tpu.memory_space<hbm>>
        %dma_start3A_193 = tpu.memref_squeeze %dma_start3A_192 : memref<1x1024x64xf32, #tpu.memory_space<hbm>> -> memref<1024x64xf32, #tpu.memory_space<hbm>>
        %dma_start3A_194 = arith.constant 0 : i32
        %dma_start3A_195 = arith.constant 0 : i32
        %dma_start3A_196 = tpu.memref_slice %arg4[%add3A_27, %dma_start3A_194, %dma_start3A_195] : memref<200x1024x64xf32, #tpu.memory_space<hbm>> -> memref<1x1024x64xf32, #tpu.memory_space<hbm>>
        %dma_start3A_197 = tpu.memref_squeeze %dma_start3A_196 : memref<1x1024x64xf32, #tpu.memory_space<hbm>> -> memref<1024x64xf32, #tpu.memory_space<hbm>>
        tpu.enqueue_dma source(%arg6 : memref<1024x64xf32, #tpu.memory_space<vmem>>) target(%dma_start3A_197 : memref<1024x64xf32, #tpu.memory_space<hbm>>) target_semaphore(%run_scoped3A_189 : memref<!tpu.dma_semaphore, #tpu.memory_space<semaphore_mem>>)
        %dma_wait3A_198 = arith.constant 0 : i32
        %dma_wait3A_199 = arith.constant 0 : i32
        %dma_wait3A_200 = tpu.memref_slice %arg4[%add3A_27, %dma_wait3A_198, %dma_wait3A_199] : memref<200x1024x64xf32, #tpu.memory_space<hbm>> -> memref<1x1024x64xf32, #tpu.memory_space<hbm>>
        %dma_wait3A_201 = tpu.memref_squeeze %dma_wait3A_200 : memref<1x1024x64xf32, #tpu.memory_space<hbm>> -> memref<1024x64xf32, #tpu.memory_space<hbm>>
        %dma_wait3A_202 = arith.constant 0 : i32
        %dma_wait3A_203 = arith.constant 0 : i32
        %dma_wait3A_204 = tpu.memref_slice %arg4[%add3A_27, %dma_wait3A_202, %dma_wait3A_203] : memref<200x1024x64xf32, #tpu.memory_space<hbm>> -> memref<1x1024x64xf32, #tpu.memory_space<hbm>>
        %dma_wait3A_205 = tpu.memref_squeeze %dma_wait3A_204 : memref<1x1024x64xf32, #tpu.memory_space<hbm>> -> memref<1024x64xf32, #tpu.memory_space<hbm>>
        tpu.wait_dma2 semaphore(%run_scoped3A_189 : memref<!tpu.dma_semaphore, #tpu.memory_space<semaphore_mem>>) src(%arg6 : memref<1024x64xf32, #tpu.memory_space<vmem>>) dst(%dma_wait3A_205 : memref<1024x64xf32, #tpu.memory_space<hbm>>)
        tpu.yield
      }) : () -> ()
    }
    return
  }
}

#map = affine_map<(d0, d1) -> (0, 0)>
#map1 = affine_map<(d0, d1) -> (0, 0, 0)>
module attributes {stable_mosaic.version = 14 : i64} {
  func.func @remb_gather(%arg0: i32, %arg1: i32, %arg2: memref<1600x128xi32, #tpu.memory_space<hbm>>, %arg3: memref<1000000x64xf32, #tpu.memory_space<hbm>>, %arg4: memref<200x1024x64xf32, #tpu.memory_space<hbm>>, %arg5: memref<8x128xi32, #tpu.memory_space<vmem>>, %arg6: memref<1024x64xf32, #tpu.memory_space<vmem>>, %arg7: memref<!tpu.dma_semaphore, #tpu.memory_space<semaphore_mem>>) attributes {dimension_semantics = [#tpu.dimension_semantics<core_parallel>, #tpu.dimension_semantics<subcore_parallel>], iteration_bounds = array<i64: 2, 16>, scalar_prefetch = 0 : i64, scratch_operands = 3 : i64, tpu.core_type = #tpu.core_type<sc_vector_subcore>, window_params = [{transform_indices = #map}, {transform_indices = #map}, {transform_indices = #map1}]} {
    %mul3A = arith.constant 2 : i32
    %mul3A_0 = arith.muli %arg1, %mul3A : i32
    %add3A = arith.addi %mul3A_0, %arg0 : i32
    %broadcast_in_dim3A = arith.constant 0.000000e+00 : f32
    %broadcast_in_dim3A_1 = vector.broadcast %broadcast_in_dim3A : f32 to vector<16xf32>
    %scan3A = arith.constant 0 : i32
    %scan3A_2 = arith.constant 0 : i32
    %scan3A_3 = arith.constant 32 : i32
    %scan3A_4 = arith.addi %scan3A_2, %scan3A_3 : i32
    %scan3A_5 = arith.constant 1 : i32
    scf.for %scan3A_22 = %scan3A_2 to %scan3A_4 step %scan3A_5  : i32 {
      %swap3A = arith.index_cast %scan3A_22 : i32 to index
      %swap3A_23 = arith.constant 0 : index
      %swap3A_24 = tpu.vector_load %arg6[%swap3A, %swap3A_23] {strides = array<i32>} : memref<1024x64xf32, #tpu.memory_space<vmem>>, vector<1x16xf32>,
      %swap3A_25 = vector.shape_cast %swap3A_24 : vector<1x16xf32> to vector<16xf32>
      %swap3A_26 = vector.shape_cast %broadcast_in_dim3A_1 : vector<16xf32> to vector<1x16xf32>
      tpu.vector_store %arg6[%swap3A, %swap3A_23], %swap3A_26 {strides = array<i32>} : memref<1024x64xf32, #tpu.memory_space<vmem>>, vector<1x16xf32>,
      %swap3A_27 = arith.index_cast %scan3A_22 : i32 to index
      %swap3A_28 = arith.constant 16 : index
      %swap3A_29 = tpu.vector_load %arg6[%swap3A_27, %swap3A_28] {strides = array<i32>} : memref<1024x64xf32, #tpu.memory_space<vmem>>, vector<1x16xf32>,
      %swap3A_30 = vector.shape_cast %swap3A_29 : vector<1x16xf32> to vector<16xf32>
      %swap3A_31 = vector.shape_cast %broadcast_in_dim3A_1 : vector<16xf32> to vector<1x16xf32>
      tpu.vector_store %arg6[%swap3A_27, %swap3A_28], %swap3A_31 {strides = array<i32>} : memref<1024x64xf32, #tpu.memory_space<vmem>>, vector<1x16xf32>,
      %swap3A_32 = arith.index_cast %scan3A_22 : i32 to index
      %swap3A_33 = arith.constant 32 : index
      %swap3A_34 = tpu.vector_load %arg6[%swap3A_32, %swap3A_33] {strides = array<i32>} : memref<1024x64xf32, #tpu.memory_space<vmem>>, vector<1x16xf32>,
      %swap3A_35 = vector.shape_cast %swap3A_34 : vector<1x16xf32> to vector<16xf32>
      %swap3A_36 = vector.shape_cast %broadcast_in_dim3A_1 : vector<16xf32> to vector<1x16xf32>
      tpu.vector_store %arg6[%swap3A_32, %swap3A_33], %swap3A_36 {strides = array<i32>} : memref<1024x64xf32, #tpu.memory_space<vmem>>, vector<1x16xf32>,
      %swap3A_37 = arith.index_cast %scan3A_22 : i32 to index
      %swap3A_38 = arith.constant 48 : index
      %swap3A_39 = tpu.vector_load %arg6[%swap3A_37, %swap3A_38] {strides = array<i32>} : memref<1024x64xf32, #tpu.memory_space<vmem>>, vector<1x16xf32>,
      %swap3A_40 = vector.shape_cast %swap3A_39 : vector<1x16xf32> to vector<16xf32>
      %swap3A_41 = vector.shape_cast %broadcast_in_dim3A_1 : vector<16xf32> to vector<1x16xf32>
      tpu.vector_store %arg6[%swap3A_37, %swap3A_38], %swap3A_41 {strides = array<i32>} : memref<1024x64xf32, #tpu.memory_space<vmem>>, vector<1x16xf32>,
    }
    %scan3A_6 = arith.constant 32 : i32
    %mul3A_7 = arith.constant 32 : i32
    %mul3A_8 = arith.muli %add3A, %mul3A_7 : i32
    %run_scoped3A = arith.constant 0 : i32
    "tpu.region"() ({
      %run_scoped3A_22 = tpu.sem_alloc : memref<!tpu.dma_semaphore, #tpu.memory_space<semaphore_mem>>
      %dma_start3A = arith.constant 0 : i32
      %dma_start3A_23 = arith.constant 0 : i32
      %dma_start3A_24 = tpu.memref_slice %arg6[%dma_start3A, %dma_start3A_23] : memref<1024x64xf32, #tpu.memory_space<vmem>> -> memref<32x64xf32, #tpu.memory_space<vmem>>
      %dma_start3A_25 = arith.constant 0 : i32
      %dma_start3A_26 = tpu.memref_slice %arg4[%run_scoped3A, %mul3A_8, %dma_start3A_25] : memref<200x1024x64xf32, #tpu.memory_space<hbm>> -> memref<1x32x64xf32, #tpu.memory_space<hbm>>
      %dma_start3A_27 = tpu.memref_squeeze %dma_start3A_26 : memref<1x32x64xf32, #tpu.memory_space<hbm>> -> memref<32x64xf32, #tpu.memory_space<hbm>>
      %dma_start3A_28 = arith.constant 0 : i32
      %dma_start3A_29 = tpu.memref_slice %arg4[%run_scoped3A, %mul3A_8, %dma_start3A_28] : memref<200x1024x64xf32, #tpu.memory_space<hbm>> -> memref<1x32x64xf32, #tpu.memory_space<hbm>>
      %dma_start3A_30 = tpu.memref_squeeze %dma_start3A_29 : memref<1x32x64xf32, #tpu.memory_space<hbm>> -> memref<32x64xf32, #tpu.memory_space<hbm>>
      %dma_start3A_31 = arith.constant 0 : i32
      %dma_start3A_32 = arith.constant 0 : i32
      %dma_start3A_33 = tpu.memref_slice %arg6[%dma_start3A_31, %dma_start3A_32] : memref<1024x64xf32, #tpu.memory_space<vmem>> -> memref<32x64xf32, #tpu.memory_space<vmem>>
      tpu.enqueue_dma source(%dma_start3A_33 : memref<32x64xf32, #tpu.memory_space<vmem>>) target(%dma_start3A_30 : memref<32x64xf32, #tpu.memory_space<hbm>>) target_semaphore(%run_scoped3A_22 : memref<!tpu.dma_semaphore, #tpu.memory_space<semaphore_mem>>)
      %dma_wait3A = arith.constant 0 : i32
      %dma_wait3A_34 = arith.constant 0 : i32
      %dma_wait3A_35 = tpu.memref_slice %arg6[%dma_wait3A, %dma_wait3A_34] : memref<1024x64xf32, #tpu.memory_space<vmem>> -> memref<32x64xf32, #tpu.memory_space<vmem>>
      %dma_wait3A_36 = arith.constant 0 : i32
      %dma_wait3A_37 = tpu.memref_slice %arg4[%run_scoped3A, %mul3A_8, %dma_wait3A_36] : memref<200x1024x64xf32, #tpu.memory_space<hbm>> -> memref<1x32x64xf32, #tpu.memory_space<hbm>>
      %dma_wait3A_38 = tpu.memref_squeeze %dma_wait3A_37 : memref<1x32x64xf32, #tpu.memory_space<hbm>> -> memref<32x64xf32, #tpu.memory_space<hbm>>
      %dma_wait3A_39 = arith.constant 0 : i32
      %dma_wait3A_40 = tpu.memref_slice %arg4[%run_scoped3A, %mul3A_8, %dma_wait3A_39] : memref<200x1024x64xf32, #tpu.memory_space<hbm>> -> memref<1x32x64xf32, #tpu.memory_space<hbm>>
      %dma_wait3A_41 = tpu.memref_squeeze %dma_wait3A_40 : memref<1x32x64xf32, #tpu.memory_space<hbm>> -> memref<32x64xf32, #tpu.memory_space<hbm>>
      %dma_wait3A_42 = arith.constant 0 : i32
      %dma_wait3A_43 = arith.constant 0 : i32
      %dma_wait3A_44 = tpu.memref_slice %arg6[%dma_wait3A_42, %dma_wait3A_43] : memref<1024x64xf32, #tpu.memory_space<vmem>> -> memref<32x64xf32, #tpu.memory_space<vmem>>
      tpu.wait_dma2 semaphore(%run_scoped3A_22 : memref<!tpu.dma_semaphore, #tpu.memory_space<semaphore_mem>>) src(%dma_wait3A_44 : memref<32x64xf32, #tpu.memory_space<vmem>>) dst(%dma_wait3A_41 : memref<32x64xf32, #tpu.memory_space<hbm>>)
      tpu.yield
    }) : () -> ()
    %lt3A = arith.constant 7 : i32
    %lt3A_9 = arith.cmpi slt, %add3A, %lt3A : i32
    %jit3A = arith.constant 1 : i32
    %jit3A_10 = arith.constant 0 : i32
    %select_n3A = arith.select %lt3A_9, %jit3A, %jit3A_10 : i32
    %add3A_11 = arith.constant 6 : i32
    %add3A_12 = arith.addi %add3A_11, %select_n3A : i32
    %while3A = arith.constant 0 : i32
    %while3A_13 = arith.constant 0 : i32
    %while3A_14 = arith.subi %add3A_12, %while3A_13 : i32
    %while3A_15 = arith.addi %while3A_13, %while3A_14 : i32
    %while3A_16 = arith.constant 1 : i32
    %while3A_17 = arith.divsi %while3A_14, %while3A_16 : i32
    %while3A_18 = arith.muli %while3A_17, %while3A_16 : i32
    %while3A_19 = arith.addi %while3A_13, %while3A_18 : i32
    %while3A_20 = arith.constant 1 : i32
    scf.for %while3A_22 = %while3A_13 to %while3A_19 step %while3A_20  : i32 {
      %add3A_23 = arith.constant 1 : i32
      %add3A_24 = arith.addi %add3A_23, %add3A : i32
      %mul3A_25 = arith.constant 32 : i32
      %mul3A_26 = arith.muli %while3A_22, %mul3A_25 : i32
      %add3A_27 = arith.addi %add3A_24, %mul3A_26 : i32
      %mul3A_28 = arith.constant 8 : i32
      %mul3A_29 = arith.muli %add3A_27, %mul3A_28 : i32
      "tpu.region"() ({
        %run_scoped3A_188 = tpu.sem_alloc : memref<!tpu.dma_semaphore, #tpu.memory_space<semaphore_mem>>
        %dma_start3A_189 = arith.constant 0 : i32
        %dma_start3A_190 = tpu.memref_slice %arg2[%mul3A_29, %dma_start3A_189] : memref<1600x128xi32, #tpu.memory_space<hbm>> -> memref<8x128xi32, #tpu.memory_space<hbm>>
        %dma_start3A_191 = arith.constant 0 : i32
        %dma_start3A_192 = tpu.memref_slice %arg2[%mul3A_29, %dma_start3A_191] : memref<1600x128xi32, #tpu.memory_space<hbm>> -> memref<8x128xi32, #tpu.memory_space<hbm>>
        tpu.enqueue_dma source(%dma_start3A_192 : memref<8x128xi32, #tpu.memory_space<hbm>>) target(%arg5 : memref<8x128xi32, #tpu.memory_space<vmem>>) target_semaphore(%run_scoped3A_188 : memref<!tpu.dma_semaphore, #tpu.memory_space<semaphore_mem>>)
        %dma_wait3A_193 = arith.constant 0 : i32
        %dma_wait3A_194 = tpu.memref_slice %arg2[%mul3A_29, %dma_wait3A_193] : memref<1600x128xi32, #tpu.memory_space<hbm>> -> memref<8x128xi32, #tpu.memory_space<hbm>>
        %dma_wait3A_195 = arith.constant 0 : i32
        %dma_wait3A_196 = tpu.memref_slice %arg2[%mul3A_29, %dma_wait3A_195] : memref<1600x128xi32, #tpu.memory_space<hbm>> -> memref<8x128xi32, #tpu.memory_space<hbm>>
        tpu.wait_dma2 semaphore(%run_scoped3A_188 : memref<!tpu.dma_semaphore, #tpu.memory_space<semaphore_mem>>) src(%dma_wait3A_196 : memref<8x128xi32, #tpu.memory_space<hbm>>) dst(%arg5 : memref<8x128xi32, #tpu.memory_space<vmem>>)
        tpu.yield
      }) : () -> ()
      %dma_start3A = arith.constant 0 : i32
      %dma_start3A_30 = arith.constant 0 : i32
      %dma_start3A_31 = arith.constant 0 : i32
      %dma_start3A_32 = tpu.memref_slice %arg6[%dma_start3A_30, %dma_start3A_31] : memref<1024x64xf32, #tpu.memory_space<vmem>> -> memref<128x64xf32, #tpu.memory_space<vmem>>
      %dma_start3A_33 = arith.constant 0 : i32
      %dma_start3A_34 = tpu.memref_slice %arg5[%dma_start3A, %dma_start3A_33] : memref<8x128xi32, #tpu.memory_space<vmem>> -> memref<1x128xi32, #tpu.memory_space<vmem>>
      %dma_start3A_35 = tpu.memref_squeeze %dma_start3A_34 : memref<1x128xi32, #tpu.memory_space<vmem>> -> memref<128xi32, #tpu.memory_space<vmem>>
      %dma_start3A_36 = arith.constant 0 : i32
      %dma_start3A_37 = arith.constant 0 : i32
      %dma_start3A_38 = tpu.memref_slice %arg3[%dma_start3A_36, %dma_start3A_37] : memref<1000000x64xf32, #tpu.memory_space<hbm>> -> memref<1000000x64xf32, #tpu.memory_space<hbm>>
      tpu.enqueue_indirect_dma source(%dma_start3A_38 : memref<1000000x64xf32, #tpu.memory_space<hbm>>) target(%dma_start3A_32 : memref<128x64xf32, #tpu.memory_space<vmem>>) offsets(%dma_start3A_35 : memref<128xi32, #tpu.memory_space<vmem>>) semaphore(%arg7 : memref<!tpu.dma_semaphore, #tpu.memory_space<semaphore_mem>>)
      %dma_start3A_39 = arith.constant 1 : i32
      %dma_start3A_40 = arith.constant 128 : i32
      %dma_start3A_41 = arith.constant 0 : i32
      %dma_start3A_42 = tpu.memref_slice %arg6[%dma_start3A_40, %dma_start3A_41] : memref<1024x64xf32, #tpu.memory_space<vmem>> -> memref<128x64xf32, #tpu.memory_space<vmem>>
      %dma_start3A_43 = arith.constant 0 : i32
      %dma_start3A_44 = tpu.memref_slice %arg5[%dma_start3A_39, %dma_start3A_43] : memref<8x128xi32, #tpu.memory_space<vmem>> -> memref<1x128xi32, #tpu.memory_space<vmem>>
      %dma_start3A_45 = tpu.memref_squeeze %dma_start3A_44 : memref<1x128xi32, #tpu.memory_space<vmem>> -> memref<128xi32, #tpu.memory_space<vmem>>
      %dma_start3A_46 = arith.constant 0 : i32
      %dma_start3A_47 = arith.constant 0 : i32
      %dma_start3A_48 = tpu.memref_slice %arg3[%dma_start3A_46, %dma_start3A_47] : memref<1000000x64xf32, #tpu.memory_space<hbm>> -> memref<1000000x64xf32, #tpu.memory_space<hbm>>
      tpu.enqueue_indirect_dma source(%dma_start3A_48 : memref<1000000x64xf32, #tpu.memory_space<hbm>>) target(%dma_start3A_42 : memref<128x64xf32, #tpu.memory_space<vmem>>) offsets(%dma_start3A_45 : memref<128xi32, #tpu.memory_space<vmem>>) semaphore(%arg7 : memref<!tpu.dma_semaphore, #tpu.memory_space<semaphore_mem>>)
      %dma_start3A_49 = arith.constant 2 : i32
      %dma_start3A_50 = arith.constant 256 : i32
      %dma_start3A_51 = arith.constant 0 : i32
      %dma_start3A_52 = tpu.memref_slice %arg6[%dma_start3A_50, %dma_start3A_51] : memref<1024x64xf32, #tpu.memory_space<vmem>> -> memref<128x64xf32, #tpu.memory_space<vmem>>
      %dma_start3A_53 = arith.constant 0 : i32
      %dma_start3A_54 = tpu.memref_slice %arg5[%dma_start3A_49, %dma_start3A_53] : memref<8x128xi32, #tpu.memory_space<vmem>> -> memref<1x128xi32, #tpu.memory_space<vmem>>
      %dma_start3A_55 = tpu.memref_squeeze %dma_start3A_54 : memref<1x128xi32, #tpu.memory_space<vmem>> -> memref<128xi32, #tpu.memory_space<vmem>>
      %dma_start3A_56 = arith.constant 0 : i32
      %dma_start3A_57 = arith.constant 0 : i32
      %dma_start3A_58 = tpu.memref_slice %arg3[%dma_start3A_56, %dma_start3A_57] : memref<1000000x64xf32, #tpu.memory_space<hbm>> -> memref<1000000x64xf32, #tpu.memory_space<hbm>>
      tpu.enqueue_indirect_dma source(%dma_start3A_58 : memref<1000000x64xf32, #tpu.memory_space<hbm>>) target(%dma_start3A_52 : memref<128x64xf32, #tpu.memory_space<vmem>>) offsets(%dma_start3A_55 : memref<128xi32, #tpu.memory_space<vmem>>) semaphore(%arg7 : memref<!tpu.dma_semaphore, #tpu.memory_space<semaphore_mem>>)
      %dma_start3A_59 = arith.constant 3 : i32
      %dma_start3A_60 = arith.constant 384 : i32
      %dma_start3A_61 = arith.constant 0 : i32
      %dma_start3A_62 = tpu.memref_slice %arg6[%dma_start3A_60, %dma_start3A_61] : memref<1024x64xf32, #tpu.memory_space<vmem>> -> memref<128x64xf32, #tpu.memory_space<vmem>>
      %dma_start3A_63 = arith.constant 0 : i32
      %dma_start3A_64 = tpu.memref_slice %arg5[%dma_start3A_59, %dma_start3A_63] : memref<8x128xi32, #tpu.memory_space<vmem>> -> memref<1x128xi32, #tpu.memory_space<vmem>>
      %dma_start3A_65 = tpu.memref_squeeze %dma_start3A_64 : memref<1x128xi32, #tpu.memory_space<vmem>> -> memref<128xi32, #tpu.memory_space<vmem>>
      %dma_start3A_66 = arith.constant 0 : i32
      %dma_start3A_67 = arith.constant 0 : i32
      %dma_start3A_68 = tpu.memref_slice %arg3[%dma_start3A_66, %dma_start3A_67] : memref<1000000x64xf32, #tpu.memory_space<hbm>> -> memref<1000000x64xf32, #tpu.memory_space<hbm>>
      tpu.enqueue_indirect_dma source(%dma_start3A_68 : memref<1000000x64xf32, #tpu.memory_space<hbm>>) target(%dma_start3A_62 : memref<128x64xf32, #tpu.memory_space<vmem>>) offsets(%dma_start3A_65 : memref<128xi32, #tpu.memory_space<vmem>>) semaphore(%arg7 : memref<!tpu.dma_semaphore, #tpu.memory_space<semaphore_mem>>)
      %dma_start3A_69 = arith.constant 4 : i32
      %dma_start3A_70 = arith.constant 512 : i32
      %dma_start3A_71 = arith.constant 0 : i32
      %dma_start3A_72 = tpu.memref_slice %arg6[%dma_start3A_70, %dma_start3A_71] : memref<1024x64xf32, #tpu.memory_space<vmem>> -> memref<128x64xf32, #tpu.memory_space<vmem>>
      %dma_start3A_73 = arith.constant 0 : i32
      %dma_start3A_74 = tpu.memref_slice %arg5[%dma_start3A_69, %dma_start3A_73] : memref<8x128xi32, #tpu.memory_space<vmem>> -> memref<1x128xi32, #tpu.memory_space<vmem>>
      %dma_start3A_75 = tpu.memref_squeeze %dma_start3A_74 : memref<1x128xi32, #tpu.memory_space<vmem>> -> memref<128xi32, #tpu.memory_space<vmem>>
      %dma_start3A_76 = arith.constant 0 : i32
      %dma_start3A_77 = arith.constant 0 : i32
      %dma_start3A_78 = tpu.memref_slice %arg3[%dma_start3A_76, %dma_start3A_77] : memref<1000000x64xf32, #tpu.memory_space<hbm>> -> memref<1000000x64xf32, #tpu.memory_space<hbm>>
      tpu.enqueue_indirect_dma source(%dma_start3A_78 : memref<1000000x64xf32, #tpu.memory_space<hbm>>) target(%dma_start3A_72 : memref<128x64xf32, #tpu.memory_space<vmem>>) offsets(%dma_start3A_75 : memref<128xi32, #tpu.memory_space<vmem>>) semaphore(%arg7 : memref<!tpu.dma_semaphore, #tpu.memory_space<semaphore_mem>>)
      %dma_start3A_79 = arith.constant 5 : i32
      %dma_start3A_80 = arith.constant 640 : i32
      %dma_start3A_81 = arith.constant 0 : i32
      %dma_start3A_82 = tpu.memref_slice %arg6[%dma_start3A_80, %dma_start3A_81] : memref<1024x64xf32, #tpu.memory_space<vmem>> -> memref<128x64xf32, #tpu.memory_space<vmem>>
      %dma_start3A_83 = arith.constant 0 : i32
      %dma_start3A_84 = tpu.memref_slice %arg5[%dma_start3A_79, %dma_start3A_83] : memref<8x128xi32, #tpu.memory_space<vmem>> -> memref<1x128xi32, #tpu.memory_space<vmem>>
      %dma_start3A_85 = tpu.memref_squeeze %dma_start3A_84 : memref<1x128xi32, #tpu.memory_space<vmem>> -> memref<128xi32, #tpu.memory_space<vmem>>
      %dma_start3A_86 = arith.constant 0 : i32
      %dma_start3A_87 = arith.constant 0 : i32
      %dma_start3A_88 = tpu.memref_slice %arg3[%dma_start3A_86, %dma_start3A_87] : memref<1000000x64xf32, #tpu.memory_space<hbm>> -> memref<1000000x64xf32, #tpu.memory_space<hbm>>
      tpu.enqueue_indirect_dma source(%dma_start3A_88 : memref<1000000x64xf32, #tpu.memory_space<hbm>>) target(%dma_start3A_82 : memref<128x64xf32, #tpu.memory_space<vmem>>) offsets(%dma_start3A_85 : memref<128xi32, #tpu.memory_space<vmem>>) semaphore(%arg7 : memref<!tpu.dma_semaphore, #tpu.memory_space<semaphore_mem>>)
      %dma_start3A_89 = arith.constant 6 : i32
      %dma_start3A_90 = arith.constant 768 : i32
      %dma_start3A_91 = arith.constant 0 : i32
      %dma_start3A_92 = tpu.memref_slice %arg6[%dma_start3A_90, %dma_start3A_91] : memref<1024x64xf32, #tpu.memory_space<vmem>> -> memref<128x64xf32, #tpu.memory_space<vmem>>
      %dma_start3A_93 = arith.constant 0 : i32
      %dma_start3A_94 = tpu.memref_slice %arg5[%dma_start3A_89, %dma_start3A_93] : memref<8x128xi32, #tpu.memory_space<vmem>> -> memref<1x128xi32, #tpu.memory_space<vmem>>
      %dma_start3A_95 = tpu.memref_squeeze %dma_start3A_94 : memref<1x128xi32, #tpu.memory_space<vmem>> -> memref<128xi32, #tpu.memory_space<vmem>>
      %dma_start3A_96 = arith.constant 0 : i32
      %dma_start3A_97 = arith.constant 0 : i32
      %dma_start3A_98 = tpu.memref_slice %arg3[%dma_start3A_96, %dma_start3A_97] : memref<1000000x64xf32, #tpu.memory_space<hbm>> -> memref<1000000x64xf32, #tpu.memory_space<hbm>>
      tpu.enqueue_indirect_dma source(%dma_start3A_98 : memref<1000000x64xf32, #tpu.memory_space<hbm>>) target(%dma_start3A_92 : memref<128x64xf32, #tpu.memory_space<vmem>>) offsets(%dma_start3A_95 : memref<128xi32, #tpu.memory_space<vmem>>) semaphore(%arg7 : memref<!tpu.dma_semaphore, #tpu.memory_space<semaphore_mem>>)
      %dma_start3A_99 = arith.constant 7 : i32
      %dma_start3A_100 = arith.constant 896 : i32
      %dma_start3A_101 = arith.constant 0 : i32
      %dma_start3A_102 = tpu.memref_slice %arg6[%dma_start3A_100, %dma_start3A_101] : memref<1024x64xf32, #tpu.memory_space<vmem>> -> memref<128x64xf32, #tpu.memory_space<vmem>>
      %dma_start3A_103 = arith.constant 0 : i32
      %dma_start3A_104 = tpu.memref_slice %arg5[%dma_start3A_99, %dma_start3A_103] : memref<8x128xi32, #tpu.memory_space<vmem>> -> memref<1x128xi32, #tpu.memory_space<vmem>>
      %dma_start3A_105 = tpu.memref_squeeze %dma_start3A_104 : memref<1x128xi32, #tpu.memory_space<vmem>> -> memref<128xi32, #tpu.memory_space<vmem>>
      %dma_start3A_106 = arith.constant 0 : i32
      %dma_start3A_107 = arith.constant 0 : i32
      %dma_start3A_108 = tpu.memref_slice %arg3[%dma_start3A_106, %dma_start3A_107] : memref<1000000x64xf32, #tpu.memory_space<hbm>> -> memref<1000000x64xf32, #tpu.memory_space<hbm>>
      tpu.enqueue_indirect_dma source(%dma_start3A_108 : memref<1000000x64xf32, #tpu.memory_space<hbm>>) target(%dma_start3A_102 : memref<128x64xf32, #tpu.memory_space<vmem>>) offsets(%dma_start3A_105 : memref<128xi32, #tpu.memory_space<vmem>>) semaphore(%arg7 : memref<!tpu.dma_semaphore, #tpu.memory_space<semaphore_mem>>)
      %dma_wait3A = arith.constant 0 : i32
      %dma_wait3A_109 = arith.constant 0 : i32
      %dma_wait3A_110 = arith.constant 0 : i32
      %dma_wait3A_111 = tpu.memref_slice %arg6[%dma_wait3A_109, %dma_wait3A_110] : memref<1024x64xf32, #tpu.memory_space<vmem>> -> memref<128x64xf32, #tpu.memory_space<vmem>>
      %dma_wait3A_112 = arith.constant 0 : i32
      %dma_wait3A_113 = tpu.memref_slice %arg5[%dma_wait3A, %dma_wait3A_112] : memref<8x128xi32, #tpu.memory_space<vmem>> -> memref<1x128xi32, #tpu.memory_space<vmem>>
      %dma_wait3A_114 = tpu.memref_squeeze %dma_wait3A_113 : memref<1x128xi32, #tpu.memory_space<vmem>> -> memref<128xi32, #tpu.memory_space<vmem>>
      %dma_wait3A_115 = arith.constant 0 : i32
      %dma_wait3A_116 = arith.constant 0 : i32
      %dma_wait3A_117 = tpu.memref_slice %arg3[%dma_wait3A_115, %dma_wait3A_116] : memref<1000000x64xf32, #tpu.memory_space<hbm>> -> memref<1000000x64xf32, #tpu.memory_space<hbm>>
      tpu.wait_indirect_dma semaphore(%arg7 : memref<!tpu.dma_semaphore, #tpu.memory_space<semaphore_mem>>) src(%dma_wait3A_117 : memref<1000000x64xf32, #tpu.memory_space<hbm>>) dst(%dma_wait3A_111 : memref<128x64xf32, #tpu.memory_space<vmem>>)
      %dma_wait3A_118 = arith.constant 1 : i32
      %dma_wait3A_119 = arith.constant 128 : i32
      %dma_wait3A_120 = arith.constant 0 : i32
      %dma_wait3A_121 = tpu.memref_slice %arg6[%dma_wait3A_119, %dma_wait3A_120] : memref<1024x64xf32, #tpu.memory_space<vmem>> -> memref<128x64xf32, #tpu.memory_space<vmem>>
      %dma_wait3A_122 = arith.constant 0 : i32
      %dma_wait3A_123 = tpu.memref_slice %arg5[%dma_wait3A_118, %dma_wait3A_122] : memref<8x128xi32, #tpu.memory_space<vmem>> -> memref<1x128xi32, #tpu.memory_space<vmem>>
      %dma_wait3A_124 = tpu.memref_squeeze %dma_wait3A_123 : memref<1x128xi32, #tpu.memory_space<vmem>> -> memref<128xi32, #tpu.memory_space<vmem>>
      %dma_wait3A_125 = arith.constant 0 : i32
      %dma_wait3A_126 = arith.constant 0 : i32
      %dma_wait3A_127 = tpu.memref_slice %arg3[%dma_wait3A_125, %dma_wait3A_126] : memref<1000000x64xf32, #tpu.memory_space<hbm>> -> memref<1000000x64xf32, #tpu.memory_space<hbm>>
      tpu.wait_indirect_dma semaphore(%arg7 : memref<!tpu.dma_semaphore, #tpu.memory_space<semaphore_mem>>) src(%dma_wait3A_127 : memref<1000000x64xf32, #tpu.memory_space<hbm>>) dst(%dma_wait3A_121 : memref<128x64xf32, #tpu.memory_space<vmem>>)
      %dma_wait3A_128 = arith.constant 2 : i32
      %dma_wait3A_129 = arith.constant 256 : i32
      %dma_wait3A_130 = arith.constant 0 : i32
      %dma_wait3A_131 = tpu.memref_slice %arg6[%dma_wait3A_129, %dma_wait3A_130] : memref<1024x64xf32, #tpu.memory_space<vmem>> -> memref<128x64xf32, #tpu.memory_space<vmem>>
      %dma_wait3A_132 = arith.constant 0 : i32
      %dma_wait3A_133 = tpu.memref_slice %arg5[%dma_wait3A_128, %dma_wait3A_132] : memref<8x128xi32, #tpu.memory_space<vmem>> -> memref<1x128xi32, #tpu.memory_space<vmem>>
      %dma_wait3A_134 = tpu.memref_squeeze %dma_wait3A_133 : memref<1x128xi32, #tpu.memory_space<vmem>> -> memref<128xi32, #tpu.memory_space<vmem>>
      %dma_wait3A_135 = arith.constant 0 : i32
      %dma_wait3A_136 = arith.constant 0 : i32
      %dma_wait3A_137 = tpu.memref_slice %arg3[%dma_wait3A_135, %dma_wait3A_136] : memref<1000000x64xf32, #tpu.memory_space<hbm>> -> memref<1000000x64xf32, #tpu.memory_space<hbm>>
      tpu.wait_indirect_dma semaphore(%arg7 : memref<!tpu.dma_semaphore, #tpu.memory_space<semaphore_mem>>) src(%dma_wait3A_137 : memref<1000000x64xf32, #tpu.memory_space<hbm>>) dst(%dma_wait3A_131 : memref<128x64xf32, #tpu.memory_space<vmem>>)
      %dma_wait3A_138 = arith.constant 3 : i32
      %dma_wait3A_139 = arith.constant 384 : i32
      %dma_wait3A_140 = arith.constant 0 : i32
      %dma_wait3A_141 = tpu.memref_slice %arg6[%dma_wait3A_139, %dma_wait3A_140] : memref<1024x64xf32, #tpu.memory_space<vmem>> -> memref<128x64xf32, #tpu.memory_space<vmem>>
      %dma_wait3A_142 = arith.constant 0 : i32
      %dma_wait3A_143 = tpu.memref_slice %arg5[%dma_wait3A_138, %dma_wait3A_142] : memref<8x128xi32, #tpu.memory_space<vmem>> -> memref<1x128xi32, #tpu.memory_space<vmem>>
      %dma_wait3A_144 = tpu.memref_squeeze %dma_wait3A_143 : memref<1x128xi32, #tpu.memory_space<vmem>> -> memref<128xi32, #tpu.memory_space<vmem>>
      %dma_wait3A_145 = arith.constant 0 : i32
      %dma_wait3A_146 = arith.constant 0 : i32
      %dma_wait3A_147 = tpu.memref_slice %arg3[%dma_wait3A_145, %dma_wait3A_146] : memref<1000000x64xf32, #tpu.memory_space<hbm>> -> memref<1000000x64xf32, #tpu.memory_space<hbm>>
      tpu.wait_indirect_dma semaphore(%arg7 : memref<!tpu.dma_semaphore, #tpu.memory_space<semaphore_mem>>) src(%dma_wait3A_147 : memref<1000000x64xf32, #tpu.memory_space<hbm>>) dst(%dma_wait3A_141 : memref<128x64xf32, #tpu.memory_space<vmem>>)
      %dma_wait3A_148 = arith.constant 4 : i32
      %dma_wait3A_149 = arith.constant 512 : i32
      %dma_wait3A_150 = arith.constant 0 : i32
      %dma_wait3A_151 = tpu.memref_slice %arg6[%dma_wait3A_149, %dma_wait3A_150] : memref<1024x64xf32, #tpu.memory_space<vmem>> -> memref<128x64xf32, #tpu.memory_space<vmem>>
      %dma_wait3A_152 = arith.constant 0 : i32
      %dma_wait3A_153 = tpu.memref_slice %arg5[%dma_wait3A_148, %dma_wait3A_152] : memref<8x128xi32, #tpu.memory_space<vmem>> -> memref<1x128xi32, #tpu.memory_space<vmem>>
      %dma_wait3A_154 = tpu.memref_squeeze %dma_wait3A_153 : memref<1x128xi32, #tpu.memory_space<vmem>> -> memref<128xi32, #tpu.memory_space<vmem>>
      %dma_wait3A_155 = arith.constant 0 : i32
      %dma_wait3A_156 = arith.constant 0 : i32
      %dma_wait3A_157 = tpu.memref_slice %arg3[%dma_wait3A_155, %dma_wait3A_156] : memref<1000000x64xf32, #tpu.memory_space<hbm>> -> memref<1000000x64xf32, #tpu.memory_space<hbm>>
      tpu.wait_indirect_dma semaphore(%arg7 : memref<!tpu.dma_semaphore, #tpu.memory_space<semaphore_mem>>) src(%dma_wait3A_157 : memref<1000000x64xf32, #tpu.memory_space<hbm>>) dst(%dma_wait3A_151 : memref<128x64xf32, #tpu.memory_space<vmem>>)
      %dma_wait3A_158 = arith.constant 5 : i32
      %dma_wait3A_159 = arith.constant 640 : i32
      %dma_wait3A_160 = arith.constant 0 : i32
      %dma_wait3A_161 = tpu.memref_slice %arg6[%dma_wait3A_159, %dma_wait3A_160] : memref<1024x64xf32, #tpu.memory_space<vmem>> -> memref<128x64xf32, #tpu.memory_space<vmem>>
      %dma_wait3A_162 = arith.constant 0 : i32
      %dma_wait3A_163 = tpu.memref_slice %arg5[%dma_wait3A_158, %dma_wait3A_162] : memref<8x128xi32, #tpu.memory_space<vmem>> -> memref<1x128xi32, #tpu.memory_space<vmem>>
      %dma_wait3A_164 = tpu.memref_squeeze %dma_wait3A_163 : memref<1x128xi32, #tpu.memory_space<vmem>> -> memref<128xi32, #tpu.memory_space<vmem>>
      %dma_wait3A_165 = arith.constant 0 : i32
      %dma_wait3A_166 = arith.constant 0 : i32
      %dma_wait3A_167 = tpu.memref_slice %arg3[%dma_wait3A_165, %dma_wait3A_166] : memref<1000000x64xf32, #tpu.memory_space<hbm>> -> memref<1000000x64xf32, #tpu.memory_space<hbm>>
      tpu.wait_indirect_dma semaphore(%arg7 : memref<!tpu.dma_semaphore, #tpu.memory_space<semaphore_mem>>) src(%dma_wait3A_167 : memref<1000000x64xf32, #tpu.memory_space<hbm>>) dst(%dma_wait3A_161 : memref<128x64xf32, #tpu.memory_space<vmem>>)
      %dma_wait3A_168 = arith.constant 6 : i32
      %dma_wait3A_169 = arith.constant 768 : i32
      %dma_wait3A_170 = arith.constant 0 : i32
      %dma_wait3A_171 = tpu.memref_slice %arg6[%dma_wait3A_169, %dma_wait3A_170] : memref<1024x64xf32, #tpu.memory_space<vmem>> -> memref<128x64xf32, #tpu.memory_space<vmem>>
      %dma_wait3A_172 = arith.constant 0 : i32
      %dma_wait3A_173 = tpu.memref_slice %arg5[%dma_wait3A_168, %dma_wait3A_172] : memref<8x128xi32, #tpu.memory_space<vmem>> -> memref<1x128xi32, #tpu.memory_space<vmem>>
      %dma_wait3A_174 = tpu.memref_squeeze %dma_wait3A_173 : memref<1x128xi32, #tpu.memory_space<vmem>> -> memref<128xi32, #tpu.memory_space<vmem>>
      %dma_wait3A_175 = arith.constant 0 : i32
      %dma_wait3A_176 = arith.constant 0 : i32
      %dma_wait3A_177 = tpu.memref_slice %arg3[%dma_wait3A_175, %dma_wait3A_176] : memref<1000000x64xf32, #tpu.memory_space<hbm>> -> memref<1000000x64xf32, #tpu.memory_space<hbm>>
      tpu.wait_indirect_dma semaphore(%arg7 : memref<!tpu.dma_semaphore, #tpu.memory_space<semaphore_mem>>) src(%dma_wait3A_177 : memref<1000000x64xf32, #tpu.memory_space<hbm>>) dst(%dma_wait3A_171 : memref<128x64xf32, #tpu.memory_space<vmem>>)
      %dma_wait3A_178 = arith.constant 7 : i32
      %dma_wait3A_179 = arith.constant 896 : i32
      %dma_wait3A_180 = arith.constant 0 : i32
      %dma_wait3A_181 = tpu.memref_slice %arg6[%dma_wait3A_179, %dma_wait3A_180] : memref<1024x64xf32, #tpu.memory_space<vmem>> -> memref<128x64xf32, #tpu.memory_space<vmem>>
      %dma_wait3A_182 = arith.constant 0 : i32
      %dma_wait3A_183 = tpu.memref_slice %arg5[%dma_wait3A_178, %dma_wait3A_182] : memref<8x128xi32, #tpu.memory_space<vmem>> -> memref<1x128xi32, #tpu.memory_space<vmem>>
      %dma_wait3A_184 = tpu.memref_squeeze %dma_wait3A_183 : memref<1x128xi32, #tpu.memory_space<vmem>> -> memref<128xi32, #tpu.memory_space<vmem>>
      %dma_wait3A_185 = arith.constant 0 : i32
      %dma_wait3A_186 = arith.constant 0 : i32
      %dma_wait3A_187 = tpu.memref_slice %arg3[%dma_wait3A_185, %dma_wait3A_186] : memref<1000000x64xf32, #tpu.memory_space<hbm>> -> memref<1000000x64xf32, #tpu.memory_space<hbm>>
      tpu.wait_indirect_dma semaphore(%arg7 : memref<!tpu.dma_semaphore, #tpu.memory_space<semaphore_mem>>) src(%dma_wait3A_187 : memref<1000000x64xf32, #tpu.memory_space<hbm>>) dst(%dma_wait3A_181 : memref<128x64xf32, #tpu.memory_space<vmem>>)
      "tpu.region"() ({
        %run_scoped3A_188 = tpu.sem_alloc : memref<!tpu.dma_semaphore, #tpu.memory_space<semaphore_mem>>
        %dma_start3A_189 = arith.constant 0 : i32
        %dma_start3A_190 = arith.constant 0 : i32
        %dma_start3A_191 = tpu.memref_slice %arg4[%add3A_27, %dma_start3A_189, %dma_start3A_190] : memref<200x1024x64xf32, #tpu.memory_space<hbm>> -> memref<1x1024x64xf32, #tpu.memory_space<hbm>>
        %dma_start3A_192 = tpu.memref_squeeze %dma_start3A_191 : memref<1x1024x64xf32, #tpu.memory_space<hbm>> -> memref<1024x64xf32, #tpu.memory_space<hbm>>
        %dma_start3A_193 = arith.constant 0 : i32
        %dma_start3A_194 = arith.constant 0 : i32
        %dma_start3A_195 = tpu.memref_slice %arg4[%add3A_27, %dma_start3A_193, %dma_start3A_194] : memref<200x1024x64xf32, #tpu.memory_space<hbm>> -> memref<1x1024x64xf32, #tpu.memory_space<hbm>>
        %dma_start3A_196 = tpu.memref_squeeze %dma_start3A_195 : memref<1x1024x64xf32, #tpu.memory_space<hbm>> -> memref<1024x64xf32, #tpu.memory_space<hbm>>
        tpu.enqueue_dma source(%arg6 : memref<1024x64xf32, #tpu.memory_space<vmem>>) target(%dma_start3A_196 : memref<1024x64xf32, #tpu.memory_space<hbm>>) target_semaphore(%run_scoped3A_188 : memref<!tpu.dma_semaphore, #tpu.memory_space<semaphore_mem>>)
        %dma_wait3A_197 = arith.constant 0 : i32
        %dma_wait3A_198 = arith.constant 0 : i32
        %dma_wait3A_199 = tpu.memref_slice %arg4[%add3A_27, %dma_wait3A_197, %dma_wait3A_198] : memref<200x1024x64xf32, #tpu.memory_space<hbm>> -> memref<1x1024x64xf32, #tpu.memory_space<hbm>>
        %dma_wait3A_200 = tpu.memref_squeeze %dma_wait3A_199 : memref<1x1024x64xf32, #tpu.memory_space<hbm>> -> memref<1024x64xf32, #tpu.memory_space<hbm>>
        %dma_wait3A_201 = arith.constant 0 : i32
        %dma_wait3A_202 = arith.constant 0 : i32
        %dma_wait3A_203 = tpu.memref_slice %arg4[%add3A_27, %dma_wait3A_201, %dma_wait3A_202] : memref<200x1024x64xf32, #tpu.memory_space<hbm>> -> memref<1x1024x64xf32, #tpu.memory_space<hbm>>
        %dma_wait3A_204 = tpu.memref_squeeze %dma_wait3A_203 : memref<1x1024x64xf32, #tpu.memory_space<hbm>> -> memref<1024x64xf32, #tpu.memory_space<hbm>>
        tpu.wait_dma2 semaphore(%run_scoped3A_188 : memref<!tpu.dma_semaphore, #tpu.memory_space<semaphore_mem>>) src(%arg6 : memref<1024x64xf32, #tpu.memory_space<vmem>>) dst(%dma_wait3A_204 : memref<1024x64xf32, #tpu.memory_space<hbm>>)
        tpu.yield
      }) : () -> ()
    }
    %while3A_21 = arith.constant 1 : i32
    scf.for %while3A_22 = %while3A_19 to %while3A_15 step %while3A_21  : i32 {
      %add3A_23 = arith.constant 1 : i32
      %add3A_24 = arith.addi %add3A_23, %add3A : i32
      %mul3A_25 = arith.constant 32 : i32
      %mul3A_26 = arith.muli %while3A_22, %mul3A_25 : i32
      %add3A_27 = arith.addi %add3A_24, %mul3A_26 : i32
      %mul3A_28 = arith.constant 8 : i32
      %mul3A_29 = arith.muli %add3A_27, %mul3A_28 : i32
      "tpu.region"() ({
        %run_scoped3A_188 = tpu.sem_alloc : memref<!tpu.dma_semaphore, #tpu.memory_space<semaphore_mem>>
        %dma_start3A_189 = arith.constant 0 : i32
        %dma_start3A_190 = tpu.memref_slice %arg2[%mul3A_29, %dma_start3A_189] : memref<1600x128xi32, #tpu.memory_space<hbm>> -> memref<8x128xi32, #tpu.memory_space<hbm>>
        %dma_start3A_191 = arith.constant 0 : i32
        %dma_start3A_192 = tpu.memref_slice %arg2[%mul3A_29, %dma_start3A_191] : memref<1600x128xi32, #tpu.memory_space<hbm>> -> memref<8x128xi32, #tpu.memory_space<hbm>>
        tpu.enqueue_dma source(%dma_start3A_192 : memref<8x128xi32, #tpu.memory_space<hbm>>) target(%arg5 : memref<8x128xi32, #tpu.memory_space<vmem>>) target_semaphore(%run_scoped3A_188 : memref<!tpu.dma_semaphore, #tpu.memory_space<semaphore_mem>>)
        %dma_wait3A_193 = arith.constant 0 : i32
        %dma_wait3A_194 = tpu.memref_slice %arg2[%mul3A_29, %dma_wait3A_193] : memref<1600x128xi32, #tpu.memory_space<hbm>> -> memref<8x128xi32, #tpu.memory_space<hbm>>
        %dma_wait3A_195 = arith.constant 0 : i32
        %dma_wait3A_196 = tpu.memref_slice %arg2[%mul3A_29, %dma_wait3A_195] : memref<1600x128xi32, #tpu.memory_space<hbm>> -> memref<8x128xi32, #tpu.memory_space<hbm>>
        tpu.wait_dma2 semaphore(%run_scoped3A_188 : memref<!tpu.dma_semaphore, #tpu.memory_space<semaphore_mem>>) src(%dma_wait3A_196 : memref<8x128xi32, #tpu.memory_space<hbm>>) dst(%arg5 : memref<8x128xi32, #tpu.memory_space<vmem>>)
        tpu.yield
      }) : () -> ()
      %dma_start3A = arith.constant 0 : i32
      %dma_start3A_30 = arith.constant 0 : i32
      %dma_start3A_31 = arith.constant 0 : i32
      %dma_start3A_32 = tpu.memref_slice %arg6[%dma_start3A_30, %dma_start3A_31] : memref<1024x64xf32, #tpu.memory_space<vmem>> -> memref<128x64xf32, #tpu.memory_space<vmem>>
      %dma_start3A_33 = arith.constant 0 : i32
      %dma_start3A_34 = tpu.memref_slice %arg5[%dma_start3A, %dma_start3A_33] : memref<8x128xi32, #tpu.memory_space<vmem>> -> memref<1x128xi32, #tpu.memory_space<vmem>>
      %dma_start3A_35 = tpu.memref_squeeze %dma_start3A_34 : memref<1x128xi32, #tpu.memory_space<vmem>> -> memref<128xi32, #tpu.memory_space<vmem>>
      %dma_start3A_36 = arith.constant 0 : i32
      %dma_start3A_37 = arith.constant 0 : i32
      %dma_start3A_38 = tpu.memref_slice %arg3[%dma_start3A_36, %dma_start3A_37] : memref<1000000x64xf32, #tpu.memory_space<hbm>> -> memref<1000000x64xf32, #tpu.memory_space<hbm>>
      tpu.enqueue_indirect_dma source(%dma_start3A_38 : memref<1000000x64xf32, #tpu.memory_space<hbm>>) target(%dma_start3A_32 : memref<128x64xf32, #tpu.memory_space<vmem>>) offsets(%dma_start3A_35 : memref<128xi32, #tpu.memory_space<vmem>>) semaphore(%arg7 : memref<!tpu.dma_semaphore, #tpu.memory_space<semaphore_mem>>)
      %dma_start3A_39 = arith.constant 1 : i32
      %dma_start3A_40 = arith.constant 128 : i32
      %dma_start3A_41 = arith.constant 0 : i32
      %dma_start3A_42 = tpu.memref_slice %arg6[%dma_start3A_40, %dma_start3A_41] : memref<1024x64xf32, #tpu.memory_space<vmem>> -> memref<128x64xf32, #tpu.memory_space<vmem>>
      %dma_start3A_43 = arith.constant 0 : i32
      %dma_start3A_44 = tpu.memref_slice %arg5[%dma_start3A_39, %dma_start3A_43] : memref<8x128xi32, #tpu.memory_space<vmem>> -> memref<1x128xi32, #tpu.memory_space<vmem>>
      %dma_start3A_45 = tpu.memref_squeeze %dma_start3A_44 : memref<1x128xi32, #tpu.memory_space<vmem>> -> memref<128xi32, #tpu.memory_space<vmem>>
      %dma_start3A_46 = arith.constant 0 : i32
      %dma_start3A_47 = arith.constant 0 : i32
      %dma_start3A_48 = tpu.memref_slice %arg3[%dma_start3A_46, %dma_start3A_47] : memref<1000000x64xf32, #tpu.memory_space<hbm>> -> memref<1000000x64xf32, #tpu.memory_space<hbm>>
      tpu.enqueue_indirect_dma source(%dma_start3A_48 : memref<1000000x64xf32, #tpu.memory_space<hbm>>) target(%dma_start3A_42 : memref<128x64xf32, #tpu.memory_space<vmem>>) offsets(%dma_start3A_45 : memref<128xi32, #tpu.memory_space<vmem>>) semaphore(%arg7 : memref<!tpu.dma_semaphore, #tpu.memory_space<semaphore_mem>>)
      %dma_start3A_49 = arith.constant 2 : i32
      %dma_start3A_50 = arith.constant 256 : i32
      %dma_start3A_51 = arith.constant 0 : i32
      %dma_start3A_52 = tpu.memref_slice %arg6[%dma_start3A_50, %dma_start3A_51] : memref<1024x64xf32, #tpu.memory_space<vmem>> -> memref<128x64xf32, #tpu.memory_space<vmem>>
      %dma_start3A_53 = arith.constant 0 : i32
      %dma_start3A_54 = tpu.memref_slice %arg5[%dma_start3A_49, %dma_start3A_53] : memref<8x128xi32, #tpu.memory_space<vmem>> -> memref<1x128xi32, #tpu.memory_space<vmem>>
      %dma_start3A_55 = tpu.memref_squeeze %dma_start3A_54 : memref<1x128xi32, #tpu.memory_space<vmem>> -> memref<128xi32, #tpu.memory_space<vmem>>
      %dma_start3A_56 = arith.constant 0 : i32
      %dma_start3A_57 = arith.constant 0 : i32
      %dma_start3A_58 = tpu.memref_slice %arg3[%dma_start3A_56, %dma_start3A_57] : memref<1000000x64xf32, #tpu.memory_space<hbm>> -> memref<1000000x64xf32, #tpu.memory_space<hbm>>
      tpu.enqueue_indirect_dma source(%dma_start3A_58 : memref<1000000x64xf32, #tpu.memory_space<hbm>>) target(%dma_start3A_52 : memref<128x64xf32, #tpu.memory_space<vmem>>) offsets(%dma_start3A_55 : memref<128xi32, #tpu.memory_space<vmem>>) semaphore(%arg7 : memref<!tpu.dma_semaphore, #tpu.memory_space<semaphore_mem>>)
      %dma_start3A_59 = arith.constant 3 : i32
      %dma_start3A_60 = arith.constant 384 : i32
      %dma_start3A_61 = arith.constant 0 : i32
      %dma_start3A_62 = tpu.memref_slice %arg6[%dma_start3A_60, %dma_start3A_61] : memref<1024x64xf32, #tpu.memory_space<vmem>> -> memref<128x64xf32, #tpu.memory_space<vmem>>
      %dma_start3A_63 = arith.constant 0 : i32
      %dma_start3A_64 = tpu.memref_slice %arg5[%dma_start3A_59, %dma_start3A_63] : memref<8x128xi32, #tpu.memory_space<vmem>> -> memref<1x128xi32, #tpu.memory_space<vmem>>
      %dma_start3A_65 = tpu.memref_squeeze %dma_start3A_64 : memref<1x128xi32, #tpu.memory_space<vmem>> -> memref<128xi32, #tpu.memory_space<vmem>>
      %dma_start3A_66 = arith.constant 0 : i32
      %dma_start3A_67 = arith.constant 0 : i32
      %dma_start3A_68 = tpu.memref_slice %arg3[%dma_start3A_66, %dma_start3A_67] : memref<1000000x64xf32, #tpu.memory_space<hbm>> -> memref<1000000x64xf32, #tpu.memory_space<hbm>>
      tpu.enqueue_indirect_dma source(%dma_start3A_68 : memref<1000000x64xf32, #tpu.memory_space<hbm>>) target(%dma_start3A_62 : memref<128x64xf32, #tpu.memory_space<vmem>>) offsets(%dma_start3A_65 : memref<128xi32, #tpu.memory_space<vmem>>) semaphore(%arg7 : memref<!tpu.dma_semaphore, #tpu.memory_space<semaphore_mem>>)
      %dma_start3A_69 = arith.constant 4 : i32
      %dma_start3A_70 = arith.constant 512 : i32
      %dma_start3A_71 = arith.constant 0 : i32
      %dma_start3A_72 = tpu.memref_slice %arg6[%dma_start3A_70, %dma_start3A_71] : memref<1024x64xf32, #tpu.memory_space<vmem>> -> memref<128x64xf32, #tpu.memory_space<vmem>>
      %dma_start3A_73 = arith.constant 0 : i32
      %dma_start3A_74 = tpu.memref_slice %arg5[%dma_start3A_69, %dma_start3A_73] : memref<8x128xi32, #tpu.memory_space<vmem>> -> memref<1x128xi32, #tpu.memory_space<vmem>>
      %dma_start3A_75 = tpu.memref_squeeze %dma_start3A_74 : memref<1x128xi32, #tpu.memory_space<vmem>> -> memref<128xi32, #tpu.memory_space<vmem>>
      %dma_start3A_76 = arith.constant 0 : i32
      %dma_start3A_77 = arith.constant 0 : i32
      %dma_start3A_78 = tpu.memref_slice %arg3[%dma_start3A_76, %dma_start3A_77] : memref<1000000x64xf32, #tpu.memory_space<hbm>> -> memref<1000000x64xf32, #tpu.memory_space<hbm>>
      tpu.enqueue_indirect_dma source(%dma_start3A_78 : memref<1000000x64xf32, #tpu.memory_space<hbm>>) target(%dma_start3A_72 : memref<128x64xf32, #tpu.memory_space<vmem>>) offsets(%dma_start3A_75 : memref<128xi32, #tpu.memory_space<vmem>>) semaphore(%arg7 : memref<!tpu.dma_semaphore, #tpu.memory_space<semaphore_mem>>)
      %dma_start3A_79 = arith.constant 5 : i32
      %dma_start3A_80 = arith.constant 640 : i32
      %dma_start3A_81 = arith.constant 0 : i32
      %dma_start3A_82 = tpu.memref_slice %arg6[%dma_start3A_80, %dma_start3A_81] : memref<1024x64xf32, #tpu.memory_space<vmem>> -> memref<128x64xf32, #tpu.memory_space<vmem>>
      %dma_start3A_83 = arith.constant 0 : i32
      %dma_start3A_84 = tpu.memref_slice %arg5[%dma_start3A_79, %dma_start3A_83] : memref<8x128xi32, #tpu.memory_space<vmem>> -> memref<1x128xi32, #tpu.memory_space<vmem>>
      %dma_start3A_85 = tpu.memref_squeeze %dma_start3A_84 : memref<1x128xi32, #tpu.memory_space<vmem>> -> memref<128xi32, #tpu.memory_space<vmem>>
      %dma_start3A_86 = arith.constant 0 : i32
      %dma_start3A_87 = arith.constant 0 : i32
      %dma_start3A_88 = tpu.memref_slice %arg3[%dma_start3A_86, %dma_start3A_87] : memref<1000000x64xf32, #tpu.memory_space<hbm>> -> memref<1000000x64xf32, #tpu.memory_space<hbm>>
      tpu.enqueue_indirect_dma source(%dma_start3A_88 : memref<1000000x64xf32, #tpu.memory_space<hbm>>) target(%dma_start3A_82 : memref<128x64xf32, #tpu.memory_space<vmem>>) offsets(%dma_start3A_85 : memref<128xi32, #tpu.memory_space<vmem>>) semaphore(%arg7 : memref<!tpu.dma_semaphore, #tpu.memory_space<semaphore_mem>>)
      %dma_start3A_89 = arith.constant 6 : i32
      %dma_start3A_90 = arith.constant 768 : i32
      %dma_start3A_91 = arith.constant 0 : i32
      %dma_start3A_92 = tpu.memref_slice %arg6[%dma_start3A_90, %dma_start3A_91] : memref<1024x64xf32, #tpu.memory_space<vmem>> -> memref<128x64xf32, #tpu.memory_space<vmem>>
      %dma_start3A_93 = arith.constant 0 : i32
      %dma_start3A_94 = tpu.memref_slice %arg5[%dma_start3A_89, %dma_start3A_93] : memref<8x128xi32, #tpu.memory_space<vmem>> -> memref<1x128xi32, #tpu.memory_space<vmem>>
      %dma_start3A_95 = tpu.memref_squeeze %dma_start3A_94 : memref<1x128xi32, #tpu.memory_space<vmem>> -> memref<128xi32, #tpu.memory_space<vmem>>
      %dma_start3A_96 = arith.constant 0 : i32
      %dma_start3A_97 = arith.constant 0 : i32
      %dma_start3A_98 = tpu.memref_slice %arg3[%dma_start3A_96, %dma_start3A_97] : memref<1000000x64xf32, #tpu.memory_space<hbm>> -> memref<1000000x64xf32, #tpu.memory_space<hbm>>
      tpu.enqueue_indirect_dma source(%dma_start3A_98 : memref<1000000x64xf32, #tpu.memory_space<hbm>>) target(%dma_start3A_92 : memref<128x64xf32, #tpu.memory_space<vmem>>) offsets(%dma_start3A_95 : memref<128xi32, #tpu.memory_space<vmem>>) semaphore(%arg7 : memref<!tpu.dma_semaphore, #tpu.memory_space<semaphore_mem>>)
      %dma_start3A_99 = arith.constant 7 : i32
      %dma_start3A_100 = arith.constant 896 : i32
      %dma_start3A_101 = arith.constant 0 : i32
      %dma_start3A_102 = tpu.memref_slice %arg6[%dma_start3A_100, %dma_start3A_101] : memref<1024x64xf32, #tpu.memory_space<vmem>> -> memref<128x64xf32, #tpu.memory_space<vmem>>
      %dma_start3A_103 = arith.constant 0 : i32
      %dma_start3A_104 = tpu.memref_slice %arg5[%dma_start3A_99, %dma_start3A_103] : memref<8x128xi32, #tpu.memory_space<vmem>> -> memref<1x128xi32, #tpu.memory_space<vmem>>
      %dma_start3A_105 = tpu.memref_squeeze %dma_start3A_104 : memref<1x128xi32, #tpu.memory_space<vmem>> -> memref<128xi32, #tpu.memory_space<vmem>>
      %dma_start3A_106 = arith.constant 0 : i32
      %dma_start3A_107 = arith.constant 0 : i32
      %dma_start3A_108 = tpu.memref_slice %arg3[%dma_start3A_106, %dma_start3A_107] : memref<1000000x64xf32, #tpu.memory_space<hbm>> -> memref<1000000x64xf32, #tpu.memory_space<hbm>>
      tpu.enqueue_indirect_dma source(%dma_start3A_108 : memref<1000000x64xf32, #tpu.memory_space<hbm>>) target(%dma_start3A_102 : memref<128x64xf32, #tpu.memory_space<vmem>>) offsets(%dma_start3A_105 : memref<128xi32, #tpu.memory_space<vmem>>) semaphore(%arg7 : memref<!tpu.dma_semaphore, #tpu.memory_space<semaphore_mem>>)
      %dma_wait3A = arith.constant 0 : i32
      %dma_wait3A_109 = arith.constant 0 : i32
      %dma_wait3A_110 = arith.constant 0 : i32
      %dma_wait3A_111 = tpu.memref_slice %arg6[%dma_wait3A_109, %dma_wait3A_110] : memref<1024x64xf32, #tpu.memory_space<vmem>> -> memref<128x64xf32, #tpu.memory_space<vmem>>
      %dma_wait3A_112 = arith.constant 0 : i32
      %dma_wait3A_113 = tpu.memref_slice %arg5[%dma_wait3A, %dma_wait3A_112] : memref<8x128xi32, #tpu.memory_space<vmem>> -> memref<1x128xi32, #tpu.memory_space<vmem>>
      %dma_wait3A_114 = tpu.memref_squeeze %dma_wait3A_113 : memref<1x128xi32, #tpu.memory_space<vmem>> -> memref<128xi32, #tpu.memory_space<vmem>>
      %dma_wait3A_115 = arith.constant 0 : i32
      %dma_wait3A_116 = arith.constant 0 : i32
      %dma_wait3A_117 = tpu.memref_slice %arg3[%dma_wait3A_115, %dma_wait3A_116] : memref<1000000x64xf32, #tpu.memory_space<hbm>> -> memref<1000000x64xf32, #tpu.memory_space<hbm>>
      tpu.wait_indirect_dma semaphore(%arg7 : memref<!tpu.dma_semaphore, #tpu.memory_space<semaphore_mem>>) src(%dma_wait3A_117 : memref<1000000x64xf32, #tpu.memory_space<hbm>>) dst(%dma_wait3A_111 : memref<128x64xf32, #tpu.memory_space<vmem>>)
      %dma_wait3A_118 = arith.constant 1 : i32
      %dma_wait3A_119 = arith.constant 128 : i32
      %dma_wait3A_120 = arith.constant 0 : i32
      %dma_wait3A_121 = tpu.memref_slice %arg6[%dma_wait3A_119, %dma_wait3A_120] : memref<1024x64xf32, #tpu.memory_space<vmem>> -> memref<128x64xf32, #tpu.memory_space<vmem>>
      %dma_wait3A_122 = arith.constant 0 : i32
      %dma_wait3A_123 = tpu.memref_slice %arg5[%dma_wait3A_118, %dma_wait3A_122] : memref<8x128xi32, #tpu.memory_space<vmem>> -> memref<1x128xi32, #tpu.memory_space<vmem>>
      %dma_wait3A_124 = tpu.memref_squeeze %dma_wait3A_123 : memref<1x128xi32, #tpu.memory_space<vmem>> -> memref<128xi32, #tpu.memory_space<vmem>>
      %dma_wait3A_125 = arith.constant 0 : i32
      %dma_wait3A_126 = arith.constant 0 : i32
      %dma_wait3A_127 = tpu.memref_slice %arg3[%dma_wait3A_125, %dma_wait3A_126] : memref<1000000x64xf32, #tpu.memory_space<hbm>> -> memref<1000000x64xf32, #tpu.memory_space<hbm>>
      tpu.wait_indirect_dma semaphore(%arg7 : memref<!tpu.dma_semaphore, #tpu.memory_space<semaphore_mem>>) src(%dma_wait3A_127 : memref<1000000x64xf32, #tpu.memory_space<hbm>>) dst(%dma_wait3A_121 : memref<128x64xf32, #tpu.memory_space<vmem>>)
      %dma_wait3A_128 = arith.constant 2 : i32
      %dma_wait3A_129 = arith.constant 256 : i32
      %dma_wait3A_130 = arith.constant 0 : i32
      %dma_wait3A_131 = tpu.memref_slice %arg6[%dma_wait3A_129, %dma_wait3A_130] : memref<1024x64xf32, #tpu.memory_space<vmem>> -> memref<128x64xf32, #tpu.memory_space<vmem>>
      %dma_wait3A_132 = arith.constant 0 : i32
      %dma_wait3A_133 = tpu.memref_slice %arg5[%dma_wait3A_128, %dma_wait3A_132] : memref<8x128xi32, #tpu.memory_space<vmem>> -> memref<1x128xi32, #tpu.memory_space<vmem>>
      %dma_wait3A_134 = tpu.memref_squeeze %dma_wait3A_133 : memref<1x128xi32, #tpu.memory_space<vmem>> -> memref<128xi32, #tpu.memory_space<vmem>>
      %dma_wait3A_135 = arith.constant 0 : i32
      %dma_wait3A_136 = arith.constant 0 : i32
      %dma_wait3A_137 = tpu.memref_slice %arg3[%dma_wait3A_135, %dma_wait3A_136] : memref<1000000x64xf32, #tpu.memory_space<hbm>> -> memref<1000000x64xf32, #tpu.memory_space<hbm>>
      tpu.wait_indirect_dma semaphore(%arg7 : memref<!tpu.dma_semaphore, #tpu.memory_space<semaphore_mem>>) src(%dma_wait3A_137 : memref<1000000x64xf32, #tpu.memory_space<hbm>>) dst(%dma_wait3A_131 : memref<128x64xf32, #tpu.memory_space<vmem>>)
      %dma_wait3A_138 = arith.constant 3 : i32
      %dma_wait3A_139 = arith.constant 384 : i32
      %dma_wait3A_140 = arith.constant 0 : i32
      %dma_wait3A_141 = tpu.memref_slice %arg6[%dma_wait3A_139, %dma_wait3A_140] : memref<1024x64xf32, #tpu.memory_space<vmem>> -> memref<128x64xf32, #tpu.memory_space<vmem>>
      %dma_wait3A_142 = arith.constant 0 : i32
      %dma_wait3A_143 = tpu.memref_slice %arg5[%dma_wait3A_138, %dma_wait3A_142] : memref<8x128xi32, #tpu.memory_space<vmem>> -> memref<1x128xi32, #tpu.memory_space<vmem>>
      %dma_wait3A_144 = tpu.memref_squeeze %dma_wait3A_143 : memref<1x128xi32, #tpu.memory_space<vmem>> -> memref<128xi32, #tpu.memory_space<vmem>>
      %dma_wait3A_145 = arith.constant 0 : i32
      %dma_wait3A_146 = arith.constant 0 : i32
      %dma_wait3A_147 = tpu.memref_slice %arg3[%dma_wait3A_145, %dma_wait3A_146] : memref<1000000x64xf32, #tpu.memory_space<hbm>> -> memref<1000000x64xf32, #tpu.memory_space<hbm>>
      tpu.wait_indirect_dma semaphore(%arg7 : memref<!tpu.dma_semaphore, #tpu.memory_space<semaphore_mem>>) src(%dma_wait3A_147 : memref<1000000x64xf32, #tpu.memory_space<hbm>>) dst(%dma_wait3A_141 : memref<128x64xf32, #tpu.memory_space<vmem>>)
      %dma_wait3A_148 = arith.constant 4 : i32
      %dma_wait3A_149 = arith.constant 512 : i32
      %dma_wait3A_150 = arith.constant 0 : i32
      %dma_wait3A_151 = tpu.memref_slice %arg6[%dma_wait3A_149, %dma_wait3A_150] : memref<1024x64xf32, #tpu.memory_space<vmem>> -> memref<128x64xf32, #tpu.memory_space<vmem>>
      %dma_wait3A_152 = arith.constant 0 : i32
      %dma_wait3A_153 = tpu.memref_slice %arg5[%dma_wait3A_148, %dma_wait3A_152] : memref<8x128xi32, #tpu.memory_space<vmem>> -> memref<1x128xi32, #tpu.memory_space<vmem>>
      %dma_wait3A_154 = tpu.memref_squeeze %dma_wait3A_153 : memref<1x128xi32, #tpu.memory_space<vmem>> -> memref<128xi32, #tpu.memory_space<vmem>>
      %dma_wait3A_155 = arith.constant 0 : i32
      %dma_wait3A_156 = arith.constant 0 : i32
      %dma_wait3A_157 = tpu.memref_slice %arg3[%dma_wait3A_155, %dma_wait3A_156] : memref<1000000x64xf32, #tpu.memory_space<hbm>> -> memref<1000000x64xf32, #tpu.memory_space<hbm>>
      tpu.wait_indirect_dma semaphore(%arg7 : memref<!tpu.dma_semaphore, #tpu.memory_space<semaphore_mem>>) src(%dma_wait3A_157 : memref<1000000x64xf32, #tpu.memory_space<hbm>>) dst(%dma_wait3A_151 : memref<128x64xf32, #tpu.memory_space<vmem>>)
      %dma_wait3A_158 = arith.constant 5 : i32
      %dma_wait3A_159 = arith.constant 640 : i32
      %dma_wait3A_160 = arith.constant 0 : i32
      %dma_wait3A_161 = tpu.memref_slice %arg6[%dma_wait3A_159, %dma_wait3A_160] : memref<1024x64xf32, #tpu.memory_space<vmem>> -> memref<128x64xf32, #tpu.memory_space<vmem>>
      %dma_wait3A_162 = arith.constant 0 : i32
      %dma_wait3A_163 = tpu.memref_slice %arg5[%dma_wait3A_158, %dma_wait3A_162] : memref<8x128xi32, #tpu.memory_space<vmem>> -> memref<1x128xi32, #tpu.memory_space<vmem>>
      %dma_wait3A_164 = tpu.memref_squeeze %dma_wait3A_163 : memref<1x128xi32, #tpu.memory_space<vmem>> -> memref<128xi32, #tpu.memory_space<vmem>>
      %dma_wait3A_165 = arith.constant 0 : i32
      %dma_wait3A_166 = arith.constant 0 : i32
      %dma_wait3A_167 = tpu.memref_slice %arg3[%dma_wait3A_165, %dma_wait3A_166] : memref<1000000x64xf32, #tpu.memory_space<hbm>> -> memref<1000000x64xf32, #tpu.memory_space<hbm>>
      tpu.wait_indirect_dma semaphore(%arg7 : memref<!tpu.dma_semaphore, #tpu.memory_space<semaphore_mem>>) src(%dma_wait3A_167 : memref<1000000x64xf32, #tpu.memory_space<hbm>>) dst(%dma_wait3A_161 : memref<128x64xf32, #tpu.memory_space<vmem>>)
      %dma_wait3A_168 = arith.constant 6 : i32
      %dma_wait3A_169 = arith.constant 768 : i32
      %dma_wait3A_170 = arith.constant 0 : i32
      %dma_wait3A_171 = tpu.memref_slice %arg6[%dma_wait3A_169, %dma_wait3A_170] : memref<1024x64xf32, #tpu.memory_space<vmem>> -> memref<128x64xf32, #tpu.memory_space<vmem>>
      %dma_wait3A_172 = arith.constant 0 : i32
      %dma_wait3A_173 = tpu.memref_slice %arg5[%dma_wait3A_168, %dma_wait3A_172] : memref<8x128xi32, #tpu.memory_space<vmem>> -> memref<1x128xi32, #tpu.memory_space<vmem>>
      %dma_wait3A_174 = tpu.memref_squeeze %dma_wait3A_173 : memref<1x128xi32, #tpu.memory_space<vmem>> -> memref<128xi32, #tpu.memory_space<vmem>>
      %dma_wait3A_175 = arith.constant 0 : i32
      %dma_wait3A_176 = arith.constant 0 : i32
      %dma_wait3A_177 = tpu.memref_slice %arg3[%dma_wait3A_175, %dma_wait3A_176] : memref<1000000x64xf32, #tpu.memory_space<hbm>> -> memref<1000000x64xf32, #tpu.memory_space<hbm>>
      tpu.wait_indirect_dma semaphore(%arg7 : memref<!tpu.dma_semaphore, #tpu.memory_space<semaphore_mem>>) src(%dma_wait3A_177 : memref<1000000x64xf32, #tpu.memory_space<hbm>>) dst(%dma_wait3A_171 : memref<128x64xf32, #tpu.memory_space<vmem>>)
      %dma_wait3A_178 = arith.constant 7 : i32
      %dma_wait3A_179 = arith.constant 896 : i32
      %dma_wait3A_180 = arith.constant 0 : i32
      %dma_wait3A_181 = tpu.memref_slice %arg6[%dma_wait3A_179, %dma_wait3A_180] : memref<1024x64xf32, #tpu.memory_space<vmem>> -> memref<128x64xf32, #tpu.memory_space<vmem>>
      %dma_wait3A_182 = arith.constant 0 : i32
      %dma_wait3A_183 = tpu.memref_slice %arg5[%dma_wait3A_178, %dma_wait3A_182] : memref<8x128xi32, #tpu.memory_space<vmem>> -> memref<1x128xi32, #tpu.memory_space<vmem>>
      %dma_wait3A_184 = tpu.memref_squeeze %dma_wait3A_183 : memref<1x128xi32, #tpu.memory_space<vmem>> -> memref<128xi32, #tpu.memory_space<vmem>>
      %dma_wait3A_185 = arith.constant 0 : i32
      %dma_wait3A_186 = arith.constant 0 : i32
      %dma_wait3A_187 = tpu.memref_slice %arg3[%dma_wait3A_185, %dma_wait3A_186] : memref<1000000x64xf32, #tpu.memory_space<hbm>> -> memref<1000000x64xf32, #tpu.memory_space<hbm>>
      tpu.wait_indirect_dma semaphore(%arg7 : memref<!tpu.dma_semaphore, #tpu.memory_space<semaphore_mem>>) src(%dma_wait3A_187 : memref<1000000x64xf32, #tpu.memory_space<hbm>>) dst(%dma_wait3A_181 : memref<128x64xf32, #tpu.memory_space<vmem>>)
      "tpu.region"() ({
        %run_scoped3A_188 = tpu.sem_alloc : memref<!tpu.dma_semaphore, #tpu.memory_space<semaphore_mem>>
        %dma_start3A_189 = arith.constant 0 : i32
        %dma_start3A_190 = arith.constant 0 : i32
        %dma_start3A_191 = tpu.memref_slice %arg4[%add3A_27, %dma_start3A_189, %dma_start3A_190] : memref<200x1024x64xf32, #tpu.memory_space<hbm>> -> memref<1x1024x64xf32, #tpu.memory_space<hbm>>
        %dma_start3A_192 = tpu.memref_squeeze %dma_start3A_191 : memref<1x1024x64xf32, #tpu.memory_space<hbm>> -> memref<1024x64xf32, #tpu.memory_space<hbm>>
        %dma_start3A_193 = arith.constant 0 : i32
        %dma_start3A_194 = arith.constant 0 : i32
        %dma_start3A_195 = tpu.memref_slice %arg4[%add3A_27, %dma_start3A_193, %dma_start3A_194] : memref<200x1024x64xf32, #tpu.memory_space<hbm>> -> memref<1x1024x64xf32, #tpu.memory_space<hbm>>
        %dma_start3A_196 = tpu.memref_squeeze %dma_start3A_195 : memref<1x1024x64xf32, #tpu.memory_space<hbm>> -> memref<1024x64xf32, #tpu.memory_space<hbm>>
        tpu.enqueue_dma source(%arg6 : memref<1024x64xf32, #tpu.memory_space<vmem>>) target(%dma_start3A_196 : memref<1024x64xf32, #tpu.memory_space<hbm>>) target_semaphore(%run_scoped3A_188 : memref<!tpu.dma_semaphore, #tpu.memory_space<semaphore_mem>>)
        %dma_wait3A_197 = arith.constant 0 : i32
        %dma_wait3A_198 = arith.constant 0 : i32
        %dma_wait3A_199 = tpu.memref_slice %arg4[%add3A_27, %dma_wait3A_197, %dma_wait3A_198] : memref<200x1024x64xf32, #tpu.memory_space<hbm>> -> memref<1x1024x64xf32, #tpu.memory_space<hbm>>
        %dma_wait3A_200 = tpu.memref_squeeze %dma_wait3A_199 : memref<1x1024x64xf32, #tpu.memory_space<hbm>> -> memref<1024x64xf32, #tpu.memory_space<hbm>>
        %dma_wait3A_201 = arith.constant 0 : i32
        %dma_wait3A_202 = arith.constant 0 : i32
        %dma_wait3A_203 = tpu.memref_slice %arg4[%add3A_27, %dma_wait3A_201, %dma_wait3A_202] : memref<200x1024x64xf32, #tpu.memory_space<hbm>> -> memref<1x1024x64xf32, #tpu.memory_space<hbm>>
        %dma_wait3A_204 = tpu.memref_squeeze %dma_wait3A_203 : memref<1x1024x64xf32, #tpu.memory_space<hbm>> -> memref<1024x64xf32, #tpu.memory_space<hbm>>
        tpu.wait_dma2 semaphore(%run_scoped3A_188 : memref<!tpu.dma_semaphore, #tpu.memory_space<semaphore_mem>>) src(%arg6 : memref<1024x64xf32, #tpu.memory_space<vmem>>) dst(%dma_wait3A_204 : memref<1024x64xf32, #tpu.memory_space<hbm>>)
        tpu.yield
      }) : () -> ()
    }
    return
  }
}

#map = affine_map<(d0, d1) -> (0, 0)>
#map1 = affine_map<(d0, d1) -> (0, 0, 0)>
module attributes {stable_mosaic.version = 14 : i64} {
  func.func @pos_gather(%arg0: i32, %arg1: i32, %arg2: memref<1600x128xi32, #tpu.memory_space<hbm>>, %arg3: memref<200x64xf32, #tpu.memory_space<hbm>>, %arg4: memref<200x1024x64xf32, #tpu.memory_space<hbm>>, %arg5: memref<8x128xi32, #tpu.memory_space<vmem>>, %arg6: memref<1024x64xf32, #tpu.memory_space<vmem>>, %arg7: memref<!tpu.dma_semaphore, #tpu.memory_space<semaphore_mem>>) attributes {dimension_semantics = [#tpu.dimension_semantics<core_parallel>, #tpu.dimension_semantics<subcore_parallel>], iteration_bounds = array<i64: 2, 16>, scalar_prefetch = 0 : i64, scratch_operands = 3 : i64, tpu.core_type = #tpu.core_type<sc_vector_subcore>, window_params = [{transform_indices = #map}, {transform_indices = #map}, {transform_indices = #map1}]} {
    %mul3A = arith.constant 2 : i32
    %mul3A_0 = arith.muli %arg1, %mul3A : i32
    %add3A = arith.addi %mul3A_0, %arg0 : i32
    %broadcast_in_dim3A = arith.constant 0.000000e+00 : f32
    %broadcast_in_dim3A_1 = vector.broadcast %broadcast_in_dim3A : f32 to vector<16xf32>
    %scan3A = arith.constant 0 : i32
    %scan3A_2 = arith.constant 0 : i32
    %scan3A_3 = arith.constant 32 : i32
    %scan3A_4 = arith.addi %scan3A_2, %scan3A_3 : i32
    %scan3A_5 = arith.constant 1 : i32
    scf.for %scan3A_22 = %scan3A_2 to %scan3A_4 step %scan3A_5  : i32 {
      %swap3A = arith.index_cast %scan3A_22 : i32 to index
      %swap3A_23 = arith.constant 0 : index
      %swap3A_24 = tpu.vector_load %arg6[%swap3A, %swap3A_23] {strides = array<i32>} : memref<1024x64xf32, #tpu.memory_space<vmem>>, vector<1x16xf32>,
      %swap3A_25 = vector.shape_cast %swap3A_24 : vector<1x16xf32> to vector<16xf32>
      %swap3A_26 = vector.shape_cast %broadcast_in_dim3A_1 : vector<16xf32> to vector<1x16xf32>
      tpu.vector_store %arg6[%swap3A, %swap3A_23], %swap3A_26 {strides = array<i32>} : memref<1024x64xf32, #tpu.memory_space<vmem>>, vector<1x16xf32>,
      %swap3A_27 = arith.index_cast %scan3A_22 : i32 to index
      %swap3A_28 = arith.constant 16 : index
      %swap3A_29 = tpu.vector_load %arg6[%swap3A_27, %swap3A_28] {strides = array<i32>} : memref<1024x64xf32, #tpu.memory_space<vmem>>, vector<1x16xf32>,
      %swap3A_30 = vector.shape_cast %swap3A_29 : vector<1x16xf32> to vector<16xf32>
      %swap3A_31 = vector.shape_cast %broadcast_in_dim3A_1 : vector<16xf32> to vector<1x16xf32>
      tpu.vector_store %arg6[%swap3A_27, %swap3A_28], %swap3A_31 {strides = array<i32>} : memref<1024x64xf32, #tpu.memory_space<vmem>>, vector<1x16xf32>,
      %swap3A_32 = arith.index_cast %scan3A_22 : i32 to index
      %swap3A_33 = arith.constant 32 : index
      %swap3A_34 = tpu.vector_load %arg6[%swap3A_32, %swap3A_33] {strides = array<i32>} : memref<1024x64xf32, #tpu.memory_space<vmem>>, vector<1x16xf32>,
      %swap3A_35 = vector.shape_cast %swap3A_34 : vector<1x16xf32> to vector<16xf32>
      %swap3A_36 = vector.shape_cast %broadcast_in_dim3A_1 : vector<16xf32> to vector<1x16xf32>
      tpu.vector_store %arg6[%swap3A_32, %swap3A_33], %swap3A_36 {strides = array<i32>} : memref<1024x64xf32, #tpu.memory_space<vmem>>, vector<1x16xf32>,
      %swap3A_37 = arith.index_cast %scan3A_22 : i32 to index
      %swap3A_38 = arith.constant 48 : index
      %swap3A_39 = tpu.vector_load %arg6[%swap3A_37, %swap3A_38] {strides = array<i32>} : memref<1024x64xf32, #tpu.memory_space<vmem>>, vector<1x16xf32>,
      %swap3A_40 = vector.shape_cast %swap3A_39 : vector<1x16xf32> to vector<16xf32>
      %swap3A_41 = vector.shape_cast %broadcast_in_dim3A_1 : vector<16xf32> to vector<1x16xf32>
      tpu.vector_store %arg6[%swap3A_37, %swap3A_38], %swap3A_41 {strides = array<i32>} : memref<1024x64xf32, #tpu.memory_space<vmem>>, vector<1x16xf32>,
    }
    %scan3A_6 = arith.constant 32 : i32
    %mul3A_7 = arith.constant 32 : i32
    %mul3A_8 = arith.muli %add3A, %mul3A_7 : i32
    %run_scoped3A = arith.constant 0 : i32
    "tpu.region"() ({
      %run_scoped3A_22 = tpu.sem_alloc : memref<!tpu.dma_semaphore, #tpu.memory_space<semaphore_mem>>
      %dma_start3A = arith.constant 0 : i32
      %dma_start3A_23 = arith.constant 0 : i32
      %dma_start3A_24 = tpu.memref_slice %arg6[%dma_start3A, %dma_start3A_23] : memref<1024x64xf32, #tpu.memory_space<vmem>> -> memref<32x64xf32, #tpu.memory_space<vmem>>
      %dma_start3A_25 = arith.constant 0 : i32
      %dma_start3A_26 = tpu.memref_slice %arg4[%run_scoped3A, %mul3A_8, %dma_start3A_25] : memref<200x1024x64xf32, #tpu.memory_space<hbm>> -> memref<1x32x64xf32, #tpu.memory_space<hbm>>
      %dma_start3A_27 = tpu.memref_squeeze %dma_start3A_26 : memref<1x32x64xf32, #tpu.memory_space<hbm>> -> memref<32x64xf32, #tpu.memory_space<hbm>>
      %dma_start3A_28 = arith.constant 0 : i32
      %dma_start3A_29 = tpu.memref_slice %arg4[%run_scoped3A, %mul3A_8, %dma_start3A_28] : memref<200x1024x64xf32, #tpu.memory_space<hbm>> -> memref<1x32x64xf32, #tpu.memory_space<hbm>>
      %dma_start3A_30 = tpu.memref_squeeze %dma_start3A_29 : memref<1x32x64xf32, #tpu.memory_space<hbm>> -> memref<32x64xf32, #tpu.memory_space<hbm>>
      %dma_start3A_31 = arith.constant 0 : i32
      %dma_start3A_32 = arith.constant 0 : i32
      %dma_start3A_33 = tpu.memref_slice %arg6[%dma_start3A_31, %dma_start3A_32] : memref<1024x64xf32, #tpu.memory_space<vmem>> -> memref<32x64xf32, #tpu.memory_space<vmem>>
      tpu.enqueue_dma source(%dma_start3A_33 : memref<32x64xf32, #tpu.memory_space<vmem>>) target(%dma_start3A_30 : memref<32x64xf32, #tpu.memory_space<hbm>>) target_semaphore(%run_scoped3A_22 : memref<!tpu.dma_semaphore, #tpu.memory_space<semaphore_mem>>)
      %dma_wait3A = arith.constant 0 : i32
      %dma_wait3A_34 = arith.constant 0 : i32
      %dma_wait3A_35 = tpu.memref_slice %arg6[%dma_wait3A, %dma_wait3A_34] : memref<1024x64xf32, #tpu.memory_space<vmem>> -> memref<32x64xf32, #tpu.memory_space<vmem>>
      %dma_wait3A_36 = arith.constant 0 : i32
      %dma_wait3A_37 = tpu.memref_slice %arg4[%run_scoped3A, %mul3A_8, %dma_wait3A_36] : memref<200x1024x64xf32, #tpu.memory_space<hbm>> -> memref<1x32x64xf32, #tpu.memory_space<hbm>>
      %dma_wait3A_38 = tpu.memref_squeeze %dma_wait3A_37 : memref<1x32x64xf32, #tpu.memory_space<hbm>> -> memref<32x64xf32, #tpu.memory_space<hbm>>
      %dma_wait3A_39 = arith.constant 0 : i32
      %dma_wait3A_40 = tpu.memref_slice %arg4[%run_scoped3A, %mul3A_8, %dma_wait3A_39] : memref<200x1024x64xf32, #tpu.memory_space<hbm>> -> memref<1x32x64xf32, #tpu.memory_space<hbm>>
      %dma_wait3A_41 = tpu.memref_squeeze %dma_wait3A_40 : memref<1x32x64xf32, #tpu.memory_space<hbm>> -> memref<32x64xf32, #tpu.memory_space<hbm>>
      %dma_wait3A_42 = arith.constant 0 : i32
      %dma_wait3A_43 = arith.constant 0 : i32
      %dma_wait3A_44 = tpu.memref_slice %arg6[%dma_wait3A_42, %dma_wait3A_43] : memref<1024x64xf32, #tpu.memory_space<vmem>> -> memref<32x64xf32, #tpu.memory_space<vmem>>
      tpu.wait_dma2 semaphore(%run_scoped3A_22 : memref<!tpu.dma_semaphore, #tpu.memory_space<semaphore_mem>>) src(%dma_wait3A_44 : memref<32x64xf32, #tpu.memory_space<vmem>>) dst(%dma_wait3A_41 : memref<32x64xf32, #tpu.memory_space<hbm>>)
      tpu.yield
    }) : () -> ()
    %lt3A = arith.constant 7 : i32
    %lt3A_9 = arith.cmpi slt, %add3A, %lt3A : i32
    %jit3A = arith.constant 1 : i32
    %jit3A_10 = arith.constant 0 : i32
    %select_n3A = arith.select %lt3A_9, %jit3A, %jit3A_10 : i32
    %add3A_11 = arith.constant 6 : i32
    %add3A_12 = arith.addi %add3A_11, %select_n3A : i32
    %while3A = arith.constant 0 : i32
    %while3A_13 = arith.constant 0 : i32
    %while3A_14 = arith.subi %add3A_12, %while3A_13 : i32
    %while3A_15 = arith.addi %while3A_13, %while3A_14 : i32
    %while3A_16 = arith.constant 1 : i32
    %while3A_17 = arith.divsi %while3A_14, %while3A_16 : i32
    %while3A_18 = arith.muli %while3A_17, %while3A_16 : i32
    %while3A_19 = arith.addi %while3A_13, %while3A_18 : i32
    %while3A_20 = arith.constant 1 : i32
    scf.for %while3A_22 = %while3A_13 to %while3A_19 step %while3A_20  : i32 {
      %add3A_23 = arith.constant 1 : i32
      %add3A_24 = arith.addi %add3A_23, %add3A : i32
      %mul3A_25 = arith.constant 32 : i32
      %mul3A_26 = arith.muli %while3A_22, %mul3A_25 : i32
      %add3A_27 = arith.addi %add3A_24, %mul3A_26 : i32
      %sub3A = arith.constant 1 : i32
      %sub3A_28 = arith.subi %add3A_27, %sub3A : i32
      %mul3A_29 = arith.constant 8 : i32
      %mul3A_30 = arith.muli %sub3A_28, %mul3A_29 : i32
      "tpu.region"() ({
        %run_scoped3A_189 = tpu.sem_alloc : memref<!tpu.dma_semaphore, #tpu.memory_space<semaphore_mem>>
        %dma_start3A_190 = arith.constant 0 : i32
        %dma_start3A_191 = tpu.memref_slice %arg2[%mul3A_30, %dma_start3A_190] : memref<1600x128xi32, #tpu.memory_space<hbm>> -> memref<8x128xi32, #tpu.memory_space<hbm>>
        %dma_start3A_192 = arith.constant 0 : i32
        %dma_start3A_193 = tpu.memref_slice %arg2[%mul3A_30, %dma_start3A_192] : memref<1600x128xi32, #tpu.memory_space<hbm>> -> memref<8x128xi32, #tpu.memory_space<hbm>>
        tpu.enqueue_dma source(%dma_start3A_193 : memref<8x128xi32, #tpu.memory_space<hbm>>) target(%arg5 : memref<8x128xi32, #tpu.memory_space<vmem>>) target_semaphore(%run_scoped3A_189 : memref<!tpu.dma_semaphore, #tpu.memory_space<semaphore_mem>>)
        %dma_wait3A_194 = arith.constant 0 : i32
        %dma_wait3A_195 = tpu.memref_slice %arg2[%mul3A_30, %dma_wait3A_194] : memref<1600x128xi32, #tpu.memory_space<hbm>> -> memref<8x128xi32, #tpu.memory_space<hbm>>
        %dma_wait3A_196 = arith.constant 0 : i32
        %dma_wait3A_197 = tpu.memref_slice %arg2[%mul3A_30, %dma_wait3A_196] : memref<1600x128xi32, #tpu.memory_space<hbm>> -> memref<8x128xi32, #tpu.memory_space<hbm>>
        tpu.wait_dma2 semaphore(%run_scoped3A_189 : memref<!tpu.dma_semaphore, #tpu.memory_space<semaphore_mem>>) src(%dma_wait3A_197 : memref<8x128xi32, #tpu.memory_space<hbm>>) dst(%arg5 : memref<8x128xi32, #tpu.memory_space<vmem>>)
        tpu.yield
      }) : () -> ()
      %dma_start3A = arith.constant 0 : i32
      %dma_start3A_31 = arith.constant 0 : i32
      %dma_start3A_32 = arith.constant 0 : i32
      %dma_start3A_33 = tpu.memref_slice %arg6[%dma_start3A_31, %dma_start3A_32] : memref<1024x64xf32, #tpu.memory_space<vmem>> -> memref<128x64xf32, #tpu.memory_space<vmem>>
      %dma_start3A_34 = arith.constant 0 : i32
      %dma_start3A_35 = tpu.memref_slice %arg5[%dma_start3A, %dma_start3A_34] : memref<8x128xi32, #tpu.memory_space<vmem>> -> memref<1x128xi32, #tpu.memory_space<vmem>>
      %dma_start3A_36 = tpu.memref_squeeze %dma_start3A_35 : memref<1x128xi32, #tpu.memory_space<vmem>> -> memref<128xi32, #tpu.memory_space<vmem>>
      %dma_start3A_37 = arith.constant 0 : i32
      %dma_start3A_38 = arith.constant 0 : i32
      %dma_start3A_39 = tpu.memref_slice %arg3[%dma_start3A_37, %dma_start3A_38] : memref<200x64xf32, #tpu.memory_space<hbm>> -> memref<200x64xf32, #tpu.memory_space<hbm>>
      tpu.enqueue_indirect_dma source(%dma_start3A_39 : memref<200x64xf32, #tpu.memory_space<hbm>>) target(%dma_start3A_33 : memref<128x64xf32, #tpu.memory_space<vmem>>) offsets(%dma_start3A_36 : memref<128xi32, #tpu.memory_space<vmem>>) semaphore(%arg7 : memref<!tpu.dma_semaphore, #tpu.memory_space<semaphore_mem>>)
      %dma_start3A_40 = arith.constant 1 : i32
      %dma_start3A_41 = arith.constant 128 : i32
      %dma_start3A_42 = arith.constant 0 : i32
      %dma_start3A_43 = tpu.memref_slice %arg6[%dma_start3A_41, %dma_start3A_42] : memref<1024x64xf32, #tpu.memory_space<vmem>> -> memref<128x64xf32, #tpu.memory_space<vmem>>
      %dma_start3A_44 = arith.constant 0 : i32
      %dma_start3A_45 = tpu.memref_slice %arg5[%dma_start3A_40, %dma_start3A_44] : memref<8x128xi32, #tpu.memory_space<vmem>> -> memref<1x128xi32, #tpu.memory_space<vmem>>
      %dma_start3A_46 = tpu.memref_squeeze %dma_start3A_45 : memref<1x128xi32, #tpu.memory_space<vmem>> -> memref<128xi32, #tpu.memory_space<vmem>>
      %dma_start3A_47 = arith.constant 0 : i32
      %dma_start3A_48 = arith.constant 0 : i32
      %dma_start3A_49 = tpu.memref_slice %arg3[%dma_start3A_47, %dma_start3A_48] : memref<200x64xf32, #tpu.memory_space<hbm>> -> memref<200x64xf32, #tpu.memory_space<hbm>>
      tpu.enqueue_indirect_dma source(%dma_start3A_49 : memref<200x64xf32, #tpu.memory_space<hbm>>) target(%dma_start3A_43 : memref<128x64xf32, #tpu.memory_space<vmem>>) offsets(%dma_start3A_46 : memref<128xi32, #tpu.memory_space<vmem>>) semaphore(%arg7 : memref<!tpu.dma_semaphore, #tpu.memory_space<semaphore_mem>>)
      %dma_start3A_50 = arith.constant 2 : i32
      %dma_start3A_51 = arith.constant 256 : i32
      %dma_start3A_52 = arith.constant 0 : i32
      %dma_start3A_53 = tpu.memref_slice %arg6[%dma_start3A_51, %dma_start3A_52] : memref<1024x64xf32, #tpu.memory_space<vmem>> -> memref<128x64xf32, #tpu.memory_space<vmem>>
      %dma_start3A_54 = arith.constant 0 : i32
      %dma_start3A_55 = tpu.memref_slice %arg5[%dma_start3A_50, %dma_start3A_54] : memref<8x128xi32, #tpu.memory_space<vmem>> -> memref<1x128xi32, #tpu.memory_space<vmem>>
      %dma_start3A_56 = tpu.memref_squeeze %dma_start3A_55 : memref<1x128xi32, #tpu.memory_space<vmem>> -> memref<128xi32, #tpu.memory_space<vmem>>
      %dma_start3A_57 = arith.constant 0 : i32
      %dma_start3A_58 = arith.constant 0 : i32
      %dma_start3A_59 = tpu.memref_slice %arg3[%dma_start3A_57, %dma_start3A_58] : memref<200x64xf32, #tpu.memory_space<hbm>> -> memref<200x64xf32, #tpu.memory_space<hbm>>
      tpu.enqueue_indirect_dma source(%dma_start3A_59 : memref<200x64xf32, #tpu.memory_space<hbm>>) target(%dma_start3A_53 : memref<128x64xf32, #tpu.memory_space<vmem>>) offsets(%dma_start3A_56 : memref<128xi32, #tpu.memory_space<vmem>>) semaphore(%arg7 : memref<!tpu.dma_semaphore, #tpu.memory_space<semaphore_mem>>)
      %dma_start3A_60 = arith.constant 3 : i32
      %dma_start3A_61 = arith.constant 384 : i32
      %dma_start3A_62 = arith.constant 0 : i32
      %dma_start3A_63 = tpu.memref_slice %arg6[%dma_start3A_61, %dma_start3A_62] : memref<1024x64xf32, #tpu.memory_space<vmem>> -> memref<128x64xf32, #tpu.memory_space<vmem>>
      %dma_start3A_64 = arith.constant 0 : i32
      %dma_start3A_65 = tpu.memref_slice %arg5[%dma_start3A_60, %dma_start3A_64] : memref<8x128xi32, #tpu.memory_space<vmem>> -> memref<1x128xi32, #tpu.memory_space<vmem>>
      %dma_start3A_66 = tpu.memref_squeeze %dma_start3A_65 : memref<1x128xi32, #tpu.memory_space<vmem>> -> memref<128xi32, #tpu.memory_space<vmem>>
      %dma_start3A_67 = arith.constant 0 : i32
      %dma_start3A_68 = arith.constant 0 : i32
      %dma_start3A_69 = tpu.memref_slice %arg3[%dma_start3A_67, %dma_start3A_68] : memref<200x64xf32, #tpu.memory_space<hbm>> -> memref<200x64xf32, #tpu.memory_space<hbm>>
      tpu.enqueue_indirect_dma source(%dma_start3A_69 : memref<200x64xf32, #tpu.memory_space<hbm>>) target(%dma_start3A_63 : memref<128x64xf32, #tpu.memory_space<vmem>>) offsets(%dma_start3A_66 : memref<128xi32, #tpu.memory_space<vmem>>) semaphore(%arg7 : memref<!tpu.dma_semaphore, #tpu.memory_space<semaphore_mem>>)
      %dma_start3A_70 = arith.constant 4 : i32
      %dma_start3A_71 = arith.constant 512 : i32
      %dma_start3A_72 = arith.constant 0 : i32
      %dma_start3A_73 = tpu.memref_slice %arg6[%dma_start3A_71, %dma_start3A_72] : memref<1024x64xf32, #tpu.memory_space<vmem>> -> memref<128x64xf32, #tpu.memory_space<vmem>>
      %dma_start3A_74 = arith.constant 0 : i32
      %dma_start3A_75 = tpu.memref_slice %arg5[%dma_start3A_70, %dma_start3A_74] : memref<8x128xi32, #tpu.memory_space<vmem>> -> memref<1x128xi32, #tpu.memory_space<vmem>>
      %dma_start3A_76 = tpu.memref_squeeze %dma_start3A_75 : memref<1x128xi32, #tpu.memory_space<vmem>> -> memref<128xi32, #tpu.memory_space<vmem>>
      %dma_start3A_77 = arith.constant 0 : i32
      %dma_start3A_78 = arith.constant 0 : i32
      %dma_start3A_79 = tpu.memref_slice %arg3[%dma_start3A_77, %dma_start3A_78] : memref<200x64xf32, #tpu.memory_space<hbm>> -> memref<200x64xf32, #tpu.memory_space<hbm>>
      tpu.enqueue_indirect_dma source(%dma_start3A_79 : memref<200x64xf32, #tpu.memory_space<hbm>>) target(%dma_start3A_73 : memref<128x64xf32, #tpu.memory_space<vmem>>) offsets(%dma_start3A_76 : memref<128xi32, #tpu.memory_space<vmem>>) semaphore(%arg7 : memref<!tpu.dma_semaphore, #tpu.memory_space<semaphore_mem>>)
      %dma_start3A_80 = arith.constant 5 : i32
      %dma_start3A_81 = arith.constant 640 : i32
      %dma_start3A_82 = arith.constant 0 : i32
      %dma_start3A_83 = tpu.memref_slice %arg6[%dma_start3A_81, %dma_start3A_82] : memref<1024x64xf32, #tpu.memory_space<vmem>> -> memref<128x64xf32, #tpu.memory_space<vmem>>
      %dma_start3A_84 = arith.constant 0 : i32
      %dma_start3A_85 = tpu.memref_slice %arg5[%dma_start3A_80, %dma_start3A_84] : memref<8x128xi32, #tpu.memory_space<vmem>> -> memref<1x128xi32, #tpu.memory_space<vmem>>
      %dma_start3A_86 = tpu.memref_squeeze %dma_start3A_85 : memref<1x128xi32, #tpu.memory_space<vmem>> -> memref<128xi32, #tpu.memory_space<vmem>>
      %dma_start3A_87 = arith.constant 0 : i32
      %dma_start3A_88 = arith.constant 0 : i32
      %dma_start3A_89 = tpu.memref_slice %arg3[%dma_start3A_87, %dma_start3A_88] : memref<200x64xf32, #tpu.memory_space<hbm>> -> memref<200x64xf32, #tpu.memory_space<hbm>>
      tpu.enqueue_indirect_dma source(%dma_start3A_89 : memref<200x64xf32, #tpu.memory_space<hbm>>) target(%dma_start3A_83 : memref<128x64xf32, #tpu.memory_space<vmem>>) offsets(%dma_start3A_86 : memref<128xi32, #tpu.memory_space<vmem>>) semaphore(%arg7 : memref<!tpu.dma_semaphore, #tpu.memory_space<semaphore_mem>>)
      %dma_start3A_90 = arith.constant 6 : i32
      %dma_start3A_91 = arith.constant 768 : i32
      %dma_start3A_92 = arith.constant 0 : i32
      %dma_start3A_93 = tpu.memref_slice %arg6[%dma_start3A_91, %dma_start3A_92] : memref<1024x64xf32, #tpu.memory_space<vmem>> -> memref<128x64xf32, #tpu.memory_space<vmem>>
      %dma_start3A_94 = arith.constant 0 : i32
      %dma_start3A_95 = tpu.memref_slice %arg5[%dma_start3A_90, %dma_start3A_94] : memref<8x128xi32, #tpu.memory_space<vmem>> -> memref<1x128xi32, #tpu.memory_space<vmem>>
      %dma_start3A_96 = tpu.memref_squeeze %dma_start3A_95 : memref<1x128xi32, #tpu.memory_space<vmem>> -> memref<128xi32, #tpu.memory_space<vmem>>
      %dma_start3A_97 = arith.constant 0 : i32
      %dma_start3A_98 = arith.constant 0 : i32
      %dma_start3A_99 = tpu.memref_slice %arg3[%dma_start3A_97, %dma_start3A_98] : memref<200x64xf32, #tpu.memory_space<hbm>> -> memref<200x64xf32, #tpu.memory_space<hbm>>
      tpu.enqueue_indirect_dma source(%dma_start3A_99 : memref<200x64xf32, #tpu.memory_space<hbm>>) target(%dma_start3A_93 : memref<128x64xf32, #tpu.memory_space<vmem>>) offsets(%dma_start3A_96 : memref<128xi32, #tpu.memory_space<vmem>>) semaphore(%arg7 : memref<!tpu.dma_semaphore, #tpu.memory_space<semaphore_mem>>)
      %dma_start3A_100 = arith.constant 7 : i32
      %dma_start3A_101 = arith.constant 896 : i32
      %dma_start3A_102 = arith.constant 0 : i32
      %dma_start3A_103 = tpu.memref_slice %arg6[%dma_start3A_101, %dma_start3A_102] : memref<1024x64xf32, #tpu.memory_space<vmem>> -> memref<128x64xf32, #tpu.memory_space<vmem>>
      %dma_start3A_104 = arith.constant 0 : i32
      %dma_start3A_105 = tpu.memref_slice %arg5[%dma_start3A_100, %dma_start3A_104] : memref<8x128xi32, #tpu.memory_space<vmem>> -> memref<1x128xi32, #tpu.memory_space<vmem>>
      %dma_start3A_106 = tpu.memref_squeeze %dma_start3A_105 : memref<1x128xi32, #tpu.memory_space<vmem>> -> memref<128xi32, #tpu.memory_space<vmem>>
      %dma_start3A_107 = arith.constant 0 : i32
      %dma_start3A_108 = arith.constant 0 : i32
      %dma_start3A_109 = tpu.memref_slice %arg3[%dma_start3A_107, %dma_start3A_108] : memref<200x64xf32, #tpu.memory_space<hbm>> -> memref<200x64xf32, #tpu.memory_space<hbm>>
      tpu.enqueue_indirect_dma source(%dma_start3A_109 : memref<200x64xf32, #tpu.memory_space<hbm>>) target(%dma_start3A_103 : memref<128x64xf32, #tpu.memory_space<vmem>>) offsets(%dma_start3A_106 : memref<128xi32, #tpu.memory_space<vmem>>) semaphore(%arg7 : memref<!tpu.dma_semaphore, #tpu.memory_space<semaphore_mem>>)
      %dma_wait3A = arith.constant 0 : i32
      %dma_wait3A_110 = arith.constant 0 : i32
      %dma_wait3A_111 = arith.constant 0 : i32
      %dma_wait3A_112 = tpu.memref_slice %arg6[%dma_wait3A_110, %dma_wait3A_111] : memref<1024x64xf32, #tpu.memory_space<vmem>> -> memref<128x64xf32, #tpu.memory_space<vmem>>
      %dma_wait3A_113 = arith.constant 0 : i32
      %dma_wait3A_114 = tpu.memref_slice %arg5[%dma_wait3A, %dma_wait3A_113] : memref<8x128xi32, #tpu.memory_space<vmem>> -> memref<1x128xi32, #tpu.memory_space<vmem>>
      %dma_wait3A_115 = tpu.memref_squeeze %dma_wait3A_114 : memref<1x128xi32, #tpu.memory_space<vmem>> -> memref<128xi32, #tpu.memory_space<vmem>>
      %dma_wait3A_116 = arith.constant 0 : i32
      %dma_wait3A_117 = arith.constant 0 : i32
      %dma_wait3A_118 = tpu.memref_slice %arg3[%dma_wait3A_116, %dma_wait3A_117] : memref<200x64xf32, #tpu.memory_space<hbm>> -> memref<200x64xf32, #tpu.memory_space<hbm>>
      tpu.wait_indirect_dma semaphore(%arg7 : memref<!tpu.dma_semaphore, #tpu.memory_space<semaphore_mem>>) src(%dma_wait3A_118 : memref<200x64xf32, #tpu.memory_space<hbm>>) dst(%dma_wait3A_112 : memref<128x64xf32, #tpu.memory_space<vmem>>)
      %dma_wait3A_119 = arith.constant 1 : i32
      %dma_wait3A_120 = arith.constant 128 : i32
      %dma_wait3A_121 = arith.constant 0 : i32
      %dma_wait3A_122 = tpu.memref_slice %arg6[%dma_wait3A_120, %dma_wait3A_121] : memref<1024x64xf32, #tpu.memory_space<vmem>> -> memref<128x64xf32, #tpu.memory_space<vmem>>
      %dma_wait3A_123 = arith.constant 0 : i32
      %dma_wait3A_124 = tpu.memref_slice %arg5[%dma_wait3A_119, %dma_wait3A_123] : memref<8x128xi32, #tpu.memory_space<vmem>> -> memref<1x128xi32, #tpu.memory_space<vmem>>
      %dma_wait3A_125 = tpu.memref_squeeze %dma_wait3A_124 : memref<1x128xi32, #tpu.memory_space<vmem>> -> memref<128xi32, #tpu.memory_space<vmem>>
      %dma_wait3A_126 = arith.constant 0 : i32
      %dma_wait3A_127 = arith.constant 0 : i32
      %dma_wait3A_128 = tpu.memref_slice %arg3[%dma_wait3A_126, %dma_wait3A_127] : memref<200x64xf32, #tpu.memory_space<hbm>> -> memref<200x64xf32, #tpu.memory_space<hbm>>
      tpu.wait_indirect_dma semaphore(%arg7 : memref<!tpu.dma_semaphore, #tpu.memory_space<semaphore_mem>>) src(%dma_wait3A_128 : memref<200x64xf32, #tpu.memory_space<hbm>>) dst(%dma_wait3A_122 : memref<128x64xf32, #tpu.memory_space<vmem>>)
      %dma_wait3A_129 = arith.constant 2 : i32
      %dma_wait3A_130 = arith.constant 256 : i32
      %dma_wait3A_131 = arith.constant 0 : i32
      %dma_wait3A_132 = tpu.memref_slice %arg6[%dma_wait3A_130, %dma_wait3A_131] : memref<1024x64xf32, #tpu.memory_space<vmem>> -> memref<128x64xf32, #tpu.memory_space<vmem>>
      %dma_wait3A_133 = arith.constant 0 : i32
      %dma_wait3A_134 = tpu.memref_slice %arg5[%dma_wait3A_129, %dma_wait3A_133] : memref<8x128xi32, #tpu.memory_space<vmem>> -> memref<1x128xi32, #tpu.memory_space<vmem>>
      %dma_wait3A_135 = tpu.memref_squeeze %dma_wait3A_134 : memref<1x128xi32, #tpu.memory_space<vmem>> -> memref<128xi32, #tpu.memory_space<vmem>>
      %dma_wait3A_136 = arith.constant 0 : i32
      %dma_wait3A_137 = arith.constant 0 : i32
      %dma_wait3A_138 = tpu.memref_slice %arg3[%dma_wait3A_136, %dma_wait3A_137] : memref<200x64xf32, #tpu.memory_space<hbm>> -> memref<200x64xf32, #tpu.memory_space<hbm>>
      tpu.wait_indirect_dma semaphore(%arg7 : memref<!tpu.dma_semaphore, #tpu.memory_space<semaphore_mem>>) src(%dma_wait3A_138 : memref<200x64xf32, #tpu.memory_space<hbm>>) dst(%dma_wait3A_132 : memref<128x64xf32, #tpu.memory_space<vmem>>)
      %dma_wait3A_139 = arith.constant 3 : i32
      %dma_wait3A_140 = arith.constant 384 : i32
      %dma_wait3A_141 = arith.constant 0 : i32
      %dma_wait3A_142 = tpu.memref_slice %arg6[%dma_wait3A_140, %dma_wait3A_141] : memref<1024x64xf32, #tpu.memory_space<vmem>> -> memref<128x64xf32, #tpu.memory_space<vmem>>
      %dma_wait3A_143 = arith.constant 0 : i32
      %dma_wait3A_144 = tpu.memref_slice %arg5[%dma_wait3A_139, %dma_wait3A_143] : memref<8x128xi32, #tpu.memory_space<vmem>> -> memref<1x128xi32, #tpu.memory_space<vmem>>
      %dma_wait3A_145 = tpu.memref_squeeze %dma_wait3A_144 : memref<1x128xi32, #tpu.memory_space<vmem>> -> memref<128xi32, #tpu.memory_space<vmem>>
      %dma_wait3A_146 = arith.constant 0 : i32
      %dma_wait3A_147 = arith.constant 0 : i32
      %dma_wait3A_148 = tpu.memref_slice %arg3[%dma_wait3A_146, %dma_wait3A_147] : memref<200x64xf32, #tpu.memory_space<hbm>> -> memref<200x64xf32, #tpu.memory_space<hbm>>
      tpu.wait_indirect_dma semaphore(%arg7 : memref<!tpu.dma_semaphore, #tpu.memory_space<semaphore_mem>>) src(%dma_wait3A_148 : memref<200x64xf32, #tpu.memory_space<hbm>>) dst(%dma_wait3A_142 : memref<128x64xf32, #tpu.memory_space<vmem>>)
      %dma_wait3A_149 = arith.constant 4 : i32
      %dma_wait3A_150 = arith.constant 512 : i32
      %dma_wait3A_151 = arith.constant 0 : i32
      %dma_wait3A_152 = tpu.memref_slice %arg6[%dma_wait3A_150, %dma_wait3A_151] : memref<1024x64xf32, #tpu.memory_space<vmem>> -> memref<128x64xf32, #tpu.memory_space<vmem>>
      %dma_wait3A_153 = arith.constant 0 : i32
      %dma_wait3A_154 = tpu.memref_slice %arg5[%dma_wait3A_149, %dma_wait3A_153] : memref<8x128xi32, #tpu.memory_space<vmem>> -> memref<1x128xi32, #tpu.memory_space<vmem>>
      %dma_wait3A_155 = tpu.memref_squeeze %dma_wait3A_154 : memref<1x128xi32, #tpu.memory_space<vmem>> -> memref<128xi32, #tpu.memory_space<vmem>>
      %dma_wait3A_156 = arith.constant 0 : i32
      %dma_wait3A_157 = arith.constant 0 : i32
      %dma_wait3A_158 = tpu.memref_slice %arg3[%dma_wait3A_156, %dma_wait3A_157] : memref<200x64xf32, #tpu.memory_space<hbm>> -> memref<200x64xf32, #tpu.memory_space<hbm>>
      tpu.wait_indirect_dma semaphore(%arg7 : memref<!tpu.dma_semaphore, #tpu.memory_space<semaphore_mem>>) src(%dma_wait3A_158 : memref<200x64xf32, #tpu.memory_space<hbm>>) dst(%dma_wait3A_152 : memref<128x64xf32, #tpu.memory_space<vmem>>)
      %dma_wait3A_159 = arith.constant 5 : i32
      %dma_wait3A_160 = arith.constant 640 : i32
      %dma_wait3A_161 = arith.constant 0 : i32
      %dma_wait3A_162 = tpu.memref_slice %arg6[%dma_wait3A_160, %dma_wait3A_161] : memref<1024x64xf32, #tpu.memory_space<vmem>> -> memref<128x64xf32, #tpu.memory_space<vmem>>
      %dma_wait3A_163 = arith.constant 0 : i32
      %dma_wait3A_164 = tpu.memref_slice %arg5[%dma_wait3A_159, %dma_wait3A_163] : memref<8x128xi32, #tpu.memory_space<vmem>> -> memref<1x128xi32, #tpu.memory_space<vmem>>
      %dma_wait3A_165 = tpu.memref_squeeze %dma_wait3A_164 : memref<1x128xi32, #tpu.memory_space<vmem>> -> memref<128xi32, #tpu.memory_space<vmem>>
      %dma_wait3A_166 = arith.constant 0 : i32
      %dma_wait3A_167 = arith.constant 0 : i32
      %dma_wait3A_168 = tpu.memref_slice %arg3[%dma_wait3A_166, %dma_wait3A_167] : memref<200x64xf32, #tpu.memory_space<hbm>> -> memref<200x64xf32, #tpu.memory_space<hbm>>
      tpu.wait_indirect_dma semaphore(%arg7 : memref<!tpu.dma_semaphore, #tpu.memory_space<semaphore_mem>>) src(%dma_wait3A_168 : memref<200x64xf32, #tpu.memory_space<hbm>>) dst(%dma_wait3A_162 : memref<128x64xf32, #tpu.memory_space<vmem>>)
      %dma_wait3A_169 = arith.constant 6 : i32
      %dma_wait3A_170 = arith.constant 768 : i32
      %dma_wait3A_171 = arith.constant 0 : i32
      %dma_wait3A_172 = tpu.memref_slice %arg6[%dma_wait3A_170, %dma_wait3A_171] : memref<1024x64xf32, #tpu.memory_space<vmem>> -> memref<128x64xf32, #tpu.memory_space<vmem>>
      %dma_wait3A_173 = arith.constant 0 : i32
      %dma_wait3A_174 = tpu.memref_slice %arg5[%dma_wait3A_169, %dma_wait3A_173] : memref<8x128xi32, #tpu.memory_space<vmem>> -> memref<1x128xi32, #tpu.memory_space<vmem>>
      %dma_wait3A_175 = tpu.memref_squeeze %dma_wait3A_174 : memref<1x128xi32, #tpu.memory_space<vmem>> -> memref<128xi32, #tpu.memory_space<vmem>>
      %dma_wait3A_176 = arith.constant 0 : i32
      %dma_wait3A_177 = arith.constant 0 : i32
      %dma_wait3A_178 = tpu.memref_slice %arg3[%dma_wait3A_176, %dma_wait3A_177] : memref<200x64xf32, #tpu.memory_space<hbm>> -> memref<200x64xf32, #tpu.memory_space<hbm>>
      tpu.wait_indirect_dma semaphore(%arg7 : memref<!tpu.dma_semaphore, #tpu.memory_space<semaphore_mem>>) src(%dma_wait3A_178 : memref<200x64xf32, #tpu.memory_space<hbm>>) dst(%dma_wait3A_172 : memref<128x64xf32, #tpu.memory_space<vmem>>)
      %dma_wait3A_179 = arith.constant 7 : i32
      %dma_wait3A_180 = arith.constant 896 : i32
      %dma_wait3A_181 = arith.constant 0 : i32
      %dma_wait3A_182 = tpu.memref_slice %arg6[%dma_wait3A_180, %dma_wait3A_181] : memref<1024x64xf32, #tpu.memory_space<vmem>> -> memref<128x64xf32, #tpu.memory_space<vmem>>
      %dma_wait3A_183 = arith.constant 0 : i32
      %dma_wait3A_184 = tpu.memref_slice %arg5[%dma_wait3A_179, %dma_wait3A_183] : memref<8x128xi32, #tpu.memory_space<vmem>> -> memref<1x128xi32, #tpu.memory_space<vmem>>
      %dma_wait3A_185 = tpu.memref_squeeze %dma_wait3A_184 : memref<1x128xi32, #tpu.memory_space<vmem>> -> memref<128xi32, #tpu.memory_space<vmem>>
      %dma_wait3A_186 = arith.constant 0 : i32
      %dma_wait3A_187 = arith.constant 0 : i32
      %dma_wait3A_188 = tpu.memref_slice %arg3[%dma_wait3A_186, %dma_wait3A_187] : memref<200x64xf32, #tpu.memory_space<hbm>> -> memref<200x64xf32, #tpu.memory_space<hbm>>
      tpu.wait_indirect_dma semaphore(%arg7 : memref<!tpu.dma_semaphore, #tpu.memory_space<semaphore_mem>>) src(%dma_wait3A_188 : memref<200x64xf32, #tpu.memory_space<hbm>>) dst(%dma_wait3A_182 : memref<128x64xf32, #tpu.memory_space<vmem>>)
      "tpu.region"() ({
        %run_scoped3A_189 = tpu.sem_alloc : memref<!tpu.dma_semaphore, #tpu.memory_space<semaphore_mem>>
        %dma_start3A_190 = arith.constant 0 : i32
        %dma_start3A_191 = arith.constant 0 : i32
        %dma_start3A_192 = tpu.memref_slice %arg4[%add3A_27, %dma_start3A_190, %dma_start3A_191] : memref<200x1024x64xf32, #tpu.memory_space<hbm>> -> memref<1x1024x64xf32, #tpu.memory_space<hbm>>
        %dma_start3A_193 = tpu.memref_squeeze %dma_start3A_192 : memref<1x1024x64xf32, #tpu.memory_space<hbm>> -> memref<1024x64xf32, #tpu.memory_space<hbm>>
        %dma_start3A_194 = arith.constant 0 : i32
        %dma_start3A_195 = arith.constant 0 : i32
        %dma_start3A_196 = tpu.memref_slice %arg4[%add3A_27, %dma_start3A_194, %dma_start3A_195] : memref<200x1024x64xf32, #tpu.memory_space<hbm>> -> memref<1x1024x64xf32, #tpu.memory_space<hbm>>
        %dma_start3A_197 = tpu.memref_squeeze %dma_start3A_196 : memref<1x1024x64xf32, #tpu.memory_space<hbm>> -> memref<1024x64xf32, #tpu.memory_space<hbm>>
        tpu.enqueue_dma source(%arg6 : memref<1024x64xf32, #tpu.memory_space<vmem>>) target(%dma_start3A_197 : memref<1024x64xf32, #tpu.memory_space<hbm>>) target_semaphore(%run_scoped3A_189 : memref<!tpu.dma_semaphore, #tpu.memory_space<semaphore_mem>>)
        %dma_wait3A_198 = arith.constant 0 : i32
        %dma_wait3A_199 = arith.constant 0 : i32
        %dma_wait3A_200 = tpu.memref_slice %arg4[%add3A_27, %dma_wait3A_198, %dma_wait3A_199] : memref<200x1024x64xf32, #tpu.memory_space<hbm>> -> memref<1x1024x64xf32, #tpu.memory_space<hbm>>
        %dma_wait3A_201 = tpu.memref_squeeze %dma_wait3A_200 : memref<1x1024x64xf32, #tpu.memory_space<hbm>> -> memref<1024x64xf32, #tpu.memory_space<hbm>>
        %dma_wait3A_202 = arith.constant 0 : i32
        %dma_wait3A_203 = arith.constant 0 : i32
        %dma_wait3A_204 = tpu.memref_slice %arg4[%add3A_27, %dma_wait3A_202, %dma_wait3A_203] : memref<200x1024x64xf32, #tpu.memory_space<hbm>> -> memref<1x1024x64xf32, #tpu.memory_space<hbm>>
        %dma_wait3A_205 = tpu.memref_squeeze %dma_wait3A_204 : memref<1x1024x64xf32, #tpu.memory_space<hbm>> -> memref<1024x64xf32, #tpu.memory_space<hbm>>
        tpu.wait_dma2 semaphore(%run_scoped3A_189 : memref<!tpu.dma_semaphore, #tpu.memory_space<semaphore_mem>>) src(%arg6 : memref<1024x64xf32, #tpu.memory_space<vmem>>) dst(%dma_wait3A_205 : memref<1024x64xf32, #tpu.memory_space<hbm>>)
        tpu.yield
      }) : () -> ()
    }
    %while3A_21 = arith.constant 1 : i32
    scf.for %while3A_22 = %while3A_19 to %while3A_15 step %while3A_21  : i32 {
      %add3A_23 = arith.constant 1 : i32
      %add3A_24 = arith.addi %add3A_23, %add3A : i32
      %mul3A_25 = arith.constant 32 : i32
      %mul3A_26 = arith.muli %while3A_22, %mul3A_25 : i32
      %add3A_27 = arith.addi %add3A_24, %mul3A_26 : i32
      %sub3A = arith.constant 1 : i32
      %sub3A_28 = arith.subi %add3A_27, %sub3A : i32
      %mul3A_29 = arith.constant 8 : i32
      %mul3A_30 = arith.muli %sub3A_28, %mul3A_29 : i32
      "tpu.region"() ({
        %run_scoped3A_189 = tpu.sem_alloc : memref<!tpu.dma_semaphore, #tpu.memory_space<semaphore_mem>>
        %dma_start3A_190 = arith.constant 0 : i32
        %dma_start3A_191 = tpu.memref_slice %arg2[%mul3A_30, %dma_start3A_190] : memref<1600x128xi32, #tpu.memory_space<hbm>> -> memref<8x128xi32, #tpu.memory_space<hbm>>
        %dma_start3A_192 = arith.constant 0 : i32
        %dma_start3A_193 = tpu.memref_slice %arg2[%mul3A_30, %dma_start3A_192] : memref<1600x128xi32, #tpu.memory_space<hbm>> -> memref<8x128xi32, #tpu.memory_space<hbm>>
        tpu.enqueue_dma source(%dma_start3A_193 : memref<8x128xi32, #tpu.memory_space<hbm>>) target(%arg5 : memref<8x128xi32, #tpu.memory_space<vmem>>) target_semaphore(%run_scoped3A_189 : memref<!tpu.dma_semaphore, #tpu.memory_space<semaphore_mem>>)
        %dma_wait3A_194 = arith.constant 0 : i32
        %dma_wait3A_195 = tpu.memref_slice %arg2[%mul3A_30, %dma_wait3A_194] : memref<1600x128xi32, #tpu.memory_space<hbm>> -> memref<8x128xi32, #tpu.memory_space<hbm>>
        %dma_wait3A_196 = arith.constant 0 : i32
        %dma_wait3A_197 = tpu.memref_slice %arg2[%mul3A_30, %dma_wait3A_196] : memref<1600x128xi32, #tpu.memory_space<hbm>> -> memref<8x128xi32, #tpu.memory_space<hbm>>
        tpu.wait_dma2 semaphore(%run_scoped3A_189 : memref<!tpu.dma_semaphore, #tpu.memory_space<semaphore_mem>>) src(%dma_wait3A_197 : memref<8x128xi32, #tpu.memory_space<hbm>>) dst(%arg5 : memref<8x128xi32, #tpu.memory_space<vmem>>)
        tpu.yield
      }) : () -> ()
      %dma_start3A = arith.constant 0 : i32
      %dma_start3A_31 = arith.constant 0 : i32
      %dma_start3A_32 = arith.constant 0 : i32
      %dma_start3A_33 = tpu.memref_slice %arg6[%dma_start3A_31, %dma_start3A_32] : memref<1024x64xf32, #tpu.memory_space<vmem>> -> memref<128x64xf32, #tpu.memory_space<vmem>>
      %dma_start3A_34 = arith.constant 0 : i32
      %dma_start3A_35 = tpu.memref_slice %arg5[%dma_start3A, %dma_start3A_34] : memref<8x128xi32, #tpu.memory_space<vmem>> -> memref<1x128xi32, #tpu.memory_space<vmem>>
      %dma_start3A_36 = tpu.memref_squeeze %dma_start3A_35 : memref<1x128xi32, #tpu.memory_space<vmem>> -> memref<128xi32, #tpu.memory_space<vmem>>
      %dma_start3A_37 = arith.constant 0 : i32
      %dma_start3A_38 = arith.constant 0 : i32
      %dma_start3A_39 = tpu.memref_slice %arg3[%dma_start3A_37, %dma_start3A_38] : memref<200x64xf32, #tpu.memory_space<hbm>> -> memref<200x64xf32, #tpu.memory_space<hbm>>
      tpu.enqueue_indirect_dma source(%dma_start3A_39 : memref<200x64xf32, #tpu.memory_space<hbm>>) target(%dma_start3A_33 : memref<128x64xf32, #tpu.memory_space<vmem>>) offsets(%dma_start3A_36 : memref<128xi32, #tpu.memory_space<vmem>>) semaphore(%arg7 : memref<!tpu.dma_semaphore, #tpu.memory_space<semaphore_mem>>)
      %dma_start3A_40 = arith.constant 1 : i32
      %dma_start3A_41 = arith.constant 128 : i32
      %dma_start3A_42 = arith.constant 0 : i32
      %dma_start3A_43 = tpu.memref_slice %arg6[%dma_start3A_41, %dma_start3A_42] : memref<1024x64xf32, #tpu.memory_space<vmem>> -> memref<128x64xf32, #tpu.memory_space<vmem>>
      %dma_start3A_44 = arith.constant 0 : i32
      %dma_start3A_45 = tpu.memref_slice %arg5[%dma_start3A_40, %dma_start3A_44] : memref<8x128xi32, #tpu.memory_space<vmem>> -> memref<1x128xi32, #tpu.memory_space<vmem>>
      %dma_start3A_46 = tpu.memref_squeeze %dma_start3A_45 : memref<1x128xi32, #tpu.memory_space<vmem>> -> memref<128xi32, #tpu.memory_space<vmem>>
      %dma_start3A_47 = arith.constant 0 : i32
      %dma_start3A_48 = arith.constant 0 : i32
      %dma_start3A_49 = tpu.memref_slice %arg3[%dma_start3A_47, %dma_start3A_48] : memref<200x64xf32, #tpu.memory_space<hbm>> -> memref<200x64xf32, #tpu.memory_space<hbm>>
      tpu.enqueue_indirect_dma source(%dma_start3A_49 : memref<200x64xf32, #tpu.memory_space<hbm>>) target(%dma_start3A_43 : memref<128x64xf32, #tpu.memory_space<vmem>>) offsets(%dma_start3A_46 : memref<128xi32, #tpu.memory_space<vmem>>) semaphore(%arg7 : memref<!tpu.dma_semaphore, #tpu.memory_space<semaphore_mem>>)
      %dma_start3A_50 = arith.constant 2 : i32
      %dma_start3A_51 = arith.constant 256 : i32
      %dma_start3A_52 = arith.constant 0 : i32
      %dma_start3A_53 = tpu.memref_slice %arg6[%dma_start3A_51, %dma_start3A_52] : memref<1024x64xf32, #tpu.memory_space<vmem>> -> memref<128x64xf32, #tpu.memory_space<vmem>>
      %dma_start3A_54 = arith.constant 0 : i32
      %dma_start3A_55 = tpu.memref_slice %arg5[%dma_start3A_50, %dma_start3A_54] : memref<8x128xi32, #tpu.memory_space<vmem>> -> memref<1x128xi32, #tpu.memory_space<vmem>>
      %dma_start3A_56 = tpu.memref_squeeze %dma_start3A_55 : memref<1x128xi32, #tpu.memory_space<vmem>> -> memref<128xi32, #tpu.memory_space<vmem>>
      %dma_start3A_57 = arith.constant 0 : i32
      %dma_start3A_58 = arith.constant 0 : i32
      %dma_start3A_59 = tpu.memref_slice %arg3[%dma_start3A_57, %dma_start3A_58] : memref<200x64xf32, #tpu.memory_space<hbm>> -> memref<200x64xf32, #tpu.memory_space<hbm>>
      tpu.enqueue_indirect_dma source(%dma_start3A_59 : memref<200x64xf32, #tpu.memory_space<hbm>>) target(%dma_start3A_53 : memref<128x64xf32, #tpu.memory_space<vmem>>) offsets(%dma_start3A_56 : memref<128xi32, #tpu.memory_space<vmem>>) semaphore(%arg7 : memref<!tpu.dma_semaphore, #tpu.memory_space<semaphore_mem>>)
      %dma_start3A_60 = arith.constant 3 : i32
      %dma_start3A_61 = arith.constant 384 : i32
      %dma_start3A_62 = arith.constant 0 : i32
      %dma_start3A_63 = tpu.memref_slice %arg6[%dma_start3A_61, %dma_start3A_62] : memref<1024x64xf32, #tpu.memory_space<vmem>> -> memref<128x64xf32, #tpu.memory_space<vmem>>
      %dma_start3A_64 = arith.constant 0 : i32
      %dma_start3A_65 = tpu.memref_slice %arg5[%dma_start3A_60, %dma_start3A_64] : memref<8x128xi32, #tpu.memory_space<vmem>> -> memref<1x128xi32, #tpu.memory_space<vmem>>
      %dma_start3A_66 = tpu.memref_squeeze %dma_start3A_65 : memref<1x128xi32, #tpu.memory_space<vmem>> -> memref<128xi32, #tpu.memory_space<vmem>>
      %dma_start3A_67 = arith.constant 0 : i32
      %dma_start3A_68 = arith.constant 0 : i32
      %dma_start3A_69 = tpu.memref_slice %arg3[%dma_start3A_67, %dma_start3A_68] : memref<200x64xf32, #tpu.memory_space<hbm>> -> memref<200x64xf32, #tpu.memory_space<hbm>>
      tpu.enqueue_indirect_dma source(%dma_start3A_69 : memref<200x64xf32, #tpu.memory_space<hbm>>) target(%dma_start3A_63 : memref<128x64xf32, #tpu.memory_space<vmem>>) offsets(%dma_start3A_66 : memref<128xi32, #tpu.memory_space<vmem>>) semaphore(%arg7 : memref<!tpu.dma_semaphore, #tpu.memory_space<semaphore_mem>>)
      %dma_start3A_70 = arith.constant 4 : i32
      %dma_start3A_71 = arith.constant 512 : i32
      %dma_start3A_72 = arith.constant 0 : i32
      %dma_start3A_73 = tpu.memref_slice %arg6[%dma_start3A_71, %dma_start3A_72] : memref<1024x64xf32, #tpu.memory_space<vmem>> -> memref<128x64xf32, #tpu.memory_space<vmem>>
      %dma_start3A_74 = arith.constant 0 : i32
      %dma_start3A_75 = tpu.memref_slice %arg5[%dma_start3A_70, %dma_start3A_74] : memref<8x128xi32, #tpu.memory_space<vmem>> -> memref<1x128xi32, #tpu.memory_space<vmem>>
      %dma_start3A_76 = tpu.memref_squeeze %dma_start3A_75 : memref<1x128xi32, #tpu.memory_space<vmem>> -> memref<128xi32, #tpu.memory_space<vmem>>
      %dma_start3A_77 = arith.constant 0 : i32
      %dma_start3A_78 = arith.constant 0 : i32
      %dma_start3A_79 = tpu.memref_slice %arg3[%dma_start3A_77, %dma_start3A_78] : memref<200x64xf32, #tpu.memory_space<hbm>> -> memref<200x64xf32, #tpu.memory_space<hbm>>
      tpu.enqueue_indirect_dma source(%dma_start3A_79 : memref<200x64xf32, #tpu.memory_space<hbm>>) target(%dma_start3A_73 : memref<128x64xf32, #tpu.memory_space<vmem>>) offsets(%dma_start3A_76 : memref<128xi32, #tpu.memory_space<vmem>>) semaphore(%arg7 : memref<!tpu.dma_semaphore, #tpu.memory_space<semaphore_mem>>)
      %dma_start3A_80 = arith.constant 5 : i32
      %dma_start3A_81 = arith.constant 640 : i32
      %dma_start3A_82 = arith.constant 0 : i32
      %dma_start3A_83 = tpu.memref_slice %arg6[%dma_start3A_81, %dma_start3A_82] : memref<1024x64xf32, #tpu.memory_space<vmem>> -> memref<128x64xf32, #tpu.memory_space<vmem>>
      %dma_start3A_84 = arith.constant 0 : i32
      %dma_start3A_85 = tpu.memref_slice %arg5[%dma_start3A_80, %dma_start3A_84] : memref<8x128xi32, #tpu.memory_space<vmem>> -> memref<1x128xi32, #tpu.memory_space<vmem>>
      %dma_start3A_86 = tpu.memref_squeeze %dma_start3A_85 : memref<1x128xi32, #tpu.memory_space<vmem>> -> memref<128xi32, #tpu.memory_space<vmem>>
      %dma_start3A_87 = arith.constant 0 : i32
      %dma_start3A_88 = arith.constant 0 : i32
      %dma_start3A_89 = tpu.memref_slice %arg3[%dma_start3A_87, %dma_start3A_88] : memref<200x64xf32, #tpu.memory_space<hbm>> -> memref<200x64xf32, #tpu.memory_space<hbm>>
      tpu.enqueue_indirect_dma source(%dma_start3A_89 : memref<200x64xf32, #tpu.memory_space<hbm>>) target(%dma_start3A_83 : memref<128x64xf32, #tpu.memory_space<vmem>>) offsets(%dma_start3A_86 : memref<128xi32, #tpu.memory_space<vmem>>) semaphore(%arg7 : memref<!tpu.dma_semaphore, #tpu.memory_space<semaphore_mem>>)
      %dma_start3A_90 = arith.constant 6 : i32
      %dma_start3A_91 = arith.constant 768 : i32
      %dma_start3A_92 = arith.constant 0 : i32
      %dma_start3A_93 = tpu.memref_slice %arg6[%dma_start3A_91, %dma_start3A_92] : memref<1024x64xf32, #tpu.memory_space<vmem>> -> memref<128x64xf32, #tpu.memory_space<vmem>>
      %dma_start3A_94 = arith.constant 0 : i32
      %dma_start3A_95 = tpu.memref_slice %arg5[%dma_start3A_90, %dma_start3A_94] : memref<8x128xi32, #tpu.memory_space<vmem>> -> memref<1x128xi32, #tpu.memory_space<vmem>>
      %dma_start3A_96 = tpu.memref_squeeze %dma_start3A_95 : memref<1x128xi32, #tpu.memory_space<vmem>> -> memref<128xi32, #tpu.memory_space<vmem>>
      %dma_start3A_97 = arith.constant 0 : i32
      %dma_start3A_98 = arith.constant 0 : i32
      %dma_start3A_99 = tpu.memref_slice %arg3[%dma_start3A_97, %dma_start3A_98] : memref<200x64xf32, #tpu.memory_space<hbm>> -> memref<200x64xf32, #tpu.memory_space<hbm>>
      tpu.enqueue_indirect_dma source(%dma_start3A_99 : memref<200x64xf32, #tpu.memory_space<hbm>>) target(%dma_start3A_93 : memref<128x64xf32, #tpu.memory_space<vmem>>) offsets(%dma_start3A_96 : memref<128xi32, #tpu.memory_space<vmem>>) semaphore(%arg7 : memref<!tpu.dma_semaphore, #tpu.memory_space<semaphore_mem>>)
      %dma_start3A_100 = arith.constant 7 : i32
      %dma_start3A_101 = arith.constant 896 : i32
      %dma_start3A_102 = arith.constant 0 : i32
      %dma_start3A_103 = tpu.memref_slice %arg6[%dma_start3A_101, %dma_start3A_102] : memref<1024x64xf32, #tpu.memory_space<vmem>> -> memref<128x64xf32, #tpu.memory_space<vmem>>
      %dma_start3A_104 = arith.constant 0 : i32
      %dma_start3A_105 = tpu.memref_slice %arg5[%dma_start3A_100, %dma_start3A_104] : memref<8x128xi32, #tpu.memory_space<vmem>> -> memref<1x128xi32, #tpu.memory_space<vmem>>
      %dma_start3A_106 = tpu.memref_squeeze %dma_start3A_105 : memref<1x128xi32, #tpu.memory_space<vmem>> -> memref<128xi32, #tpu.memory_space<vmem>>
      %dma_start3A_107 = arith.constant 0 : i32
      %dma_start3A_108 = arith.constant 0 : i32
      %dma_start3A_109 = tpu.memref_slice %arg3[%dma_start3A_107, %dma_start3A_108] : memref<200x64xf32, #tpu.memory_space<hbm>> -> memref<200x64xf32, #tpu.memory_space<hbm>>
      tpu.enqueue_indirect_dma source(%dma_start3A_109 : memref<200x64xf32, #tpu.memory_space<hbm>>) target(%dma_start3A_103 : memref<128x64xf32, #tpu.memory_space<vmem>>) offsets(%dma_start3A_106 : memref<128xi32, #tpu.memory_space<vmem>>) semaphore(%arg7 : memref<!tpu.dma_semaphore, #tpu.memory_space<semaphore_mem>>)
      %dma_wait3A = arith.constant 0 : i32
      %dma_wait3A_110 = arith.constant 0 : i32
      %dma_wait3A_111 = arith.constant 0 : i32
      %dma_wait3A_112 = tpu.memref_slice %arg6[%dma_wait3A_110, %dma_wait3A_111] : memref<1024x64xf32, #tpu.memory_space<vmem>> -> memref<128x64xf32, #tpu.memory_space<vmem>>
      %dma_wait3A_113 = arith.constant 0 : i32
      %dma_wait3A_114 = tpu.memref_slice %arg5[%dma_wait3A, %dma_wait3A_113] : memref<8x128xi32, #tpu.memory_space<vmem>> -> memref<1x128xi32, #tpu.memory_space<vmem>>
      %dma_wait3A_115 = tpu.memref_squeeze %dma_wait3A_114 : memref<1x128xi32, #tpu.memory_space<vmem>> -> memref<128xi32, #tpu.memory_space<vmem>>
      %dma_wait3A_116 = arith.constant 0 : i32
      %dma_wait3A_117 = arith.constant 0 : i32
      %dma_wait3A_118 = tpu.memref_slice %arg3[%dma_wait3A_116, %dma_wait3A_117] : memref<200x64xf32, #tpu.memory_space<hbm>> -> memref<200x64xf32, #tpu.memory_space<hbm>>
      tpu.wait_indirect_dma semaphore(%arg7 : memref<!tpu.dma_semaphore, #tpu.memory_space<semaphore_mem>>) src(%dma_wait3A_118 : memref<200x64xf32, #tpu.memory_space<hbm>>) dst(%dma_wait3A_112 : memref<128x64xf32, #tpu.memory_space<vmem>>)
      %dma_wait3A_119 = arith.constant 1 : i32
      %dma_wait3A_120 = arith.constant 128 : i32
      %dma_wait3A_121 = arith.constant 0 : i32
      %dma_wait3A_122 = tpu.memref_slice %arg6[%dma_wait3A_120, %dma_wait3A_121] : memref<1024x64xf32, #tpu.memory_space<vmem>> -> memref<128x64xf32, #tpu.memory_space<vmem>>
      %dma_wait3A_123 = arith.constant 0 : i32
      %dma_wait3A_124 = tpu.memref_slice %arg5[%dma_wait3A_119, %dma_wait3A_123] : memref<8x128xi32, #tpu.memory_space<vmem>> -> memref<1x128xi32, #tpu.memory_space<vmem>>
      %dma_wait3A_125 = tpu.memref_squeeze %dma_wait3A_124 : memref<1x128xi32, #tpu.memory_space<vmem>> -> memref<128xi32, #tpu.memory_space<vmem>>
      %dma_wait3A_126 = arith.constant 0 : i32
      %dma_wait3A_127 = arith.constant 0 : i32
      %dma_wait3A_128 = tpu.memref_slice %arg3[%dma_wait3A_126, %dma_wait3A_127] : memref<200x64xf32, #tpu.memory_space<hbm>> -> memref<200x64xf32, #tpu.memory_space<hbm>>
      tpu.wait_indirect_dma semaphore(%arg7 : memref<!tpu.dma_semaphore, #tpu.memory_space<semaphore_mem>>) src(%dma_wait3A_128 : memref<200x64xf32, #tpu.memory_space<hbm>>) dst(%dma_wait3A_122 : memref<128x64xf32, #tpu.memory_space<vmem>>)
      %dma_wait3A_129 = arith.constant 2 : i32
      %dma_wait3A_130 = arith.constant 256 : i32
      %dma_wait3A_131 = arith.constant 0 : i32
      %dma_wait3A_132 = tpu.memref_slice %arg6[%dma_wait3A_130, %dma_wait3A_131] : memref<1024x64xf32, #tpu.memory_space<vmem>> -> memref<128x64xf32, #tpu.memory_space<vmem>>
      %dma_wait3A_133 = arith.constant 0 : i32
      %dma_wait3A_134 = tpu.memref_slice %arg5[%dma_wait3A_129, %dma_wait3A_133] : memref<8x128xi32, #tpu.memory_space<vmem>> -> memref<1x128xi32, #tpu.memory_space<vmem>>
      %dma_wait3A_135 = tpu.memref_squeeze %dma_wait3A_134 : memref<1x128xi32, #tpu.memory_space<vmem>> -> memref<128xi32, #tpu.memory_space<vmem>>
      %dma_wait3A_136 = arith.constant 0 : i32
      %dma_wait3A_137 = arith.constant 0 : i32
      %dma_wait3A_138 = tpu.memref_slice %arg3[%dma_wait3A_136, %dma_wait3A_137] : memref<200x64xf32, #tpu.memory_space<hbm>> -> memref<200x64xf32, #tpu.memory_space<hbm>>
      tpu.wait_indirect_dma semaphore(%arg7 : memref<!tpu.dma_semaphore, #tpu.memory_space<semaphore_mem>>) src(%dma_wait3A_138 : memref<200x64xf32, #tpu.memory_space<hbm>>) dst(%dma_wait3A_132 : memref<128x64xf32, #tpu.memory_space<vmem>>)
      %dma_wait3A_139 = arith.constant 3 : i32
      %dma_wait3A_140 = arith.constant 384 : i32
      %dma_wait3A_141 = arith.constant 0 : i32
      %dma_wait3A_142 = tpu.memref_slice %arg6[%dma_wait3A_140, %dma_wait3A_141] : memref<1024x64xf32, #tpu.memory_space<vmem>> -> memref<128x64xf32, #tpu.memory_space<vmem>>
      %dma_wait3A_143 = arith.constant 0 : i32
      %dma_wait3A_144 = tpu.memref_slice %arg5[%dma_wait3A_139, %dma_wait3A_143] : memref<8x128xi32, #tpu.memory_space<vmem>> -> memref<1x128xi32, #tpu.memory_space<vmem>>
      %dma_wait3A_145 = tpu.memref_squeeze %dma_wait3A_144 : memref<1x128xi32, #tpu.memory_space<vmem>> -> memref<128xi32, #tpu.memory_space<vmem>>
      %dma_wait3A_146 = arith.constant 0 : i32
      %dma_wait3A_147 = arith.constant 0 : i32
      %dma_wait3A_148 = tpu.memref_slice %arg3[%dma_wait3A_146, %dma_wait3A_147] : memref<200x64xf32, #tpu.memory_space<hbm>> -> memref<200x64xf32, #tpu.memory_space<hbm>>
      tpu.wait_indirect_dma semaphore(%arg7 : memref<!tpu.dma_semaphore, #tpu.memory_space<semaphore_mem>>) src(%dma_wait3A_148 : memref<200x64xf32, #tpu.memory_space<hbm>>) dst(%dma_wait3A_142 : memref<128x64xf32, #tpu.memory_space<vmem>>)
      %dma_wait3A_149 = arith.constant 4 : i32
      %dma_wait3A_150 = arith.constant 512 : i32
      %dma_wait3A_151 = arith.constant 0 : i32
      %dma_wait3A_152 = tpu.memref_slice %arg6[%dma_wait3A_150, %dma_wait3A_151] : memref<1024x64xf32, #tpu.memory_space<vmem>> -> memref<128x64xf32, #tpu.memory_space<vmem>>
      %dma_wait3A_153 = arith.constant 0 : i32
      %dma_wait3A_154 = tpu.memref_slice %arg5[%dma_wait3A_149, %dma_wait3A_153] : memref<8x128xi32, #tpu.memory_space<vmem>> -> memref<1x128xi32, #tpu.memory_space<vmem>>
      %dma_wait3A_155 = tpu.memref_squeeze %dma_wait3A_154 : memref<1x128xi32, #tpu.memory_space<vmem>> -> memref<128xi32, #tpu.memory_space<vmem>>
      %dma_wait3A_156 = arith.constant 0 : i32
      %dma_wait3A_157 = arith.constant 0 : i32
      %dma_wait3A_158 = tpu.memref_slice %arg3[%dma_wait3A_156, %dma_wait3A_157] : memref<200x64xf32, #tpu.memory_space<hbm>> -> memref<200x64xf32, #tpu.memory_space<hbm>>
      tpu.wait_indirect_dma semaphore(%arg7 : memref<!tpu.dma_semaphore, #tpu.memory_space<semaphore_mem>>) src(%dma_wait3A_158 : memref<200x64xf32, #tpu.memory_space<hbm>>) dst(%dma_wait3A_152 : memref<128x64xf32, #tpu.memory_space<vmem>>)
      %dma_wait3A_159 = arith.constant 5 : i32
      %dma_wait3A_160 = arith.constant 640 : i32
      %dma_wait3A_161 = arith.constant 0 : i32
      %dma_wait3A_162 = tpu.memref_slice %arg6[%dma_wait3A_160, %dma_wait3A_161] : memref<1024x64xf32, #tpu.memory_space<vmem>> -> memref<128x64xf32, #tpu.memory_space<vmem>>
      %dma_wait3A_163 = arith.constant 0 : i32
      %dma_wait3A_164 = tpu.memref_slice %arg5[%dma_wait3A_159, %dma_wait3A_163] : memref<8x128xi32, #tpu.memory_space<vmem>> -> memref<1x128xi32, #tpu.memory_space<vmem>>
      %dma_wait3A_165 = tpu.memref_squeeze %dma_wait3A_164 : memref<1x128xi32, #tpu.memory_space<vmem>> -> memref<128xi32, #tpu.memory_space<vmem>>
      %dma_wait3A_166 = arith.constant 0 : i32
      %dma_wait3A_167 = arith.constant 0 : i32
      %dma_wait3A_168 = tpu.memref_slice %arg3[%dma_wait3A_166, %dma_wait3A_167] : memref<200x64xf32, #tpu.memory_space<hbm>> -> memref<200x64xf32, #tpu.memory_space<hbm>>
      tpu.wait_indirect_dma semaphore(%arg7 : memref<!tpu.dma_semaphore, #tpu.memory_space<semaphore_mem>>) src(%dma_wait3A_168 : memref<200x64xf32, #tpu.memory_space<hbm>>) dst(%dma_wait3A_162 : memref<128x64xf32, #tpu.memory_space<vmem>>)
      %dma_wait3A_169 = arith.constant 6 : i32
      %dma_wait3A_170 = arith.constant 768 : i32
      %dma_wait3A_171 = arith.constant 0 : i32
      %dma_wait3A_172 = tpu.memref_slice %arg6[%dma_wait3A_170, %dma_wait3A_171] : memref<1024x64xf32, #tpu.memory_space<vmem>> -> memref<128x64xf32, #tpu.memory_space<vmem>>
      %dma_wait3A_173 = arith.constant 0 : i32
      %dma_wait3A_174 = tpu.memref_slice %arg5[%dma_wait3A_169, %dma_wait3A_173] : memref<8x128xi32, #tpu.memory_space<vmem>> -> memref<1x128xi32, #tpu.memory_space<vmem>>
      %dma_wait3A_175 = tpu.memref_squeeze %dma_wait3A_174 : memref<1x128xi32, #tpu.memory_space<vmem>> -> memref<128xi32, #tpu.memory_space<vmem>>
      %dma_wait3A_176 = arith.constant 0 : i32
      %dma_wait3A_177 = arith.constant 0 : i32
      %dma_wait3A_178 = tpu.memref_slice %arg3[%dma_wait3A_176, %dma_wait3A_177] : memref<200x64xf32, #tpu.memory_space<hbm>> -> memref<200x64xf32, #tpu.memory_space<hbm>>
      tpu.wait_indirect_dma semaphore(%arg7 : memref<!tpu.dma_semaphore, #tpu.memory_space<semaphore_mem>>) src(%dma_wait3A_178 : memref<200x64xf32, #tpu.memory_space<hbm>>) dst(%dma_wait3A_172 : memref<128x64xf32, #tpu.memory_space<vmem>>)
      %dma_wait3A_179 = arith.constant 7 : i32
      %dma_wait3A_180 = arith.constant 896 : i32
      %dma_wait3A_181 = arith.constant 0 : i32
      %dma_wait3A_182 = tpu.memref_slice %arg6[%dma_wait3A_180, %dma_wait3A_181] : memref<1024x64xf32, #tpu.memory_space<vmem>> -> memref<128x64xf32, #tpu.memory_space<vmem>>
      %dma_wait3A_183 = arith.constant 0 : i32
      %dma_wait3A_184 = tpu.memref_slice %arg5[%dma_wait3A_179, %dma_wait3A_183] : memref<8x128xi32, #tpu.memory_space<vmem>> -> memref<1x128xi32, #tpu.memory_space<vmem>>
      %dma_wait3A_185 = tpu.memref_squeeze %dma_wait3A_184 : memref<1x128xi32, #tpu.memory_space<vmem>> -> memref<128xi32, #tpu.memory_space<vmem>>
      %dma_wait3A_186 = arith.constant 0 : i32
      %dma_wait3A_187 = arith.constant 0 : i32
      %dma_wait3A_188 = tpu.memref_slice %arg3[%dma_wait3A_186, %dma_wait3A_187] : memref<200x64xf32, #tpu.memory_space<hbm>> -> memref<200x64xf32, #tpu.memory_space<hbm>>
      tpu.wait_indirect_dma semaphore(%arg7 : memref<!tpu.dma_semaphore, #tpu.memory_space<semaphore_mem>>) src(%dma_wait3A_188 : memref<200x64xf32, #tpu.memory_space<hbm>>) dst(%dma_wait3A_182 : memref<128x64xf32, #tpu.memory_space<vmem>>)
      "tpu.region"() ({
        %run_scoped3A_189 = tpu.sem_alloc : memref<!tpu.dma_semaphore, #tpu.memory_space<semaphore_mem>>
        %dma_start3A_190 = arith.constant 0 : i32
        %dma_start3A_191 = arith.constant 0 : i32
        %dma_start3A_192 = tpu.memref_slice %arg4[%add3A_27, %dma_start3A_190, %dma_start3A_191] : memref<200x1024x64xf32, #tpu.memory_space<hbm>> -> memref<1x1024x64xf32, #tpu.memory_space<hbm>>
        %dma_start3A_193 = tpu.memref_squeeze %dma_start3A_192 : memref<1x1024x64xf32, #tpu.memory_space<hbm>> -> memref<1024x64xf32, #tpu.memory_space<hbm>>
        %dma_start3A_194 = arith.constant 0 : i32
        %dma_start3A_195 = arith.constant 0 : i32
        %dma_start3A_196 = tpu.memref_slice %arg4[%add3A_27, %dma_start3A_194, %dma_start3A_195] : memref<200x1024x64xf32, #tpu.memory_space<hbm>> -> memref<1x1024x64xf32, #tpu.memory_space<hbm>>
        %dma_start3A_197 = tpu.memref_squeeze %dma_start3A_196 : memref<1x1024x64xf32, #tpu.memory_space<hbm>> -> memref<1024x64xf32, #tpu.memory_space<hbm>>
        tpu.enqueue_dma source(%arg6 : memref<1024x64xf32, #tpu.memory_space<vmem>>) target(%dma_start3A_197 : memref<1024x64xf32, #tpu.memory_space<hbm>>) target_semaphore(%run_scoped3A_189 : memref<!tpu.dma_semaphore, #tpu.memory_space<semaphore_mem>>)
        %dma_wait3A_198 = arith.constant 0 : i32
        %dma_wait3A_199 = arith.constant 0 : i32
        %dma_wait3A_200 = tpu.memref_slice %arg4[%add3A_27, %dma_wait3A_198, %dma_wait3A_199] : memref<200x1024x64xf32, #tpu.memory_space<hbm>> -> memref<1x1024x64xf32, #tpu.memory_space<hbm>>
        %dma_wait3A_201 = tpu.memref_squeeze %dma_wait3A_200 : memref<1x1024x64xf32, #tpu.memory_space<hbm>> -> memref<1024x64xf32, #tpu.memory_space<hbm>>
        %dma_wait3A_202 = arith.constant 0 : i32
        %dma_wait3A_203 = arith.constant 0 : i32
        %dma_wait3A_204 = tpu.memref_slice %arg4[%add3A_27, %dma_wait3A_202, %dma_wait3A_203] : memref<200x1024x64xf32, #tpu.memory_space<hbm>> -> memref<1x1024x64xf32, #tpu.memory_space<hbm>>
        %dma_wait3A_205 = tpu.memref_squeeze %dma_wait3A_204 : memref<1x1024x64xf32, #tpu.memory_space<hbm>> -> memref<1024x64xf32, #tpu.memory_space<hbm>>
        tpu.wait_dma2 semaphore(%run_scoped3A_189 : memref<!tpu.dma_semaphore, #tpu.memory_space<semaphore_mem>>) src(%arg6 : memref<1024x64xf32, #tpu.memory_space<vmem>>) dst(%dma_wait3A_205 : memref<1024x64xf32, #tpu.memory_space<hbm>>)
        tpu.yield
      }) : () -> ()
    }
    return
  }
}

</mosaic_0001>

<sc_bundles>
// kernel: lemb_gather.3.cloned.1.call-start
scs
__scs_entry_jumppad:
0x0: {  	(pc) =	sbr.rel $0x88, $3  }
0x1: {  	(tag) =	ssettag $0x0;
	lr =	simm.s32 $0x1  }
0x2: {  	[smem:$0x3F9C] =	sst lr;
	_ =	strace $0xD0000000  }
0x3: {  	_ = 	snop  }
0x4: {  	_ = 	snop  }
0x5: {  	_ = 	snop  }
0x6: {  	_ = 	snop  }
0x7: {  	_ = 	snop  }
__scs_overlays_trampoline_lowered:
0x8: {  	[smem:$0x3FAB] =	sst s0  }
0x9: {  	[smem:$0x3FAC] =	sst s1  }
0xa: {  	[smem:$0x3FAD] =	sst s2  }
0xb: {  	[smem:$0x3FAE] =	sst s3  }
0xc: {  	[smem:$0x3FAF] =	sst s4  }
0xd: {  	[smem:$0x3FB0] =	sst s5  }
0xe: {  	[smem:$0x3FB1] =	sst s6  }
0xf: {  	[smem:$0x3FB2] =	sst s7  }
0x10: {  	[smem:$0x3FB3] =	sst s8  }
0x11: {  	[smem:$0x3FB4] =	sst s9;
	s0 =	simm.s32 @!p0 $0x0  }
0x12: {  	s1 =	sld [smem:$0x3F9A];
	s0 =	simm.s32 @p0 $0x1  }
0x13: {  	[smem:$0x3FB5] =	sst s0;
	s0 =	simm.s32 @!p1 $0x0  }
0x14: {  	s2 =	sld [smem:$0x3F99];
	s0 =	simm.s32 @p1 $0x1  }
0x15: {  	[smem:$0x3FB6] =	sst s0;
	s0 =	simm.s32 @!p2 $0x0  }
0x16: {  	s3 =	sld [smem:$0x3FDB];
	s0 =	simm.s32 @p2 $0x1  }
0x17: {  	s4 =	simm.s32 $0x1BF5;
	[smem:$0x3FB8] =	sst s0  }
0x18: {  	s0 =	sld [smem:$0x3F9B];
	_ =	swait.ge [sflag:s4], $0x0  }
0x19: {  	s7 =	sld [smem:$0x3F9C]  }
0x1a: {  	s8 =	sadd.s32 $0xFFFFE003, lr  }
0x1b: {  	s9 =	sadd.s32 $0xFFFFFEF7, lr;
	s5 =	simm.s32 $0xFFFFFFFF;
	p2 =	slt.u32 s8, $0xFFFFF086  }
0x1c: {  	p1 =	slt.u32 s9, $0xF7A;
	s5 =	simm.s32 @!p2 $0x0  }
0x1d: {  	s5 =	simm.s32 @p1 $0x1;
	p0 =	seq.s32 s7, s2  }
0x1e: {  	s7 =	smul.u32 @!p0 $0xF7A, s2;
	p2 =	seq.s32 @!p0 s5, $0x0  }
0x1f: {  	s9 =	smul.u32 $0xF7A, s1;
	s8 =	simm.s32 @!p0 $0x1BF5;
	p2 =	por !p2, p0  }
0x20: {  	[sflag:s8] =	ssyncset.s32 @!p0 $0xFFFFF086;
	s6 =	sadd.s32 @!p0 s3, s7;
	s7 =	simm.s32 @!p0 $0x108  }
0x21: {  	s3 =	sadd.s32 s3, s9;
	s6 =	sadd.s32 @!p0 $0x88, s6;
	s7 =	simm.s32 @p2 $0x1082  }
0x22: {  	[simem:s7], [sflag:s8] =	dma.local @!p0 [hbm:s6], $0xF7A  }
0x23: {  	s9 =	sor.u32 $0xD0000000, s2;
	s6 =	simm.s32 $0x108;
	_ =	swait.ge @!p0 [sflag:s8], $0x0  }
0x24: {  	s3 =	sadd.s32 $0x88, s3;
	s6 =	simm.s32 @!p1 $0x1082;
	[sflag:s4] =	ssyncset.s32 $0xFFFFF086  }
0x25: {  	[simem:s6], [sflag:s4] =	dma.local [hbm:s3], $0xF7A  }
0x26: {  	[smem:$0x3F9C] =	sst s1;
	(tag) =	ssettag s2;
	_ =	strace s9  }
0x27: {  	s1 =	sld [smem:$0x3FAC]  }
0x28: {  	s2 =	sld [smem:$0x3FAD]  }
0x29: {  	s4 =	sld [smem:$0x3FAF]  }
0x2a: {  	p0 =	seq.s32 s5, $0x0;
	s5 =	sld [smem:$0x3FB0]  }
0x2b: {  	s6 =	sld [smem:$0x3FB1]  }
0x2c: {  	s7 =	sld [smem:$0x3FB2]  }
0x2d: {  	s3 =	simm.s32 $0x108;
	s8 =	sld [smem:$0x3FB3]  }
0x2e: {  	s3 =	simm.s32 @!p0 $0x1082;
	s9 =	sld [smem:$0x3FB4]  }
0x2f: {  	lr =	sadd.s32 s0, s3;
	s0 =	sld [smem:$0x3FAB]  }
0x30: {  	s3 =	sld [smem:$0x3FAE]  }
0x31: {  	[smem:$0x3FB7] =	sst s10  }
0x32: {  	s10 =	sld [smem:$0x3FB5];
	_ =	sdelay $0x3  }
0x33: {  	p0 =	seq.s32 s10, $0x1;
	s10 =	sld [smem:$0x3FB7];
	_ =	sdelay $0x3  }
0x34: {  	[smem:$0x3FB7] =	sst s10  }
0x35: {  	s10 =	sld [smem:$0x3FB6];
	_ =	sdelay $0x3  }
0x36: {  	p1 =	seq.s32 s10, $0x1;
	s10 =	sld [smem:$0x3FB7];
	_ =	sdelay $0x3  }
0x37: {  	[smem:$0x3FB7] =	sst s10  }
0x38: {  	s10 =	sld [smem:$0x3FB8]  }
0x39: {  	_ = 	snop;
	(pc) =	sbr.ind lr, $3  }
0x3a: {  	_ = 	snop  }
0x3b: {  	_ = 	snop  }
0x3c: {  	p2 =	seq.s32 s10, $0x1;
	s10 =	sld [smem:$0x3FB7]  }
0x3d: {  	_ =	shalt  }
0x3e: {  	_ =	shalt  }
0x3f: {  	_ =	shalt  }
0x40: {  	_ =	shalt  }
0x41: {  	_ =	shalt  }
0x42: {  	_ =	shalt  }
0x43: {  	_ =	shalt  }
0x44: {  	_ =	shalt  }
0x45: {  	_ =	shalt  }
0x46: {  	_ =	shalt  }
0x47: {  	_ =	shalt  }
0x48: {  	_ =	shalt  }
0x49: {  	_ =	shalt  }
0x4a: {  	_ =	shalt  }
0x4b: {  	_ =	shalt  }
0x4c: {  	_ =	shalt  }
0x4d: {  	_ =	shalt  }
0x4e: {  	_ =	shalt  }
0x4f: {  	_ =	shalt  }
0x50: {  	_ =	shalt  }
0x51: {  	_ =	shalt  }
0x52: {  	_ =	shalt  }
0x53: {  	_ =	shalt  }
0x54: {  	_ =	shalt  }
0x55: {  	_ =	shalt  }
0x56: {  	_ =	shalt  }
0x57: {  	_ =	shalt  }
0x58: {  	_ =	shalt  }
0x59: {  	_ =	shalt  }
0x5a: {  	_ =	shalt  }
0x5b: {  	_ =	shalt  }
0x5c: {  	_ =	shalt  }
0x5d: {  	_ =	shalt  }
0x5e: {  	_ =	shalt  }
0x5f: {  	_ =	shalt  }
0x60: {  	_ =	shalt  }
0x61: {  	_ =	shalt  }
0x62: {  	_ =	shalt  }
0x63: {  	_ =	shalt  }
0x64: {  	_ =	shalt  }
0x65: {  	_ =	shalt  }
0x66: {  	_ =	shalt  }
0x67: {  	_ =	shalt  }
0x68: {  	_ =	shalt  }
0x69: {  	_ =	shalt  }
0x6a: {  	_ =	shalt  }
0x6b: {  	_ =	shalt  }
0x6c: {  	_ =	shalt  }
0x6d: {  	_ =	shalt  }
0x6e: {  	_ =	shalt  }
0x6f: {  	_ =	shalt  }
0x70: {  	_ =	shalt  }
0x71: {  	_ =	shalt  }
0x72: {  	_ =	shalt  }
0x73: {  	_ =	shalt  }
0x74: {  	_ =	shalt  }
0x75: {  	_ =	shalt  }
0x76: {  	_ =	shalt  }
0x77: {  	_ =	shalt  }
0x78: {  	_ =	shalt  }
0x79: {  	_ =	shalt  }
0x7a: {  	_ =	shalt  }
0x7b: {  	_ =	shalt  }
0x7c: {  	_ =	shalt  }
0x7d: {  	_ =	shalt  }
0x7e: {  	_ =	shalt  }
0x7f: {  	_ =	shalt  }
0x80: {  	_ =	shalt  }
0x81: {  	_ =	shalt  }
0x82: {  	_ =	shalt  }
0x83: {  	_ =	shalt  }
0x84: {  	_ =	shalt  }
0x85: {  	_ =	shalt  }
0x86: {  	_ =	shalt  }
0x87: {  	_ =	shalt  }
.Lfunc_end0:
.L_simem_size_0:
called_computation.4_lowered:
.L_overlay_start_0:
0x88: {  	s2 =	sld [smem:$0x3FD9]  }
0x89: {  	s3 =	sld [smem:$0x3FFE];
	_ =	sdelay $0x1  }
0x8a: {  	s1 =	srdreg.scid  }
0x8b: {  	s0 =	sand.u32 $0x1, s1  }
0x8c: {  	s14 =	sshll.u32 s0, $0xA;
	s2 =	sadd.s32 s3, s2  }
0x8d: {  	s2 =	sadd.s32 s2, s14  }
0x8e: {  	[smem:$0x3FC3] =	sst s2  }
0x8f: {  	_ = 	snop  }
0x90: {  	s2 =	sld [smem:$0x3FD0];
	_ =	sdelay $0x2  }
0x91: {  	s15 =	simm.s32 $0xC;
	s4 =	simm.s32 $0x10  }
0x92: {  	[smem:s4], [sflag:s15] =	dma.local [hbm:s2], $0x1  }
0x93: {  	_ =	swait.eq [sflag:s15], $0x1  }
0x94: {  	[sflag:s15] =	ssyncset.done $0x0  }
0x95: {  	[sflag:s15] =	ssyncadd.s32 $0xFFFFFFFF  }
0x96: {  	s16 =	sld [smem:$0x10];
	(tm) =	ssettm $0x1  }
0x97: {  	s17 =	sld [smem:$0x3FFB];
	_ =	sdelay $0x3  }
0x98: {  	_ =	strace s17  }
0x99: {  	s3 =	sld [smem:$0x3FFC];
	_ =	sdelay $0x3  }
0x9a: {  	_ =	strace s3  }
0x9b: {  	s3 =	sld [smem:$0x3FFD];
	_ =	sdelay $0x3  }
0x9c: {  	_ =	strace s3  }
0x9d: {  	_ =	strace $0x8FFFFFFF  }
0x9e: {  	s18 =	sld [smem:$0x3FDB];
	_ =	sdelay $0x1  }
0x9f: {  	s19 =	simm.s32 $_scs_section_size  }
0xa0: {  	s5 =	simm.s32 $_size__tile_overlayer_lowered;
	s6 =	simm.s32 $_tile_overlayer_lowered  }
0xa1: {  	s22 =	simm.s32 $0x1BFF;
	s21 =	sshll.u32 s6, $0x1;
	s3 =	sadd.s32 s19, s18  }
0xa2: {  	s7 =	simm.s32 $0x0;
	s20 =	sshll.u32 s5, $0x1;
	s5 =	sadd.s32 s21, s3  }
0xa3: {  	[timem:s7], [sflag:s22] =	dma.local [hbm:s5], s20  }
0xa4: {  	_ =	swait.ge [sflag:s22], s20  }
0xa5: {  	s4 =	ssub.s32 $0x0, s20;
	[sflag:s22] =	ssyncset.done $0x0  }
0xa6: {  	[sflag:s22] =	ssyncadd.s32 s4;
	_ =	sdelay $0x1  }
0xa7: {  	s23 =	simm.s32 $0x1B8B  }
0xa8: {  	_ =	swait.ge [sflag:s23], $0x1  }
0xa9: {  	[sflag:s23] =	ssyncset.done $0x0  }
0xaa: {  	s25 =	simm.s32 $0x1B8E;
	s24 =	sld [smem:$0x3FFE];
	[sflag:s23] =	ssyncadd.s32 $0xFFFFFFFF  }
0xab: {  	s26 =	simm.s32 $execute0_lowered;
	[smem:$0x3FD2] =	sst s25  }
0xac: {  	s5 =	sshll.u32 s26, $0x1;
	_ =	strace $0x80000046;
	[dreg:$0x1] =	wrdreg $0xFFFFFFFF  }
0xad: {  	s28 =	simm.s32 $_size_execute0_lowered;
	s3 =	sadd.s32 s3, s5;
	[dreg:$0x0] =	wrdreg $0x0  }
0xae: {  	s5 =	sshll.u32 s28, $0x1;
	[dreg:$0x2] =	wrdreg s3  }
0xaf: {  	[dreg:$0x3] =	wrdreg s5  }
0xb0: {  	[dreg:$0x4] =	wrdreg $0xC0  }
0xb1: {  	_ =	task [dreg:s7], $0x5FFFF  }
0xb2: {  	[dreg:$0x1] =	wrdreg $0xFFFFFFFF  }
0xb3: {  	[dreg:$0x0] =	wrdreg $0x60  }
0xb4: {  	[dreg:$0x2] =	wrdreg s24  }
0xb5: {  	[dreg:$0x3] =	wrdreg s16  }
0xb6: {  	[dreg:$0x4] =	wrdreg $0x9  }
0xb7: {  	_ =	task.clear_ibuf [dreg:s7], $0x5FFFF;
	_ =	strace $0x90000046  }
0xb8: {  	s29 =	simm.s32 $0x9;
	_ =	strace $0x80000048  }
0xb9: {  	_ =	swait.ge [sflag:s29], $0x1  }
0xba: {  	[sflag:s29] =	ssyncadd.s32 $0xFFFFFFFF  }
0xbb: {  	_ =	strace $0x90000048  }
0xbc: {  	_ =	sfence  }
0xbd: {  	s30 =	sld [smem:$0x0];
	_ =	sdelay $0x2  }
0xbe: {  	s31 =	sshll.u32 s1, $0xD;
	s1 =	sshrl.u32 s1, $0x2  }
0xbf: {  	s3 =	sand.u32 $0x4000, s31;
	s1 =	sadd.s32 s1, s30  }
0xc0: {  	s0 =	sor.u32 s3, s0;
	s1 =	sshll.u32 s1, $0x11  }
0xc1: {  	s0 =	sor.u32 s1, s0  }
0xc2: {  	s0 =	sadd.s32 $0x8F2B, s0  }
0xc3: {  	[sflag:s0] =	ssyncadd.remote.s32 $0x1  }
0xc4: {  	_ =	sfence.sel $0xFFFF  }
0xc5: {  	[dreg:$0x0] =	wrdreg $0xFFFFFFFF;
	(pc) =	sbr.abs _section_cstart, $3  }
0xc6: {  	[dreg:$0x1] =	wrdreg $0xFFFFFFFF  }
0xc7: {  	_ =	task.clear_ibuf [dreg:s7], $0x2FFFF;
	_ =	strace $0x9FFFFFFF  }
0xc8: {  	(tm) =	ssettm $0x7FFFFFFF  }
0xc9: {  	_ =	shalt  }
tec
execute0_lowered:
.L_overlay_start_1:
0x0: {  	(tag) =	ssettag $0x1  }
0x1: {  	s3 =	rddreg [dreg:$0x0]  }
0x2: {  	s6 =	rddreg [dreg:$0x1]  }
0x3: {  	s0 =	rddreg [dreg:$0x2];
	s2 =	simm.s32 $0x0;
	s1 =	stileid.u32  }
0x4: {  	s4 =	srdreg.scid;
	s12 =	simm.s32 $0x2400;
	s13 =	simm.s32 $0x100  }
0x5: {  	s14 =	simm.s32 $0x4400;
	s15 =	simm.s32 $0x180;
	s16 =	simm.s32 $0x6400  }
0x6: {  	s17 =	simm.s32 $0x200;
	s18 =	simm.s32 $0x8400;
	s19 =	simm.s32 $0x280  }
0x7: {  	s20 =	simm.s32 $0xA400;
	s21 =	simm.s32 $0x300;
	s22 =	simm.s32 $0xC400  }
0x8: {  	s23 =	simm.s32 $0x380;
	s24 =	simm.s32 $0xE400;
	s25 =	simm.s32 $0x1  }
0x9: {  	s26 =	simm.s32 $0x0;
	[smem:$0x7FF] =	sst s2;
	s5 =	sshll.u32 s1, $0x8  }
0xa: {  	s7 =	sand.u32 $0x1, s4;
	s28 =	sshll.u32 s1, $0x1;
	_ =	strace $0x80000047  }
0xb: {  	s8 =	sadd.s32 s5, s3;
	s29 =	ssub.s32 $0x2, s7;
	s9 =	sor.u32 s7, s28  }
0xc: {  	s3 =	sadd.s32 $0xF44400, s3;
	s5 =	simm.s32 $0x7;
	s7 =	sshll.u32 s7, $0x7  }
0xd: {  	s30 =	sshrl.u32 s29, $0x1;
	s10 =	sshll.u32 s9, $0x8;
	p0 =	slt.u32 s9, $0x7  }
0xe: {  	s9 =	sshll.u32 s9, $0xD;
	s7 =	sadd.s32 s7, s8;
	s11 =	ssub.s32 s29, s30  }
0xf: {  	s4 =	sadd.s32 s6, s10;
	s5 =	simm.s32 @!p0 $0x6;
	s31 =	sadd.s32 s6, s9  }
0x10: {  	s7 =	sadd.s32 $0x2000, s7;
	s9 =	simm.s32 $0x400;
	s10 =	simm.s32 $0x2  }
0x11: {  	v0 =	vimm.f32 $0.0e+00;
	s6 =	smax.u32 s11, $0x1;
	s8 =	sadd.s32 $0x2000, s31;
	s11 =	simm.s32 $0x80  }
.LBB2_1:
0x12: {  	s29 =	simm.s32 $0x100;
	s28 =	simm.s32 $0x0  }
.LBB2_2:
0x13: {  	p0 =	sne.s32 s29, $0x1F00;
	[tilespmem:s28+$0x430] =	vst v0;
	s30 =	smov.u32 s29;
	s29 =	sadd.s32 $0x100, s29  }
.Ltmp0:
0x14: {  	[tilespmem:s28+$0x420] =	vst v0;
	(pc) =	sbr.rel @p0 .LBB2_2-.Ltmp0, $3  }
0x15: {  	[tilespmem:s28+$0x400] =	vst v0  }
0x16: {  	[tilespmem:s28+$0x410] =	vst v0;
	_ =	sdelay $0x1  }
0x17: {  	s28 =	sshra.s32 s30, $0x2  }
0x18: {  	[tilespmem:s28+$0x430] =	vst v0  }
0x19: {  	[tilespmem:s28+$0x420] =	vst v0  }
0x1a: {  	[tilespmem:s28+$0x400] =	vst v0  }
0x1b: {  	[tilespmem:s28+$0x410] =	vst v0  }
0x1c: {  	[hbm4b:s4+s2] =	stream.linear.scatter [tilespmem:s9], [sflag:$0x2], $0x800, $0x38;
	[tilespmem:$0x10400] =	vst v63  }
0x1d: {  	_ =	swait.ge [sflag:s10], $0x800  }
0x1e: {  	[sflag:s10] =	ssyncset.done $0x0  }
0x1f: {  	[sflag:s10] =	ssyncadd.s32 $0xFFFFF800  }
0x20: {  	[tilespmem:s2], [sflag:$0x2] =	stream.linear.gather [hbm4b:s7+s2], $0x400, $0x38;
	[tilespmem:$0x10400] =	vst v63  }
0x21: {  	_ =	swait.ge [sflag:s10], $0x400  }
0x22: {  	[sflag:s10] =	ssyncset.done $0x0  }
0x23: {  	[sflag:s10] =	ssyncadd.s32 $0xFFFFFC00  }
0x24: {  	[tilespmem:s9], [sflag:$0x1] =	stream.indirect.gather [hbm4b:s3+s11], $0x40, s2, s11, $0xb8;
	[tilespmem:$0x10400] =	vst v63  }
0x25: {  	_ = 	snop  }
0x26: {  	[tilespmem:s12], [sflag:$0x1] =	stream.indirect.gather [hbm4b:s3+s11], $0x40, s11, s11, $0xb8;
	[tilespmem:$0x10400] =	vst v63  }
0x27: {  	_ = 	snop  }
0x28: {  	[tilespmem:s14], [sflag:$0x1] =	stream.indirect.gather [hbm4b:s3+s11], $0x40, s13, s11, $0xb8;
	[tilespmem:$0x10400] =	vst v63  }
0x29: {  	_ = 	snop  }
0x2a: {  	[tilespmem:s16], [sflag:$0x1] =	stream.indirect.gather [hbm4b:s3+s11], $0x40, s15, s11, $0xb8;
	[tilespmem:$0x10400] =	vst v63  }
0x2b: {  	_ = 	snop  }
0x2c: {  	[tilespmem:s18], [sflag:$0x1] =	stream.indirect.gather [hbm4b:s3+s11], $0x40, s17, s11, $0xb8;
	[tilespmem:$0x10400] =	vst v63  }
0x2d: {  	_ = 	snop  }
0x2e: {  	[tilespmem:s20], [sflag:$0x1] =	stream.indirect.gather [hbm4b:s3+s11], $0x40, s19, s11, $0xb8;
	[tilespmem:$0x10400] =	vst v63  }
0x2f: {  	_ = 	snop  }
0x30: {  	[tilespmem:s22], [sflag:$0x1] =	stream.indirect.gather [hbm4b:s3+s11], $0x40, s21, s11, $0xb8;
	[tilespmem:$0x10400] =	vst v63  }
0x31: {  	_ = 	snop  }
0x32: {  	[tilespmem:s24], [sflag:$0x1] =	stream.indirect.gather [hbm4b:s3+s11], $0x40, s23, s11, $0xb8;
	[tilespmem:$0x10400] =	vst v63  }
0x33: {  	_ =	swait.ge [sflag:s25], $0x2000  }
0x34: {  	[sflag:s25] =	ssyncset.done $0x0  }
0x35: {  	[sflag:s25] =	ssyncadd.s32 $0xFFFFE000  }
0x36: {  	_ =	swait.ge [sflag:s25], $0x2000  }
0x37: {  	[sflag:s25] =	ssyncset.done $0x0  }
0x38: {  	[sflag:s25] =	ssyncadd.s32 $0xFFFFE000  }
0x39: {  	_ =	swait.ge [sflag:s25], $0x2000  }
0x3a: {  	[sflag:s25] =	ssyncset.done $0x0  }
0x3b: {  	[sflag:s25] =	ssyncadd.s32 $0xFFFFE000  }
0x3c: {  	_ =	swait.ge [sflag:s25], $0x2000  }
0x3d: {  	[sflag:s25] =	ssyncset.done $0x0  }
0x3e: {  	[sflag:s25] =	ssyncadd.s32 $0xFFFFE000  }
0x3f: {  	_ =	swait.ge [sflag:s25], $0x2000  }
0x40: {  	[sflag:s25] =	ssyncset.done $0x0  }
0x41: {  	[sflag:s25] =	ssyncadd.s32 $0xFFFFE000  }
0x42: {  	_ =	swait.ge [sflag:s25], $0x2000  }
0x43: {  	[sflag:s25] =	ssyncset.done $0x0  }
0x44: {  	[sflag:s25] =	ssyncadd.s32 $0xFFFFE000  }
0x45: {  	_ =	swait.ge [sflag:s25], $0x2000  }
0x46: {  	[sflag:s25] =	ssyncset.done $0x0  }
0x47: {  	[sflag:s25] =	ssyncadd.s32 $0xFFFFE000  }
0x48: {  	p0 =	sne.s32 s5, $0x1;
	_ =	swait.ge [sflag:s25], $0x2000  }
.Ltmp1:
0x49: {  	[sflag:s25] =	ssyncset.done $0x0;
	(pc) =	sbr.rel @!p0 .LBB2_5-.Ltmp1, $4  }
0x4a: {  	[sflag:s25] =	ssyncadd.s32 $0xFFFFE000  }
0x4b: {  	[hbm4b:s8+s2] =	stream.linear.scatter [tilespmem:s9], [sflag:$0x2], $0x10000, $0x38;
	[tilespmem:$0x10400] =	vst v63  }
0x4c: {  	s28 =	sadd.s32 $0xFFFFFFFF, s5;
	_ =	swait.ge [sflag:s10], $0x10000  }
0x4d: {  	s29 =	smov.u32 s7;
	s30 =	smov.u32 s8;
	[sflag:s10] =	ssyncset.done $0x0  }
.LBB2_4:
0x4e: {  	[sflag:s10] =	ssyncadd.s32 $0xFFFF0000;
	s29 =	sadd.s32 $0x1000, s29;
	s30 =	sadd.s32 $0x40000, s30  }
0x4f: {  	[tilespmem:s2], [sflag:$0x2] =	stream.linear.gather [hbm4b:s29+s2], $0x400, $0x38;
	[tilespmem:$0x10400] =	vst v63  }
0x50: {  	p0 =	sne.s32 s28, $0x1;
	s28 =	sadd.s32 $0xFFFFFFFF, s28;
	_ =	swait.ge [sflag:s10], $0x400  }
0x51: {  	[sflag:s10] =	ssyncset.done $0x0  }
0x52: {  	[sflag:s10] =	ssyncadd.s32 $0xFFFFFC00  }
0x53: {  	[tilespmem:s9], [sflag:$0x1] =	stream.indirect.gather [hbm4b:s3+s11], $0x40, s2, s11, $0xb8;
	[tilespmem:$0x10400] =	vst v63  }
0x54: {  	_ = 	snop  }
0x55: {  	[tilespmem:s12], [sflag:$0x1] =	stream.indirect.gather [hbm4b:s3+s11], $0x40, s11, s11, $0xb8;
	[tilespmem:$0x10400] =	vst v63  }
0x56: {  	_ = 	snop  }
0x57: {  	[tilespmem:s14], [sflag:$0x1] =	stream.indirect.gather [hbm4b:s3+s11], $0x40, s13, s11, $0xb8;
	[tilespmem:$0x10400] =	vst v63  }
0x58: {  	_ = 	snop  }
0x59: {  	[tilespmem:s16], [sflag:$0x1] =	stream.indirect.gather [hbm4b:s3+s11], $0x40, s15, s11, $0xb8;
	[tilespmem:$0x10400] =	vst v63  }
0x5a: {  	_ = 	snop  }
0x5b: {  	[tilespmem:s18], [sflag:$0x1] =	stream.indirect.gather [hbm4b:s3+s11], $0x40, s17, s11, $0xb8;
	[tilespmem:$0x10400] =	vst v63  }
0x5c: {  	_ = 	snop  }
0x5d: {  	[tilespmem:s20], [sflag:$0x1] =	stream.indirect.gather [hbm4b:s3+s11], $0x40, s19, s11, $0xb8;
	[tilespmem:$0x10400] =	vst v63  }
0x5e: {  	_ = 	snop  }
0x5f: {  	[tilespmem:s22], [sflag:$0x1] =	stream.indirect.gather [hbm4b:s3+s11], $0x40, s21, s11, $0xb8;
	[tilespmem:$0x10400] =	vst v63  }
0x60: {  	_ = 	snop  }
0x61: {  	[tilespmem:s24], [sflag:$0x1] =	stream.indirect.gather [hbm4b:s3+s11], $0x40, s23, s11, $0xb8;
	[tilespmem:$0x10400] =	vst v63  }
0x62: {  	_ =	swait.ge [sflag:s25], $0x2000  }
0x63: {  	[sflag:s25] =	ssyncset.done $0x0  }
0x64: {  	[sflag:s25] =	ssyncadd.s32 $0xFFFFE000  }
0x65: {  	_ =	swait.ge [sflag:s25], $0x2000  }
0x66: {  	[sflag:s25] =	ssyncset.done $0x0  }
0x67: {  	[sflag:s25] =	ssyncadd.s32 $0xFFFFE000  }
0x68: {  	_ =	swait.ge [sflag:s25], $0x2000  }
0x69: {  	[sflag:s25] =	ssyncset.done $0x0  }
0x6a: {  	[sflag:s25] =	ssyncadd.s32 $0xFFFFE000  }
0x6b: {  	_ =	swait.ge [sflag:s25], $0x2000  }
0x6c: {  	[sflag:s25] =	ssyncset.done $0x0  }
0x6d: {  	[sflag:s25] =	ssyncadd.s32 $0xFFFFE000  }
0x6e: {  	_ =	swait.ge [sflag:s25], $0x2000  }
0x6f: {  	[sflag:s25] =	ssyncset.done $0x0  }
0x70: {  	[sflag:s25] =	ssyncadd.s32 $0xFFFFE000  }
0x71: {  	_ =	swait.ge [sflag:s25], $0x2000  }
0x72: {  	[sflag:s25] =	ssyncset.done $0x0  }
0x73: {  	[sflag:s25] =	ssyncadd.s32 $0xFFFFE000  }
0x74: {  	_ =	swait.ge [sflag:s25], $0x2000  }
0x75: {  	[sflag:s25] =	ssyncset.done $0x0  }
0x76: {  	[sflag:s25] =	ssyncadd.s32 $0xFFFFE000  }
0x77: {  	_ =	swait.ge [sflag:s25], $0x2000  }
.Ltmp2:
0x78: {  	[sflag:s25] =	ssyncset.done $0x0;
	(pc) =	sbr.rel @p0 .LBB2_4-.Ltmp2, $4  }
0x79: {  	[sflag:s25] =	ssyncadd.s32 $0xFFFFE000  }
0x7a: {  	[hbm4b:s30+s2] =	stream.linear.scatter [tilespmem:s9], [sflag:$0x2], $0x10000, $0x38;
	[tilespmem:$0x10400] =	vst v63  }
0x7b: {  	_ =	swait.ge [sflag:s10], $0x10000  }
0x7c: {  	[sflag:s10] =	ssyncset.done $0x0  }
.LBB2_5:
0x7d: {  	s26 =	sadd.s32 $0x1, s26  }
0x7e: {  	p0 =	sne.s32 s26, s6  }
.Ltmp3:
0x7f: {  	_ = 	snop;
	(pc) =	sbr.rel @p0 .LBB2_1-.Ltmp3, $2  }
0x80: {  	_ =	sdelay $0x2  }
0x81: {  	[sflag:s10] =	ssyncadd.s32 $0xFFFF0000  }
0x82: {  	_ =	sfence.sel $0x180000  }
0x83: {  	[bflag:$0x0] =	sbarrier.arrive $0xFFFF  }
0x84: {  	p0 =	sne.s32 s1, $0x0;
	_ =	strace $0x90000047  }
0x85: {  	s0 =	sadd.s32 @!p0 $0x100000, s0;
	[bflag:$0x2] =	sbarrier.arrive $0xFFFF  }
0x86: {  	[sflag:s0] =	ssyncadd.tile.s32 @!p0 $0x1;
	_ =	shalt  }
.Lfunc_end2:
_tile_overlayer_lowered:
.L_overlay_start_2:
0x87: {  	(tag) =	ssettag $0x2  }
0x88: {  	s0 =	rddreg [dreg:$0x0];
	s2 =	stileid.u32  }
0x89: {  	s1 =	rddreg [dreg:$0x1];
	p0 =	sne.s32 s2, $0x0  }
0x8a: {  	s3 =	rddreg [dreg:$0x2];
	[bflag:$0x3] =	sbarrier.arrive $0xFFFF;
	s2 =	simm.s32 @!p0 $0x1C02  }
0x8b: {  	[timem:s3], [sflag:s2] =	dma.local @!p0 [hbm:s0], s1  }
0x8c: {  	s0 =	simm.s32 @!p0 $0x2  }
0x8d: {  	_ =	swait.ge @!p0 [sflag:s0], s1  }
0x8e: {  	s1 =	ssub.s32 @!p0 $0x0, s1;
	[sflag:s0] =	ssyncset.done @!p0 $0x0  }
0x8f: {  	[sflag:s0] =	ssyncadd.s32 @!p0 s1  }
0x90: {  	[bflag:$0x3] =	sbarrier.arrive $0xFFFF  }
0x91: {  	_ =	shalt  }

// kernel: pos_gather.3.cloned.1.call-start
scs
__scs_entry_jumppad:
0x0: {  	(pc) =	sbr.rel $0x88, $3  }
0x1: {  	(tag) =	ssettag $0x0;
	lr =	simm.s32 $0x1  }
0x2: {  	[smem:$0x3F9C] =	sst lr;
	_ =	strace $0xD0000000  }
0x3: {  	_ = 	snop  }
0x4: {  	_ = 	snop  }
0x5: {  	_ = 	snop  }
0x6: {  	_ = 	snop  }
0x7: {  	_ = 	snop  }
__scs_overlays_trampoline_lowered:
0x8: {  	[smem:$0x3FAB] =	sst s0  }
0x9: {  	[smem:$0x3FAC] =	sst s1  }
0xa: {  	[smem:$0x3FAD] =	sst s2  }
0xb: {  	[smem:$0x3FAE] =	sst s3  }
0xc: {  	[smem:$0x3FAF] =	sst s4  }
0xd: {  	[smem:$0x3FB0] =	sst s5  }
0xe: {  	[smem:$0x3FB1] =	sst s6  }
0xf: {  	[smem:$0x3FB2] =	sst s7  }
0x10: {  	[smem:$0x3FB3] =	sst s8  }
0x11: {  	[smem:$0x3FB4] =	sst s9;
	s0 =	simm.s32 @!p0 $0x0  }
0x12: {  	s1 =	sld [smem:$0x3F9A];
	s0 =	simm.s32 @p0 $0x1  }
0x13: {  	[smem:$0x3FB5] =	sst s0;
	s0 =	simm.s32 @!p1 $0x0  }
0x14: {  	s2 =	sld [smem:$0x3F99];
	s0 =	simm.s32 @p1 $0x1  }
0x15: {  	[smem:$0x3FB6] =	sst s0;
	s0 =	simm.s32 @!p2 $0x0  }
0x16: {  	s3 =	sld [smem:$0x3FDB];
	s0 =	simm.s32 @p2 $0x1  }
0x17: {  	s4 =	simm.s32 $0x1BF5;
	[smem:$0x3FB8] =	sst s0  }
0x18: {  	s0 =	sld [smem:$0x3F9B];
	_ =	swait.ge [sflag:s4], $0x0  }
0x19: {  	s7 =	sld [smem:$0x3F9C]  }
0x1a: {  	s8 =	sadd.s32 $0xFFFFE003, lr  }
0x1b: {  	s9 =	sadd.s32 $0xFFFFFEF7, lr;
	s5 =	simm.s32 $0xFFFFFFFF;
	p2 =	slt.u32 s8, $0xFFFFF086  }
0x1c: {  	p1 =	slt.u32 s9, $0xF7A;
	s5 =	simm.s32 @!p2 $0x0  }
0x1d: {  	s5 =	simm.s32 @p1 $0x1;
	p0 =	seq.s32 s7, s2  }
0x1e: {  	s7 =	smul.u32 @!p0 $0xF7A, s2;
	p2 =	seq.s32 @!p0 s5, $0x0  }
0x1f: {  	s9 =	smul.u32 $0xF7A, s1;
	s8 =	simm.s32 @!p0 $0x1BF5;
	p2 =	por !p2, p0  }
0x20: {  	[sflag:s8] =	ssyncset.s32 @!p0 $0xFFFFF086;
	s6 =	sadd.s32 @!p0 s3, s7;
	s7 =	simm.s32 @!p0 $0x108  }
0x21: {  	s3 =	sadd.s32 s3, s9;
	s6 =	sadd.s32 @!p0 $0x88, s6;
	s7 =	simm.s32 @p2 $0x1082  }
0x22: {  	[simem:s7], [sflag:s8] =	dma.local @!p0 [hbm:s6], $0xF7A  }
0x23: {  	s9 =	sor.u32 $0xD0000000, s2;
	s6 =	simm.s32 $0x108;
	_ =	swait.ge @!p0 [sflag:s8], $0x0  }
0x24: {  	s3 =	sadd.s32 $0x88, s3;
	s6 =	simm.s32 @!p1 $0x1082;
	[sflag:s4] =	ssyncset.s32 $0xFFFFF086  }
0x25: {  	[simem:s6], [sflag:s4] =	dma.local [hbm:s3], $0xF7A  }
0x26: {  	[smem:$0x3F9C] =	sst s1;
	(tag) =	ssettag s2;
	_ =	strace s9  }
0x27: {  	s1 =	sld [smem:$0x3FAC]  }
0x28: {  	s2 =	sld [smem:$0x3FAD]  }
0x29: {  	s4 =	sld [smem:$0x3FAF]  }
0x2a: {  	p0 =	seq.s32 s5, $0x0;
	s5 =	sld [smem:$0x3FB0]  }
0x2b: {  	s6 =	sld [smem:$0x3FB1]  }
0x2c: {  	s7 =	sld [smem:$0x3FB2]  }
0x2d: {  	s3 =	simm.s32 $0x108;
	s8 =	sld [smem:$0x3FB3]  }
0x2e: {  	s3 =	simm.s32 @!p0 $0x1082;
	s9 =	sld [smem:$0x3FB4]  }
0x2f: {  	lr =	sadd.s32 s0, s3;
	s0 =	sld [smem:$0x3FAB]  }
0x30: {  	s3 =	sld [smem:$0x3FAE]  }
0x31: {  	[smem:$0x3FB7] =	sst s10  }
0x32: {  	s10 =	sld [smem:$0x3FB5];
	_ =	sdelay $0x3  }
0x33: {  	p0 =	seq.s32 s10, $0x1;
	s10 =	sld [smem:$0x3FB7];
	_ =	sdelay $0x3  }
0x34: {  	[smem:$0x3FB7] =	sst s10  }
0x35: {  	s10 =	sld [smem:$0x3FB6];
	_ =	sdelay $0x3  }
0x36: {  	p1 =	seq.s32 s10, $0x1;
	s10 =	sld [smem:$0x3FB7];
	_ =	sdelay $0x3  }
0x37: {  	[smem:$0x3FB7] =	sst s10  }
0x38: {  	s10 =	sld [smem:$0x3FB8]  }
0x39: {  	_ = 	snop;
	(pc) =	sbr.ind lr, $3  }
0x3a: {  	_ = 	snop  }
0x3b: {  	_ = 	snop  }
0x3c: {  	p2 =	seq.s32 s10, $0x1;
	s10 =	sld [smem:$0x3FB7]  }
0x3d: {  	_ =	shalt  }
0x3e: {  	_ =	shalt  }
0x3f: {  	_ =	shalt  }
0x40: {  	_ =	shalt  }
0x41: {  	_ =	shalt  }
0x42: {  	_ =	shalt  }
0x43: {  	_ =	shalt  }
0x44: {  	_ =	shalt  }
0x45: {  	_ =	shalt  }
0x46: {  	_ =	shalt  }
0x47: {  	_ =	shalt  }
0x48: {  	_ =	shalt  }
0x49: {  	_ =	shalt  }
0x4a: {  	_ =	shalt  }
0x4b: {  	_ =	shalt  }
0x4c: {  	_ =	shalt  }
0x4d: {  	_ =	shalt  }
0x4e: {  	_ =	shalt  }
0x4f: {  	_ =	shalt  }
0x50: {  	_ =	shalt  }
0x51: {  	_ =	shalt  }
0x52: {  	_ =	shalt  }
0x53: {  	_ =	shalt  }
0x54: {  	_ =	shalt  }
0x55: {  	_ =	shalt  }
0x56: {  	_ =	shalt  }
0x57: {  	_ =	shalt  }
0x58: {  	_ =	shalt  }
0x59: {  	_ =	shalt  }
0x5a: {  	_ =	shalt  }
0x5b: {  	_ =	shalt  }
0x5c: {  	_ =	shalt  }
0x5d: {  	_ =	shalt  }
0x5e: {  	_ =	shalt  }
0x5f: {  	_ =	shalt  }
0x60: {  	_ =	shalt  }
0x61: {  	_ =	shalt  }
0x62: {  	_ =	shalt  }
0x63: {  	_ =	shalt  }
0x64: {  	_ =	shalt  }
0x65: {  	_ =	shalt  }
0x66: {  	_ =	shalt  }
0x67: {  	_ =	shalt  }
0x68: {  	_ =	shalt  }
0x69: {  	_ =	shalt  }
0x6a: {  	_ =	shalt  }
0x6b: {  	_ =	shalt  }
0x6c: {  	_ =	shalt  }
0x6d: {  	_ =	shalt  }
0x6e: {  	_ =	shalt  }
0x6f: {  	_ =	shalt  }
0x70: {  	_ =	shalt  }
0x71: {  	_ =	shalt  }
0x72: {  	_ =	shalt  }
0x73: {  	_ =	shalt  }
0x74: {  	_ =	shalt  }
0x75: {  	_ =	shalt  }
0x76: {  	_ =	shalt  }
0x77: {  	_ =	shalt  }
0x78: {  	_ =	shalt  }
0x79: {  	_ =	shalt  }
0x7a: {  	_ =	shalt  }
0x7b: {  	_ =	shalt  }
0x7c: {  	_ =	shalt  }
0x7d: {  	_ =	shalt  }
0x7e: {  	_ =	shalt  }
0x7f: {  	_ =	shalt  }
0x80: {  	_ =	shalt  }
0x81: {  	_ =	shalt  }
0x82: {  	_ =	shalt  }
0x83: {  	_ =	shalt  }
0x84: {  	_ =	shalt  }
0x85: {  	_ =	shalt  }
0x86: {  	_ =	shalt  }
0x87: {  	_ =	shalt  }
.Lfunc_end0:
.L_simem_size_0:
called_computation.3_lowered:
.L_overlay_start_0:
0x88: {  	s2 =	sld [smem:$0x3FD9]  }
0x89: {  	s3 =	sld [smem:$0x3FFE];
	_ =	sdelay $0x1  }
0x8a: {  	s1 =	srdreg.scid  }
0x8b: {  	s0 =	sand.u32 $0x1, s1  }
0x8c: {  	s15 =	sshll.u32 s0, $0xA;
	s2 =	sadd.s32 s3, s2  }
0x8d: {  	s2 =	sadd.s32 s2, s15  }
0x8e: {  	[smem:$0x3FC3] =	sst s2  }
0x8f: {  	_ = 	snop  }
0x90: {  	s2 =	sld [smem:$0x3FD0];
	_ =	sdelay $0x2  }
0x91: {  	s16 =	simm.s32 $0xC;
	s4 =	simm.s32 $0x10  }
0x92: {  	[smem:s4], [sflag:s16] =	dma.local [hbm:s2], $0x1  }
0x93: {  	_ =	swait.eq [sflag:s16], $0x1  }
0x94: {  	[sflag:s16] =	ssyncset.done $0x0  }
0x95: {  	[sflag:s16] =	ssyncadd.s32 $0xFFFFFFFF  }
0x96: {  	s17 =	sld [smem:$0x11];
	(tm) =	ssettm $0x1  }
0x97: {  	s18 =	sld [smem:$0x3FFB];
	_ =	sdelay $0x3  }
0x98: {  	_ =	strace s18  }
0x99: {  	s2 =	sld [smem:$0x3FFC];
	_ =	sdelay $0x3  }
0x9a: {  	_ =	strace s2  }
0x9b: {  	s2 =	sld [smem:$0x3FFD];
	_ =	sdelay $0x3  }
0x9c: {  	_ =	strace s2  }
0x9d: {  	_ =	strace $0x8FFFFFFF  }
0x9e: {  	s19 =	sld [smem:$0x3FDB];
	_ =	sdelay $0x1  }
0x9f: {  	s20 =	simm.s32 $_scs_section_size  }
0xa0: {  	s5 =	simm.s32 $_size__tile_overlayer_lowered;
	s6 =	simm.s32 $_tile_overlayer_lowered  }
0xa1: {  	s7 =	simm.s32 $0x1BFF;
	s21 =	sshll.u32 s6, $0x1;
	s4 =	sadd.s32 s20, s19  }
0xa2: {  	s22 =	simm.s32 $0x0;
	s5 =	sshll.u32 s5, $0x1;
	s6 =	sadd.s32 s21, s4  }
0xa3: {  	[timem:s22], [sflag:s7] =	dma.local [hbm:s6], s5  }
0xa4: {  	_ =	swait.ge [sflag:s7], s5  }
0xa5: {  	s5 =	ssub.s32 $0x0, s5;
	[sflag:s7] =	ssyncset.done $0x0  }
0xa6: {  	[sflag:s7] =	ssyncadd.s32 s5;
	_ =	sdelay $0x1  }
0xa7: {  	s23 =	simm.s32 $0x1B8B  }
0xa8: {  	_ =	swait.ge [sflag:s23], $0x1  }
0xa9: {  	[sflag:s23] =	ssyncset.done $0x0  }
0xaa: {  	[sflag:s23] =	ssyncadd.s32 $0xFFFFFFFF  }
0xab: {  	s5 =	sld [smem:$0x0]  }
0xac: {  	s6 =	sand.u32 $0xFFFFFFFE, s1  }
0xad: {  	p0 =	sne.s32 s1, s6  }
0xae: {  	s6 =	sshll.u32 @p0 s6, $0xE  }
0xaf: {  	s6 =	sadd.s32 @p0 $0x11B8D, s6;
	s7 =	sshll.u32 @p0 s5, $0x11  }
0xb0: {  	s6 =	sor.u32 @p0 s7, s6  }
0xb1: {  	[sflag:s6] =	ssyncadd.remote.s32 @p0 $0x1;
	_ =	sdelay $0x1  }
0xb2: {  	s6 =	simm.s32 @p0 $0x1B8D  }
0xb3: {  	_ =	swait.eq @p0 [sflag:s6], $0x1  }
0xb4: {  	[sflag:s6] =	ssyncadd.s32 @p0 $0xFFFFFFFF  }
0xb5: {  	s7 =	sshll.u32 @!p0 s1, $0xE  }
0xb6: {  	s7 =	sor.u32 @!p0 $0x4000, s7;
	s6 =	simm.s32 @!p0 $0x1B8D  }
0xb7: {  	s5 =	sshll.u32 @!p0 s5, $0x11;
	s7 =	sadd.s32 @!p0 $0x11B8D, s7;
	_ =	swait.eq @!p0 [sflag:s6], $0x1  }
0xb8: {  	s5 =	sor.u32 @!p0 s5, s7;
	[sflag:s6] =	ssyncadd.s32 @!p0 $0xFFFFFFFF  }
0xb9: {  	s25 =	simm.s32 $0x1B8E;
	s24 =	sld [smem:$0x3FFE];
	[sflag:s5] =	ssyncadd.remote.s32 @!p0 $0x1  }
0xba: {  	s26 =	simm.s32 $execute0_lowered;
	[smem:$0x3FD2] =	sst s25  }
0xbb: {  	s6 =	sshll.u32 s26, $0x1;
	_ =	strace $0x8000004C;
	[dreg:$0x1] =	wrdreg $0xFFFFFFFF  }
0xbc: {  	s28 =	simm.s32 $_size_execute0_lowered;
	s4 =	sadd.s32 s4, s6;
	[dreg:$0x0] =	wrdreg $0x0  }
0xbd: {  	s6 =	sshll.u32 s28, $0x1;
	[dreg:$0x2] =	wrdreg s4  }
0xbe: {  	[dreg:$0x3] =	wrdreg s6  }
0xbf: {  	[dreg:$0x4] =	wrdreg $0xC0  }
0xc0: {  	_ =	task [dreg:s22], $0x5FFFF  }
0xc1: {  	[dreg:$0x1] =	wrdreg $0xFFFFFFFF  }
0xc2: {  	[dreg:$0x0] =	wrdreg $0x60  }
0xc3: {  	[dreg:$0x2] =	wrdreg s24  }
0xc4: {  	[dreg:$0x3] =	wrdreg s17  }
0xc5: {  	[dreg:$0x4] =	wrdreg $0xA  }
0xc6: {  	_ =	task.clear_ibuf [dreg:s22], $0x5FFFF;
	_ =	strace $0x9000004C  }
0xc7: {  	s29 =	simm.s32 $0xA;
	_ =	strace $0x8000004E  }
0xc8: {  	_ =	swait.ge [sflag:s29], $0x1  }
0xc9: {  	[sflag:s29] =	ssyncadd.s32 $0xFFFFFFFF  }
0xca: {  	_ =	strace $0x9000004E  }
0xcb: {  	_ =	sfence  }
0xcc: {  	s30 =	sld [smem:$0x0];
	_ =	sdelay $0x2  }
0xcd: {  	s31 =	sshll.u32 s1, $0xD;
	s1 =	sshrl.u32 s1, $0x2  }
0xce: {  	s4 =	sand.u32 $0x4000, s31;
	s1 =	sadd.s32 s1, s30  }
0xcf: {  	s0 =	sor.u32 s4, s0;
	s1 =	sshll.u32 s1, $0x11  }
0xd0: {  	s0 =	sor.u32 s1, s0  }
0xd1: {  	s0 =	sadd.s32 $0x8F2B, s0  }
0xd2: {  	[sflag:s0] =	ssyncadd.remote.s32 $0x1  }
0xd3: {  	_ =	sfence.sel $0xFFFF  }
0xd4: {  	[dreg:$0x0] =	wrdreg $0xFFFFFFFF;
	(pc) =	sbr.abs _section_cstart, $3  }
0xd5: {  	[dreg:$0x1] =	wrdreg $0xFFFFFFFF  }
0xd6: {  	_ =	task.clear_ibuf [dreg:s22], $0x2FFFF;
	_ =	strace $0x9FFFFFFF  }
0xd7: {  	(tm) =	ssettm $0x7FFFFFFF  }
tec
execute0_lowered:
.L_overlay_start_1:
0x0: {  	(tag) =	ssettag $0x1  }
0x1: {  	s3 =	rddreg [dreg:$0x0]  }
0x2: {  	s6 =	rddreg [dreg:$0x1]  }
0x3: {  	s0 =	rddreg [dreg:$0x2];
	s2 =	simm.s32 $0x0;
	s1 =	stileid.u32  }
0x4: {  	s4 =	srdreg.scid;
	s12 =	simm.s32 $0x2400;
	s13 =	simm.s32 $0x100  }
0x5: {  	s14 =	simm.s32 $0x4400;
	s15 =	simm.s32 $0x180;
	s16 =	simm.s32 $0x6400  }
0x6: {  	s17 =	simm.s32 $0x200;
	s18 =	simm.s32 $0x8400;
	s19 =	simm.s32 $0x280  }
0x7: {  	s20 =	simm.s32 $0xA400;
	s21 =	simm.s32 $0x300;
	s22 =	simm.s32 $0xC400  }
0x8: {  	s23 =	simm.s32 $0x380;
	s24 =	simm.s32 $0xE400;
	s25 =	simm.s32 $0x1  }
0x9: {  	s26 =	simm.s32 $0x0;
	[smem:$0x7FF] =	sst s2;
	s5 =	sshll.u32 s1, $0x8  }
0xa: {  	s7 =	sand.u32 $0x1, s4;
	s28 =	sshll.u32 s1, $0x1;
	_ =	strace $0x8000004D  }
0xb: {  	s8 =	sadd.s32 s5, s3;
	s29 =	ssub.s32 $0x2, s7;
	s9 =	sor.u32 s7, s28  }
0xc: {  	s3 =	sadd.s32 $0x14C00, s3;
	s5 =	simm.s32 $0x7;
	s7 =	sshll.u32 s7, $0x7  }
0xd: {  	s30 =	sshrl.u32 s29, $0x1;
	s10 =	sshll.u32 s9, $0x8;
	p0 =	slt.u32 s9, $0x7  }
0xe: {  	s9 =	sshll.u32 s9, $0xD;
	s7 =	sadd.s32 s7, s8;
	s11 =	ssub.s32 s29, s30  }
0xf: {  	s4 =	sadd.s32 s6, s10;
	s5 =	simm.s32 @!p0 $0x6;
	s31 =	sadd.s32 s6, s9  }
0x10: {  	s7 =	sadd.s32 $0xE800, s7;
	s9 =	simm.s32 $0x400;
	s10 =	simm.s32 $0x2  }
0x11: {  	v0 =	vimm.f32 $0.0e+00;
	s6 =	smax.u32 s11, $0x1;
	s8 =	sadd.s32 $0x2000, s31;
	s11 =	simm.s32 $0x80  }
.LBB2_1:
0x12: {  	s29 =	simm.s32 $0x100;
	s28 =	simm.s32 $0x0  }
.LBB2_2:
0x13: {  	p0 =	sne.s32 s29, $0x1F00;
	[tilespmem:s28+$0x430] =	vst v0;
	s30 =	smov.u32 s29;
	s29 =	sadd.s32 $0x100, s29  }
.Ltmp0:
0x14: {  	[tilespmem:s28+$0x420] =	vst v0;
	(pc) =	sbr.rel @p0 .LBB2_2-.Ltmp0, $3  }
0x15: {  	[tilespmem:s28+$0x400] =	vst v0  }
0x16: {  	[tilespmem:s28+$0x410] =	vst v0;
	_ =	sdelay $0x1  }
0x17: {  	s28 =	sshra.s32 s30, $0x2  }
0x18: {  	[tilespmem:s28+$0x430] =	vst v0  }
0x19: {  	[tilespmem:s28+$0x420] =	vst v0  }
0x1a: {  	[tilespmem:s28+$0x400] =	vst v0  }
0x1b: {  	[tilespmem:s28+$0x410] =	vst v0  }
0x1c: {  	[hbm4b:s4+s2] =	stream.linear.scatter [tilespmem:s9], [sflag:$0x2], $0x800, $0x38;
	[tilespmem:$0x10400] =	vst v63  }
0x1d: {  	_ =	swait.ge [sflag:s10], $0x800  }
0x1e: {  	[sflag:s10] =	ssyncset.done $0x0  }
0x1f: {  	[sflag:s10] =	ssyncadd.s32 $0xFFFFF800  }
0x20: {  	[tilespmem:s2], [sflag:$0x2] =	stream.linear.gather [hbm4b:s7+s2], $0x400, $0x38;
	[tilespmem:$0x10400] =	vst v63  }
0x21: {  	_ =	swait.ge [sflag:s10], $0x400  }
0x22: {  	[sflag:s10] =	ssyncset.done $0x0  }
0x23: {  	[sflag:s10] =	ssyncadd.s32 $0xFFFFFC00  }
0x24: {  	[tilespmem:s9], [sflag:$0x1] =	stream.indirect.gather [hbm4b:s3+s11], $0x40, s2, s11, $0xb8;
	[tilespmem:$0x10400] =	vst v63  }
0x25: {  	_ = 	snop  }
0x26: {  	[tilespmem:s12], [sflag:$0x1] =	stream.indirect.gather [hbm4b:s3+s11], $0x40, s11, s11, $0xb8;
	[tilespmem:$0x10400] =	vst v63  }
0x27: {  	_ = 	snop  }
0x28: {  	[tilespmem:s14], [sflag:$0x1] =	stream.indirect.gather [hbm4b:s3+s11], $0x40, s13, s11, $0xb8;
	[tilespmem:$0x10400] =	vst v63  }
0x29: {  	_ = 	snop  }
0x2a: {  	[tilespmem:s16], [sflag:$0x1] =	stream.indirect.gather [hbm4b:s3+s11], $0x40, s15, s11, $0xb8;
	[tilespmem:$0x10400] =	vst v63  }
0x2b: {  	_ = 	snop  }
0x2c: {  	[tilespmem:s18], [sflag:$0x1] =	stream.indirect.gather [hbm4b:s3+s11], $0x40, s17, s11, $0xb8;
	[tilespmem:$0x10400] =	vst v63  }
0x2d: {  	_ = 	snop  }
0x2e: {  	[tilespmem:s20], [sflag:$0x1] =	stream.indirect.gather [hbm4b:s3+s11], $0x40, s19, s11, $0xb8;
	[tilespmem:$0x10400] =	vst v63  }
0x2f: {  	_ = 	snop  }
0x30: {  	[tilespmem:s22], [sflag:$0x1] =	stream.indirect.gather [hbm4b:s3+s11], $0x40, s21, s11, $0xb8;
	[tilespmem:$0x10400] =	vst v63  }
0x31: {  	_ = 	snop  }
0x32: {  	[tilespmem:s24], [sflag:$0x1] =	stream.indirect.gather [hbm4b:s3+s11], $0x40, s23, s11, $0xb8;
	[tilespmem:$0x10400] =	vst v63  }
0x33: {  	_ =	swait.ge [sflag:s25], $0x2000  }
0x34: {  	[sflag:s25] =	ssyncset.done $0x0  }
0x35: {  	[sflag:s25] =	ssyncadd.s32 $0xFFFFE000  }
0x36: {  	_ =	swait.ge [sflag:s25], $0x2000  }
0x37: {  	[sflag:s25] =	ssyncset.done $0x0  }
0x38: {  	[sflag:s25] =	ssyncadd.s32 $0xFFFFE000  }
0x39: {  	_ =	swait.ge [sflag:s25], $0x2000  }
0x3a: {  	[sflag:s25] =	ssyncset.done $0x0  }
0x3b: {  	[sflag:s25] =	ssyncadd.s32 $0xFFFFE000  }
0x3c: {  	_ =	swait.ge [sflag:s25], $0x2000  }
0x3d: {  	[sflag:s25] =	ssyncset.done $0x0  }
0x3e: {  	[sflag:s25] =	ssyncadd.s32 $0xFFFFE000  }
0x3f: {  	_ =	swait.ge [sflag:s25], $0x2000  }
0x40: {  	[sflag:s25] =	ssyncset.done $0x0  }
0x41: {  	[sflag:s25] =	ssyncadd.s32 $0xFFFFE000  }
0x42: {  	_ =	swait.ge [sflag:s25], $0x2000  }
0x43: {  	[sflag:s25] =	ssyncset.done $0x0  }
0x44: {  	[sflag:s25] =	ssyncadd.s32 $0xFFFFE000  }
0x45: {  	_ =	swait.ge [sflag:s25], $0x2000  }
0x46: {  	[sflag:s25] =	ssyncset.done $0x0  }
0x47: {  	[sflag:s25] =	ssyncadd.s32 $0xFFFFE000  }
0x48: {  	p0 =	sne.s32 s5, $0x1;
	_ =	swait.ge [sflag:s25], $0x2000  }
.Ltmp1:
0x49: {  	[sflag:s25] =	ssyncset.done $0x0;
	(pc) =	sbr.rel @!p0 .LBB2_5-.Ltmp1, $4  }
0x4a: {  	[sflag:s25] =	ssyncadd.s32 $0xFFFFE000  }
0x4b: {  	[hbm4b:s8+s2] =	stream.linear.scatter [tilespmem:s9], [sflag:$0x2], $0x10000, $0x38;
	[tilespmem:$0x10400] =	vst v63  }
0x4c: {  	s28 =	sadd.s32 $0xFFFFFFFF, s5;
	_ =	swait.ge [sflag:s10], $0x10000  }
0x4d: {  	s29 =	smov.u32 s7;
	s30 =	smov.u32 s8;
	[sflag:s10] =	ssyncset.done $0x0  }
.LBB2_4:
0x4e: {  	[sflag:s10] =	ssyncadd.s32 $0xFFFF0000;
	s29 =	sadd.s32 $0x1000, s29;
	s30 =	sadd.s32 $0x40000, s30  }
0x4f: {  	[tilespmem:s2], [sflag:$0x2] =	stream.linear.gather [hbm4b:s29+s2], $0x400, $0x38;
	[tilespmem:$0x10400] =	vst v63  }
0x50: {  	p0 =	sne.s32 s28, $0x1;
	s28 =	sadd.s32 $0xFFFFFFFF, s28;
	_ =	swait.ge [sflag:s10], $0x400  }
0x51: {  	[sflag:s10] =	ssyncset.done $0x0  }
0x52: {  	[sflag:s10] =	ssyncadd.s32 $0xFFFFFC00  }
0x53: {  	[tilespmem:s9], [sflag:$0x1] =	stream.indirect.gather [hbm4b:s3+s11], $0x40, s2, s11, $0xb8;
	[tilespmem:$0x10400] =	vst v63  }
0x54: {  	_ = 	snop  }
0x55: {  	[tilespmem:s12], [sflag:$0x1] =	stream.indirect.gather [hbm4b:s3+s11], $0x40, s11, s11, $0xb8;
	[tilespmem:$0x10400] =	vst v63  }
0x56: {  	_ = 	snop  }
0x57: {  	[tilespmem:s14], [sflag:$0x1] =	stream.indirect.gather [hbm4b:s3+s11], $0x40, s13, s11, $0xb8;
	[tilespmem:$0x10400] =	vst v63  }
0x58: {  	_ = 	snop  }
0x59: {  	[tilespmem:s16], [sflag:$0x1] =	stream.indirect.gather [hbm4b:s3+s11], $0x40, s15, s11, $0xb8;
	[tilespmem:$0x10400] =	vst v63  }
0x5a: {  	_ = 	snop  }
0x5b: {  	[tilespmem:s18], [sflag:$0x1] =	stream.indirect.gather [hbm4b:s3+s11], $0x40, s17, s11, $0xb8;
	[tilespmem:$0x10400] =	vst v63  }
0x5c: {  	_ = 	snop  }
0x5d: {  	[tilespmem:s20], [sflag:$0x1] =	stream.indirect.gather [hbm4b:s3+s11], $0x40, s19, s11, $0xb8;
	[tilespmem:$0x10400] =	vst v63  }
0x5e: {  	_ = 	snop  }
0x5f: {  	[tilespmem:s22], [sflag:$0x1] =	stream.indirect.gather [hbm4b:s3+s11], $0x40, s21, s11, $0xb8;
	[tilespmem:$0x10400] =	vst v63  }
0x60: {  	_ = 	snop  }
0x61: {  	[tilespmem:s24], [sflag:$0x1] =	stream.indirect.gather [hbm4b:s3+s11], $0x40, s23, s11, $0xb8;
	[tilespmem:$0x10400] =	vst v63  }
0x62: {  	_ =	swait.ge [sflag:s25], $0x2000  }
0x63: {  	[sflag:s25] =	ssyncset.done $0x0  }
0x64: {  	[sflag:s25] =	ssyncadd.s32 $0xFFFFE000  }
0x65: {  	_ =	swait.ge [sflag:s25], $0x2000  }
0x66: {  	[sflag:s25] =	ssyncset.done $0x0  }
0x67: {  	[sflag:s25] =	ssyncadd.s32 $0xFFFFE000  }
0x68: {  	_ =	swait.ge [sflag:s25], $0x2000  }
0x69: {  	[sflag:s25] =	ssyncset.done $0x0  }
0x6a: {  	[sflag:s25] =	ssyncadd.s32 $0xFFFFE000  }
0x6b: {  	_ =	swait.ge [sflag:s25], $0x2000  }
0x6c: {  	[sflag:s25] =	ssyncset.done $0x0  }
0x6d: {  	[sflag:s25] =	ssyncadd.s32 $0xFFFFE000  }
0x6e: {  	_ =	swait.ge [sflag:s25], $0x2000  }
0x6f: {  	[sflag:s25] =	ssyncset.done $0x0  }
0x70: {  	[sflag:s25] =	ssyncadd.s32 $0xFFFFE000  }
0x71: {  	_ =	swait.ge [sflag:s25], $0x2000  }
0x72: {  	[sflag:s25] =	ssyncset.done $0x0  }
0x73: {  	[sflag:s25] =	ssyncadd.s32 $0xFFFFE000  }
0x74: {  	_ =	swait.ge [sflag:s25], $0x2000  }
0x75: {  	[sflag:s25] =	ssyncset.done $0x0  }
0x76: {  	[sflag:s25] =	ssyncadd.s32 $0xFFFFE000  }
0x77: {  	_ =	swait.ge [sflag:s25], $0x2000  }
.Ltmp2:
0x78: {  	[sflag:s25] =	ssyncset.done $0x0;
	(pc) =	sbr.rel @p0 .LBB2_4-.Ltmp2, $4  }
0x79: {  	[sflag:s25] =	ssyncadd.s32 $0xFFFFE000  }
0x7a: {  	[hbm4b:s30+s2] =	stream.linear.scatter [tilespmem:s9], [sflag:$0x2], $0x10000, $0x38;
	[tilespmem:$0x10400] =	vst v63  }
0x7b: {  	_ =	swait.ge [sflag:s10], $0x10000  }
0x7c: {  	[sflag:s10] =	ssyncset.done $0x0  }
.LBB2_5:
0x7d: {  	s26 =	sadd.s32 $0x1, s26  }
0x7e: {  	p0 =	sne.s32 s26, s6  }
.Ltmp3:
0x7f: {  	_ = 	snop;
	(pc) =	sbr.rel @p0 .LBB2_1-.Ltmp3, $2  }
0x80: {  	_ =	sdelay $0x2  }
0x81: {  	[sflag:s10] =	ssyncadd.s32 $0xFFFF0000  }
0x82: {  	_ =	sfence.sel $0x180000  }
0x83: {  	[bflag:$0x0] =	sbarrier.arrive $0xFFFF  }
0x84: {  	p0 =	sne.s32 s1, $0x0;
	_ =	strace $0x9000004D  }
0x85: {  	s0 =	sadd.s32 @!p0 $0x100000, s0;
	[bflag:$0x2] =	sbarrier.arrive $0xFFFF  }
0x86: {  	[sflag:s0] =	ssyncadd.tile.s32 @!p0 $0x1;
	_ =	shalt  }
.Lfunc_end2:
_tile_overlayer_lowered:
.L_overlay_start_2:
0x87: {  	(tag) =	ssettag $0x2  }
0x88: {  	s0 =	rddreg [dreg:$0x0];
	s2 =	stileid.u32  }
0x89: {  	s1 =	rddreg [dreg:$0x1];
	p0 =	sne.s32 s2, $0x0  }
0x8a: {  	s3 =	rddreg [dreg:$0x2];
	[bflag:$0x3] =	sbarrier.arrive $0xFFFF;
	s2 =	simm.s32 @!p0 $0x1C02  }
0x8b: {  	[timem:s3], [sflag:s2] =	dma.local @!p0 [hbm:s0], s1  }
0x8c: {  	s0 =	simm.s32 @!p0 $0x2  }
0x8d: {  	_ =	swait.ge @!p0 [sflag:s0], s1  }
0x8e: {  	s1 =	ssub.s32 @!p0 $0x0, s1;
	[sflag:s0] =	ssyncset.done @!p0 $0x0  }
0x8f: {  	[sflag:s0] =	ssyncadd.s32 @!p0 s1  }
0x90: {  	[bflag:$0x3] =	sbarrier.arrive $0xFFFF  }
0x91: {  	_ =	shalt  }

// kernel: remb_gather.3.cloned.1.call-start
scs
__scs_entry_jumppad:
0x0: {  	(pc) =	sbr.rel $0x88, $3  }
0x1: {  	(tag) =	ssettag $0x0;
	lr =	simm.s32 $0x1  }
0x2: {  	[smem:$0x3F9C] =	sst lr;
	_ =	strace $0xD0000000  }
0x3: {  	_ = 	snop  }
0x4: {  	_ = 	snop  }
0x5: {  	_ = 	snop  }
0x6: {  	_ = 	snop  }
0x7: {  	_ = 	snop  }
__scs_overlays_trampoline_lowered:
0x8: {  	[smem:$0x3FAB] =	sst s0  }
0x9: {  	[smem:$0x3FAC] =	sst s1  }
0xa: {  	[smem:$0x3FAD] =	sst s2  }
0xb: {  	[smem:$0x3FAE] =	sst s3  }
0xc: {  	[smem:$0x3FAF] =	sst s4  }
0xd: {  	[smem:$0x3FB0] =	sst s5  }
0xe: {  	[smem:$0x3FB1] =	sst s6  }
0xf: {  	[smem:$0x3FB2] =	sst s7  }
0x10: {  	[smem:$0x3FB3] =	sst s8  }
0x11: {  	[smem:$0x3FB4] =	sst s9;
	s0 =	simm.s32 @!p0 $0x0  }
0x12: {  	s1 =	sld [smem:$0x3F9A];
	s0 =	simm.s32 @p0 $0x1  }
0x13: {  	[smem:$0x3FB5] =	sst s0;
	s0 =	simm.s32 @!p1 $0x0  }
0x14: {  	s2 =	sld [smem:$0x3F99];
	s0 =	simm.s32 @p1 $0x1  }
0x15: {  	[smem:$0x3FB6] =	sst s0;
	s0 =	simm.s32 @!p2 $0x0  }
0x16: {  	s3 =	sld [smem:$0x3FDB];
	s0 =	simm.s32 @p2 $0x1  }
0x17: {  	s4 =	simm.s32 $0x1BF5;
	[smem:$0x3FB8] =	sst s0  }
0x18: {  	s0 =	sld [smem:$0x3F9B];
	_ =	swait.ge [sflag:s4], $0x0  }
0x19: {  	s7 =	sld [smem:$0x3F9C]  }
0x1a: {  	s8 =	sadd.s32 $0xFFFFE003, lr  }
0x1b: {  	s9 =	sadd.s32 $0xFFFFFEF7, lr;
	s5 =	simm.s32 $0xFFFFFFFF;
	p2 =	slt.u32 s8, $0xFFFFF086  }
0x1c: {  	p1 =	slt.u32 s9, $0xF7A;
	s5 =	simm.s32 @!p2 $0x0  }
0x1d: {  	s5 =	simm.s32 @p1 $0x1;
	p0 =	seq.s32 s7, s2  }
0x1e: {  	s7 =	smul.u32 @!p0 $0xF7A, s2;
	p2 =	seq.s32 @!p0 s5, $0x0  }
0x1f: {  	s9 =	smul.u32 $0xF7A, s1;
	s8 =	simm.s32 @!p0 $0x1BF5;
	p2 =	por !p2, p0  }
0x20: {  	[sflag:s8] =	ssyncset.s32 @!p0 $0xFFFFF086;
	s6 =	sadd.s32 @!p0 s3, s7;
	s7 =	simm.s32 @!p0 $0x108  }
0x21: {  	s3 =	sadd.s32 s3, s9;
	s6 =	sadd.s32 @!p0 $0x88, s6;
	s7 =	simm.s32 @p2 $0x1082  }
0x22: {  	[simem:s7], [sflag:s8] =	dma.local @!p0 [hbm:s6], $0xF7A  }
0x23: {  	s9 =	sor.u32 $0xD0000000, s2;
	s6 =	simm.s32 $0x108;
	_ =	swait.ge @!p0 [sflag:s8], $0x0  }
0x24: {  	s3 =	sadd.s32 $0x88, s3;
	s6 =	simm.s32 @!p1 $0x1082;
	[sflag:s4] =	ssyncset.s32 $0xFFFFF086  }
0x25: {  	[simem:s6], [sflag:s4] =	dma.local [hbm:s3], $0xF7A  }
0x26: {  	[smem:$0x3F9C] =	sst s1;
	(tag) =	ssettag s2;
	_ =	strace s9  }
0x27: {  	s1 =	sld [smem:$0x3FAC]  }
0x28: {  	s2 =	sld [smem:$0x3FAD]  }
0x29: {  	s4 =	sld [smem:$0x3FAF]  }
0x2a: {  	p0 =	seq.s32 s5, $0x0;
	s5 =	sld [smem:$0x3FB0]  }
0x2b: {  	s6 =	sld [smem:$0x3FB1]  }
0x2c: {  	s7 =	sld [smem:$0x3FB2]  }
0x2d: {  	s3 =	simm.s32 $0x108;
	s8 =	sld [smem:$0x3FB3]  }
0x2e: {  	s3 =	simm.s32 @!p0 $0x1082;
	s9 =	sld [smem:$0x3FB4]  }
0x2f: {  	lr =	sadd.s32 s0, s3;
	s0 =	sld [smem:$0x3FAB]  }
0x30: {  	s3 =	sld [smem:$0x3FAE]  }
0x31: {  	[smem:$0x3FB7] =	sst s10  }
0x32: {  	s10 =	sld [smem:$0x3FB5];
	_ =	sdelay $0x3  }
0x33: {  	p0 =	seq.s32 s10, $0x1;
	s10 =	sld [smem:$0x3FB7];
	_ =	sdelay $0x3  }
0x34: {  	[smem:$0x3FB7] =	sst s10  }
0x35: {  	s10 =	sld [smem:$0x3FB6];
	_ =	sdelay $0x3  }
0x36: {  	p1 =	seq.s32 s10, $0x1;
	s10 =	sld [smem:$0x3FB7];
	_ =	sdelay $0x3  }
0x37: {  	[smem:$0x3FB7] =	sst s10  }
0x38: {  	s10 =	sld [smem:$0x3FB8]  }
0x39: {  	_ = 	snop;
	(pc) =	sbr.ind lr, $3  }
0x3a: {  	_ = 	snop  }
0x3b: {  	_ = 	snop  }
0x3c: {  	p2 =	seq.s32 s10, $0x1;
	s10 =	sld [smem:$0x3FB7]  }
0x3d: {  	_ =	shalt  }
0x3e: {  	_ =	shalt  }
0x3f: {  	_ =	shalt  }
0x40: {  	_ =	shalt  }
0x41: {  	_ =	shalt  }
0x42: {  	_ =	shalt  }
0x43: {  	_ =	shalt  }
0x44: {  	_ =	shalt  }
0x45: {  	_ =	shalt  }
0x46: {  	_ =	shalt  }
0x47: {  	_ =	shalt  }
0x48: {  	_ =	shalt  }
0x49: {  	_ =	shalt  }
0x4a: {  	_ =	shalt  }
0x4b: {  	_ =	shalt  }
0x4c: {  	_ =	shalt  }
0x4d: {  	_ =	shalt  }
0x4e: {  	_ =	shalt  }
0x4f: {  	_ =	shalt  }
0x50: {  	_ =	shalt  }
0x51: {  	_ =	shalt  }
0x52: {  	_ =	shalt  }
0x53: {  	_ =	shalt  }
0x54: {  	_ =	shalt  }
0x55: {  	_ =	shalt  }
0x56: {  	_ =	shalt  }
0x57: {  	_ =	shalt  }
0x58: {  	_ =	shalt  }
0x59: {  	_ =	shalt  }
0x5a: {  	_ =	shalt  }
0x5b: {  	_ =	shalt  }
0x5c: {  	_ =	shalt  }
0x5d: {  	_ =	shalt  }
0x5e: {  	_ =	shalt  }
0x5f: {  	_ =	shalt  }
0x60: {  	_ =	shalt  }
0x61: {  	_ =	shalt  }
0x62: {  	_ =	shalt  }
0x63: {  	_ =	shalt  }
0x64: {  	_ =	shalt  }
0x65: {  	_ =	shalt  }
0x66: {  	_ =	shalt  }
0x67: {  	_ =	shalt  }
0x68: {  	_ =	shalt  }
0x69: {  	_ =	shalt  }
0x6a: {  	_ =	shalt  }
0x6b: {  	_ =	shalt  }
0x6c: {  	_ =	shalt  }
0x6d: {  	_ =	shalt  }
0x6e: {  	_ =	shalt  }
0x6f: {  	_ =	shalt  }
0x70: {  	_ =	shalt  }
0x71: {  	_ =	shalt  }
0x72: {  	_ =	shalt  }
0x73: {  	_ =	shalt  }
0x74: {  	_ =	shalt  }
0x75: {  	_ =	shalt  }
0x76: {  	_ =	shalt  }
0x77: {  	_ =	shalt  }
0x78: {  	_ =	shalt  }
0x79: {  	_ =	shalt  }
0x7a: {  	_ =	shalt  }
0x7b: {  	_ =	shalt  }
0x7c: {  	_ =	shalt  }
0x7d: {  	_ =	shalt  }
0x7e: {  	_ =	shalt  }
0x7f: {  	_ =	shalt  }
0x80: {  	_ =	shalt  }
0x81: {  	_ =	shalt  }
0x82: {  	_ =	shalt  }
0x83: {  	_ =	shalt  }
0x84: {  	_ =	shalt  }
0x85: {  	_ =	shalt  }
0x86: {  	_ =	shalt  }
0x87: {  	_ =	shalt  }
.Lfunc_end0:
.L_simem_size_0:
called_computation.5_lowered:
.L_overlay_start_0:
0x88: {  	s2 =	sld [smem:$0x3FD9]  }
0x89: {  	s3 =	sld [smem:$0x3FFE];
	_ =	sdelay $0x1  }
0x8a: {  	s1 =	srdreg.scid  }
0x8b: {  	s0 =	sand.u32 $0x1, s1  }
0x8c: {  	s15 =	sshll.u32 s0, $0xA;
	s2 =	sadd.s32 s3, s2  }
0x8d: {  	s2 =	sadd.s32 s2, s15  }
0x8e: {  	[smem:$0x3FC3] =	sst s2  }
0x8f: {  	_ = 	snop  }
0x90: {  	s2 =	sld [smem:$0x3FD0];
	_ =	sdelay $0x2  }
0x91: {  	s16 =	simm.s32 $0xC;
	s4 =	simm.s32 $0x10  }
0x92: {  	[smem:s4], [sflag:s16] =	dma.local [hbm:s2], $0x1  }
0x93: {  	_ =	swait.eq [sflag:s16], $0x1  }
0x94: {  	[sflag:s16] =	ssyncset.done $0x0  }
0x95: {  	[sflag:s16] =	ssyncadd.s32 $0xFFFFFFFF  }
0x96: {  	s17 =	sld [smem:$0x12];
	(tm) =	ssettm $0x1  }
0x97: {  	s18 =	sld [smem:$0x3FFB];
	_ =	sdelay $0x3  }
0x98: {  	_ =	strace s18  }
0x99: {  	s2 =	sld [smem:$0x3FFC];
	_ =	sdelay $0x3  }
0x9a: {  	_ =	strace s2  }
0x9b: {  	s2 =	sld [smem:$0x3FFD];
	_ =	sdelay $0x3  }
0x9c: {  	_ =	strace s2  }
0x9d: {  	_ =	strace $0x8FFFFFFF  }
0x9e: {  	s19 =	sld [smem:$0x3FDB];
	_ =	sdelay $0x1  }
0x9f: {  	s20 =	simm.s32 $_scs_section_size  }
0xa0: {  	s5 =	simm.s32 $_size__tile_overlayer_lowered;
	s6 =	simm.s32 $_tile_overlayer_lowered  }
0xa1: {  	s7 =	simm.s32 $0x1BFF;
	s21 =	sshll.u32 s6, $0x1;
	s4 =	sadd.s32 s20, s19  }
0xa2: {  	s22 =	simm.s32 $0x0;
	s5 =	sshll.u32 s5, $0x1;
	s6 =	sadd.s32 s21, s4  }
0xa3: {  	[timem:s22], [sflag:s7] =	dma.local [hbm:s6], s5  }
0xa4: {  	_ =	swait.ge [sflag:s7], s5  }
0xa5: {  	s5 =	ssub.s32 $0x0, s5;
	[sflag:s7] =	ssyncset.done $0x0  }
0xa6: {  	[sflag:s7] =	ssyncadd.s32 s5;
	_ =	sdelay $0x1  }
0xa7: {  	s23 =	simm.s32 $0x1B8B  }
0xa8: {  	_ =	swait.ge [sflag:s23], $0x1  }
0xa9: {  	[sflag:s23] =	ssyncset.done $0x0  }
0xaa: {  	[sflag:s23] =	ssyncadd.s32 $0xFFFFFFFF  }
0xab: {  	s5 =	sld [smem:$0x0]  }
0xac: {  	s6 =	sand.u32 $0xFFFFFFFE, s1  }
0xad: {  	p0 =	sne.s32 s1, s6  }
0xae: {  	s6 =	sshll.u32 @p0 s6, $0xE  }
0xaf: {  	s6 =	sadd.s32 @p0 $0x11B8D, s6;
	s7 =	sshll.u32 @p0 s5, $0x11  }
0xb0: {  	s6 =	sor.u32 @p0 s7, s6  }
0xb1: {  	[sflag:s6] =	ssyncadd.remote.s32 @p0 $0x1;
	_ =	sdelay $0x1  }
0xb2: {  	s6 =	simm.s32 @p0 $0x1B8D  }
0xb3: {  	_ =	swait.eq @p0 [sflag:s6], $0x1  }
0xb4: {  	[sflag:s6] =	ssyncadd.s32 @p0 $0xFFFFFFFF  }
0xb5: {  	s7 =	sshll.u32 @!p0 s1, $0xE  }
0xb6: {  	s7 =	sor.u32 @!p0 $0x4000, s7;
	s6 =	simm.s32 @!p0 $0x1B8D  }
0xb7: {  	s5 =	sshll.u32 @!p0 s5, $0x11;
	s7 =	sadd.s32 @!p0 $0x11B8D, s7;
	_ =	swait.eq @!p0 [sflag:s6], $0x1  }
0xb8: {  	s5 =	sor.u32 @!p0 s5, s7;
	[sflag:s6] =	ssyncadd.s32 @!p0 $0xFFFFFFFF  }
0xb9: {  	s25 =	simm.s32 $0x1B8E;
	s24 =	sld [smem:$0x3FFE];
	[sflag:s5] =	ssyncadd.remote.s32 @!p0 $0x1  }
0xba: {  	s26 =	simm.s32 $execute0_lowered;
	[smem:$0x3FD2] =	sst s25  }
0xbb: {  	s6 =	sshll.u32 s26, $0x1;
	_ =	strace $0x80000049;
	[dreg:$0x1] =	wrdreg $0xFFFFFFFF  }
0xbc: {  	s28 =	simm.s32 $_size_execute0_lowered;
	s4 =	sadd.s32 s4, s6;
	[dreg:$0x0] =	wrdreg $0x0  }
0xbd: {  	s6 =	sshll.u32 s28, $0x1;
	[dreg:$0x2] =	wrdreg s4  }
0xbe: {  	[dreg:$0x3] =	wrdreg s6  }
0xbf: {  	[dreg:$0x4] =	wrdreg $0xC0  }
0xc0: {  	_ =	task [dreg:s22], $0x5FFFF  }
0xc1: {  	[dreg:$0x1] =	wrdreg $0xFFFFFFFF  }
0xc2: {  	[dreg:$0x0] =	wrdreg $0x60  }
0xc3: {  	[dreg:$0x2] =	wrdreg s24  }
0xc4: {  	[dreg:$0x3] =	wrdreg s17  }
0xc5: {  	[dreg:$0x4] =	wrdreg $0xB  }
0xc6: {  	_ =	task.clear_ibuf [dreg:s22], $0x5FFFF;
	_ =	strace $0x90000049  }
0xc7: {  	s29 =	simm.s32 $0xB;
	_ =	strace $0x8000004B  }
0xc8: {  	_ =	swait.ge [sflag:s29], $0x1  }
0xc9: {  	[sflag:s29] =	ssyncadd.s32 $0xFFFFFFFF  }
0xca: {  	_ =	strace $0x9000004B  }
0xcb: {  	_ =	sfence  }
0xcc: {  	s30 =	sld [smem:$0x0];
	_ =	sdelay $0x2  }
0xcd: {  	s31 =	sshll.u32 s1, $0xD;
	s1 =	sshrl.u32 s1, $0x2  }
0xce: {  	s4 =	sand.u32 $0x4000, s31;
	s1 =	sadd.s32 s1, s30  }
0xcf: {  	s0 =	sor.u32 s4, s0;
	s1 =	sshll.u32 s1, $0x11  }
0xd0: {  	s0 =	sor.u32 s1, s0  }
0xd1: {  	s0 =	sadd.s32 $0x8F2B, s0  }
0xd2: {  	[sflag:s0] =	ssyncadd.remote.s32 $0x1  }
0xd3: {  	_ =	sfence.sel $0xFFFF  }
0xd4: {  	[dreg:$0x0] =	wrdreg $0xFFFFFFFF;
	(pc) =	sbr.abs _section_cstart, $3  }
0xd5: {  	[dreg:$0x1] =	wrdreg $0xFFFFFFFF  }
0xd6: {  	_ =	task.clear_ibuf [dreg:s22], $0x2FFFF;
	_ =	strace $0x9FFFFFFF  }
0xd7: {  	(tm) =	ssettm $0x7FFFFFFF  }
tec
execute0_lowered:
.L_overlay_start_1:
0x0: {  	(tag) =	ssettag $0x1  }
0x1: {  	s6 =	rddreg [dreg:$0x0]  }
0x2: {  	s7 =	rddreg [dreg:$0x1]  }
0x3: {  	s0 =	rddreg [dreg:$0x2]  }
0x4: {  	s3 =	srdreg.scid;
	s1 =	stileid.u32  }
0x5: {  	s2 =	simm.s32 $0x0;
	s12 =	simm.s32 $0x2400;
	s13 =	simm.s32 $0x100  }
0x6: {  	s14 =	simm.s32 $0x4400;
	s15 =	simm.s32 $0x180;
	s16 =	simm.s32 $0x6400  }
0x7: {  	s17 =	simm.s32 $0x200;
	s18 =	simm.s32 $0x8400;
	s19 =	simm.s32 $0x280  }
0x8: {  	s20 =	simm.s32 $0xA400;
	s21 =	simm.s32 $0x300;
	s22 =	simm.s32 $0xC400  }
0x9: {  	s23 =	simm.s32 $0x380;
	s24 =	simm.s32 $0xE400;
	s25 =	simm.s32 $0x1  }
0xa: {  	s26 =	simm.s32 $0x0;
	s5 =	sand.u32 $0x1, s3;
	s29 =	sshll.u32 s1, $0x1  }
0xb: {  	[smem:$0x7FF] =	sst s2;
	s3 =	sadd.s32 $0xF44400, s6;
	s30 =	sshll.u32 s1, $0x8  }
0xc: {  	s4 =	ssub.s32 $0x2, s5;
	s8 =	sor.u32 s5, s29;
	_ =	strace $0x8000004A  }
0xd: {  	s11 =	sshll.u32 s5, $0x7;
	s5 =	simm.s32 $0x7;
	s9 =	sshrl.u32 s4, $0x1  }
0xe: {  	s10 =	sshll.u32 s8, $0x8;
	p0 =	slt.u32 s8, $0x7;
	s8 =	sshll.u32 s8, $0xD  }
0xf: {  	s9 =	ssub.s32 s4, s9;
	s4 =	sadd.s32 s7, s10;
	s10 =	sor.u32 s11, s30  }
0x10: {  	s5 =	simm.s32 @!p0 $0x6;
	s7 =	sadd.s32 s7, s8;
	s11 =	simm.s32 $0x80  }
0x11: {  	s31 =	sadd.s32 s6, s10;
	s6 =	smax.u32 s9, $0x1;
	s7 =	sadd.s32 $0x2000, s7  }
0x12: {  	v0 =	vimm.f32 $0.0e+00;
	s9 =	simm.s32 $0x400;
	s10 =	simm.s32 $0x2;
	s8 =	sadd.s32 $0x8480, s31  }
.LBB2_1:
0x13: {  	s29 =	simm.s32 $0x100;
	s28 =	simm.s32 $0x0  }
.LBB2_2:
0x14: {  	p0 =	sne.s32 s29, $0x1F00;
	[tilespmem:s28+$0x430] =	vst v0;
	s30 =	smov.u32 s29;
	s29 =	sadd.s32 $0x100, s29  }
.Ltmp0:
0x15: {  	[tilespmem:s28+$0x420] =	vst v0;
	(pc) =	sbr.rel @p0 .LBB2_2-.Ltmp0, $3  }
0x16: {  	[tilespmem:s28+$0x400] =	vst v0  }
0x17: {  	[tilespmem:s28+$0x410] =	vst v0;
	_ =	sdelay $0x1  }
0x18: {  	s28 =	sshra.s32 s30, $0x2  }
0x19: {  	[tilespmem:s28+$0x430] =	vst v0  }
0x1a: {  	[tilespmem:s28+$0x420] =	vst v0  }
0x1b: {  	[tilespmem:s28+$0x400] =	vst v0  }
0x1c: {  	[tilespmem:s28+$0x410] =	vst v0  }
0x1d: {  	[hbm4b:s4+s2] =	stream.linear.scatter [tilespmem:s9], [sflag:$0x2], $0x800, $0x38;
	[tilespmem:$0x10400] =	vst v63  }
0x1e: {  	_ =	swait.ge [sflag:s10], $0x800  }
0x1f: {  	[sflag:s10] =	ssyncset.done $0x0  }
0x20: {  	[sflag:s10] =	ssyncadd.s32 $0xFFFFF800  }
0x21: {  	[tilespmem:s2], [sflag:$0x2] =	stream.linear.gather [hbm4b:s8+s2], $0x400, $0x38;
	[tilespmem:$0x10400] =	vst v63  }
0x22: {  	_ =	swait.ge [sflag:s10], $0x400  }
0x23: {  	[sflag:s10] =	ssyncset.done $0x0  }
0x24: {  	[sflag:s10] =	ssyncadd.s32 $0xFFFFFC00  }
0x25: {  	[tilespmem:s9], [sflag:$0x1] =	stream.indirect.gather [hbm4b:s3+s11], $0x40, s2, s11, $0xb8;
	[tilespmem:$0x10400] =	vst v63  }
0x26: {  	_ = 	snop  }
0x27: {  	[tilespmem:s12], [sflag:$0x1] =	stream.indirect.gather [hbm4b:s3+s11], $0x40, s11, s11, $0xb8;
	[tilespmem:$0x10400] =	vst v63  }
0x28: {  	_ = 	snop  }
0x29: {  	[tilespmem:s14], [sflag:$0x1] =	stream.indirect.gather [hbm4b:s3+s11], $0x40, s13, s11, $0xb8;
	[tilespmem:$0x10400] =	vst v63  }
0x2a: {  	_ = 	snop  }
0x2b: {  	[tilespmem:s16], [sflag:$0x1] =	stream.indirect.gather [hbm4b:s3+s11], $0x40, s15, s11, $0xb8;
	[tilespmem:$0x10400] =	vst v63  }
0x2c: {  	_ = 	snop  }
0x2d: {  	[tilespmem:s18], [sflag:$0x1] =	stream.indirect.gather [hbm4b:s3+s11], $0x40, s17, s11, $0xb8;
	[tilespmem:$0x10400] =	vst v63  }
0x2e: {  	_ = 	snop  }
0x2f: {  	[tilespmem:s20], [sflag:$0x1] =	stream.indirect.gather [hbm4b:s3+s11], $0x40, s19, s11, $0xb8;
	[tilespmem:$0x10400] =	vst v63  }
0x30: {  	_ = 	snop  }
0x31: {  	[tilespmem:s22], [sflag:$0x1] =	stream.indirect.gather [hbm4b:s3+s11], $0x40, s21, s11, $0xb8;
	[tilespmem:$0x10400] =	vst v63  }
0x32: {  	_ = 	snop  }
0x33: {  	[tilespmem:s24], [sflag:$0x1] =	stream.indirect.gather [hbm4b:s3+s11], $0x40, s23, s11, $0xb8;
	[tilespmem:$0x10400] =	vst v63  }
0x34: {  	_ =	swait.ge [sflag:s25], $0x2000  }
0x35: {  	[sflag:s25] =	ssyncset.done $0x0  }
0x36: {  	[sflag:s25] =	ssyncadd.s32 $0xFFFFE000  }
0x37: {  	_ =	swait.ge [sflag:s25], $0x2000  }
0x38: {  	[sflag:s25] =	ssyncset.done $0x0  }
0x39: {  	[sflag:s25] =	ssyncadd.s32 $0xFFFFE000  }
0x3a: {  	_ =	swait.ge [sflag:s25], $0x2000  }
0x3b: {  	[sflag:s25] =	ssyncset.done $0x0  }
0x3c: {  	[sflag:s25] =	ssyncadd.s32 $0xFFFFE000  }
0x3d: {  	_ =	swait.ge [sflag:s25], $0x2000  }
0x3e: {  	[sflag:s25] =	ssyncset.done $0x0  }
0x3f: {  	[sflag:s25] =	ssyncadd.s32 $0xFFFFE000  }
0x40: {  	_ =	swait.ge [sflag:s25], $0x2000  }
0x41: {  	[sflag:s25] =	ssyncset.done $0x0  }
0x42: {  	[sflag:s25] =	ssyncadd.s32 $0xFFFFE000  }
0x43: {  	_ =	swait.ge [sflag:s25], $0x2000  }
0x44: {  	[sflag:s25] =	ssyncset.done $0x0  }
0x45: {  	[sflag:s25] =	ssyncadd.s32 $0xFFFFE000  }
0x46: {  	_ =	swait.ge [sflag:s25], $0x2000  }
0x47: {  	[sflag:s25] =	ssyncset.done $0x0  }
0x48: {  	[sflag:s25] =	ssyncadd.s32 $0xFFFFE000  }
0x49: {  	p0 =	sne.s32 s5, $0x1;
	_ =	swait.ge [sflag:s25], $0x2000  }
.Ltmp1:
0x4a: {  	[sflag:s25] =	ssyncset.done $0x0;
	(pc) =	sbr.rel @!p0 .LBB2_5-.Ltmp1, $4  }
0x4b: {  	[sflag:s25] =	ssyncadd.s32 $0xFFFFE000  }
0x4c: {  	[hbm4b:s7+s2] =	stream.linear.scatter [tilespmem:s9], [sflag:$0x2], $0x10000, $0x38;
	[tilespmem:$0x10400] =	vst v63  }
0x4d: {  	s28 =	sadd.s32 $0xFFFFFFFF, s5;
	_ =	swait.ge [sflag:s10], $0x10000  }
0x4e: {  	s29 =	smov.u32 s7;
	s30 =	smov.u32 s8;
	[sflag:s10] =	ssyncset.done $0x0  }
.LBB2_4:
0x4f: {  	[sflag:s10] =	ssyncadd.s32 $0xFFFF0000;
	s29 =	sadd.s32 $0x40000, s29;
	s30 =	sadd.s32 $0x1000, s30  }
0x50: {  	[tilespmem:s2], [sflag:$0x2] =	stream.linear.gather [hbm4b:s30+s2], $0x400, $0x38;
	[tilespmem:$0x10400] =	vst v63  }
0x51: {  	p0 =	sne.s32 s28, $0x1;
	s28 =	sadd.s32 $0xFFFFFFFF, s28;
	_ =	swait.ge [sflag:s10], $0x400  }
0x52: {  	[sflag:s10] =	ssyncset.done $0x0  }
0x53: {  	[sflag:s10] =	ssyncadd.s32 $0xFFFFFC00  }
0x54: {  	[tilespmem:s9], [sflag:$0x1] =	stream.indirect.gather [hbm4b:s3+s11], $0x40, s2, s11, $0xb8;
	[tilespmem:$0x10400] =	vst v63  }
0x55: {  	_ = 	snop  }
0x56: {  	[tilespmem:s12], [sflag:$0x1] =	stream.indirect.gather [hbm4b:s3+s11], $0x40, s11, s11, $0xb8;
	[tilespmem:$0x10400] =	vst v63  }
0x57: {  	_ = 	snop  }
0x58: {  	[tilespmem:s14], [sflag:$0x1] =	stream.indirect.gather [hbm4b:s3+s11], $0x40, s13, s11, $0xb8;
	[tilespmem:$0x10400] =	vst v63  }
0x59: {  	_ = 	snop  }
0x5a: {  	[tilespmem:s16], [sflag:$0x1] =	stream.indirect.gather [hbm4b:s3+s11], $0x40, s15, s11, $0xb8;
	[tilespmem:$0x10400] =	vst v63  }
0x5b: {  	_ = 	snop  }
0x5c: {  	[tilespmem:s18], [sflag:$0x1] =	stream.indirect.gather [hbm4b:s3+s11], $0x40, s17, s11, $0xb8;
	[tilespmem:$0x10400] =	vst v63  }
0x5d: {  	_ = 	snop  }
0x5e: {  	[tilespmem:s20], [sflag:$0x1] =	stream.indirect.gather [hbm4b:s3+s11], $0x40, s19, s11, $0xb8;
	[tilespmem:$0x10400] =	vst v63  }
0x5f: {  	_ = 	snop  }
0x60: {  	[tilespmem:s22], [sflag:$0x1] =	stream.indirect.gather [hbm4b:s3+s11], $0x40, s21, s11, $0xb8;
	[tilespmem:$0x10400] =	vst v63  }
0x61: {  	_ = 	snop  }
0x62: {  	[tilespmem:s24], [sflag:$0x1] =	stream.indirect.gather [hbm4b:s3+s11], $0x40, s23, s11, $0xb8;
	[tilespmem:$0x10400] =	vst v63  }
0x63: {  	_ =	swait.ge [sflag:s25], $0x2000  }
0x64: {  	[sflag:s25] =	ssyncset.done $0x0  }
0x65: {  	[sflag:s25] =	ssyncadd.s32 $0xFFFFE000  }
0x66: {  	_ =	swait.ge [sflag:s25], $0x2000  }
0x67: {  	[sflag:s25] =	ssyncset.done $0x0  }
0x68: {  	[sflag:s25] =	ssyncadd.s32 $0xFFFFE000  }
0x69: {  	_ =	swait.ge [sflag:s25], $0x2000  }
0x6a: {  	[sflag:s25] =	ssyncset.done $0x0  }
0x6b: {  	[sflag:s25] =	ssyncadd.s32 $0xFFFFE000  }
0x6c: {  	_ =	swait.ge [sflag:s25], $0x2000  }
0x6d: {  	[sflag:s25] =	ssyncset.done $0x0  }
0x6e: {  	[sflag:s25] =	ssyncadd.s32 $0xFFFFE000  }
0x6f: {  	_ =	swait.ge [sflag:s25], $0x2000  }
0x70: {  	[sflag:s25] =	ssyncset.done $0x0  }
0x71: {  	[sflag:s25] =	ssyncadd.s32 $0xFFFFE000  }
0x72: {  	_ =	swait.ge [sflag:s25], $0x2000  }
0x73: {  	[sflag:s25] =	ssyncset.done $0x0  }
0x74: {  	[sflag:s25] =	ssyncadd.s32 $0xFFFFE000  }
0x75: {  	_ =	swait.ge [sflag:s25], $0x2000  }
0x76: {  	[sflag:s25] =	ssyncset.done $0x0  }
0x77: {  	[sflag:s25] =	ssyncadd.s32 $0xFFFFE000  }
0x78: {  	_ =	swait.ge [sflag:s25], $0x2000  }
.Ltmp2:
0x79: {  	[sflag:s25] =	ssyncset.done $0x0;
	(pc) =	sbr.rel @p0 .LBB2_4-.Ltmp2, $4  }
0x7a: {  	[sflag:s25] =	ssyncadd.s32 $0xFFFFE000  }
0x7b: {  	[hbm4b:s29+s2] =	stream.linear.scatter [tilespmem:s9], [sflag:$0x2], $0x10000, $0x38;
	[tilespmem:$0x10400] =	vst v63  }
0x7c: {  	_ =	swait.ge [sflag:s10], $0x10000  }
0x7d: {  	[sflag:s10] =	ssyncset.done $0x0  }
.LBB2_5:
0x7e: {  	s26 =	sadd.s32 $0x1, s26  }
0x7f: {  	p0 =	sne.s32 s26, s6  }
.Ltmp3:
0x80: {  	_ = 	snop;
	(pc) =	sbr.rel @p0 .LBB2_1-.Ltmp3, $2  }
0x81: {  	_ =	sdelay $0x2  }
0x82: {  	[sflag:s10] =	ssyncadd.s32 $0xFFFF0000  }
0x83: {  	_ =	sfence.sel $0x180000  }
0x84: {  	[bflag:$0x0] =	sbarrier.arrive $0xFFFF  }
0x85: {  	p0 =	sne.s32 s1, $0x0;
	_ =	strace $0x9000004A  }
0x86: {  	s0 =	sadd.s32 @!p0 $0x100000, s0;
	[bflag:$0x2] =	sbarrier.arrive $0xFFFF  }
0x87: {  	[sflag:s0] =	ssyncadd.tile.s32 @!p0 $0x1;
	_ =	shalt  }
.Lfunc_end2:
_tile_overlayer_lowered:
.L_overlay_start_2:
0x88: {  	(tag) =	ssettag $0x2  }
0x89: {  	s0 =	rddreg [dreg:$0x0];
	s2 =	stileid.u32  }
0x8a: {  	s1 =	rddreg [dreg:$0x1];
	p0 =	sne.s32 s2, $0x0  }
0x8b: {  	s3 =	rddreg [dreg:$0x2];
	[bflag:$0x3] =	sbarrier.arrive $0xFFFF;
	s2 =	simm.s32 @!p0 $0x1C02  }
0x8c: {  	[timem:s3], [sflag:s2] =	dma.local @!p0 [hbm:s0], s1  }
0x8d: {  	s0 =	simm.s32 @!p0 $0x2  }
0x8e: {  	_ =	swait.ge @!p0 [sflag:s0], s1  }
0x8f: {  	s1 =	ssub.s32 @!p0 $0x0, s1;
	[sflag:s0] =	ssyncset.done @!p0 $0x0  }
0x90: {  	[sflag:s0] =	ssyncadd.s32 @!p0 s1  }
0x91: {  	[bflag:$0x3] =	sbarrier.arrive $0xFFFF  }
0x92: {  	_ =	shalt  }

// kernel: sparse-core-data-format-call.1.cloned.1.call-start
scs
called_computation.1_lowered:
.L_overlay_start_0:
0x0: {  	s2 =	sld [smem:$0x3FD9]  }
0x1: {  	s3 =	sld [smem:$0x3FFE];
	_ =	sdelay $0x1  }
0x2: {  	s1 =	srdreg.scid  }
0x3: {  	s0 =	sand.u32 $0x1, s1  }
0x4: {  	s16 =	sshll.u32 s0, $0xA;
	s2 =	sadd.s32 s3, s2  }
0x5: {  	s2 =	sadd.s32 s2, s16  }
0x6: {  	[smem:$0x3FC3] =	sst s2  }
0x7: {  	_ = 	snop  }
0x8: {  	s2 =	sld [smem:$0x3FD0];
	_ =	sdelay $0x2  }
0x9: {  	s17 =	simm.s32 $0xC;
	s4 =	simm.s32 $0x10  }
0xa: {  	[smem:s4], [sflag:s17] =	dma.local [hbm:s2], $0x1  }
0xb: {  	_ =	swait.eq [sflag:s17], $0x1  }
0xc: {  	[sflag:s17] =	ssyncset.done $0x0  }
0xd: {  	[sflag:s17] =	ssyncadd.s32 $0xFFFFFFFF  }
0xe: {  	s18 =	sld [smem:$0x11];
	(tm) =	ssettm $0x1  }
0xf: {  	s19 =	sld [smem:$0x3FFB];
	_ =	sdelay $0x3  }
0x10: {  	_ =	strace s19  }
0x11: {  	s2 =	sld [smem:$0x3FFC];
	_ =	sdelay $0x3  }
0x12: {  	_ =	strace s2  }
0x13: {  	s2 =	sld [smem:$0x3FFD];
	_ =	sdelay $0x3  }
0x14: {  	_ =	strace s2  }
0x15: {  	_ =	strace $0x8FFFFFFF  }
0x16: {  	s20 =	sld [smem:$0x3FDB];
	_ =	sdelay $0x1  }
0x17: {  	s21 =	simm.s32 $_scs_section_size  }
0x18: {  	s5 =	simm.s32 $_size__tile_overlayer_lowered;
	s6 =	simm.s32 $_tile_overlayer_lowered  }
0x19: {  	s7 =	simm.s32 $0x1BFF;
	s22 =	sshll.u32 s6, $0x1;
	s4 =	sadd.s32 s21, s20  }
0x1a: {  	s23 =	simm.s32 $0x0;
	s5 =	sshll.u32 s5, $0x1;
	s6 =	sadd.s32 s22, s4  }
0x1b: {  	[timem:s23], [sflag:s7] =	dma.local [hbm:s6], s5  }
0x1c: {  	_ =	swait.ge [sflag:s7], s5  }
0x1d: {  	s5 =	ssub.s32 $0x0, s5;
	[sflag:s7] =	ssyncset.done $0x0  }
0x1e: {  	[sflag:s7] =	ssyncadd.s32 s5;
	_ =	sdelay $0x1  }
0x1f: {  	s24 =	simm.s32 $0x1B8B  }
0x20: {  	_ =	swait.ge [sflag:s24], $0x1  }
0x21: {  	[sflag:s24] =	ssyncset.done $0x0  }
0x22: {  	[sflag:s24] =	ssyncadd.s32 $0xFFFFFFFF  }
0x23: {  	s5 =	sld [smem:$0x0]  }
0x24: {  	s6 =	sand.u32 $0xFFFFFFFE, s1  }
0x25: {  	p0 =	sne.s32 s1, s6  }
0x26: {  	s6 =	sshll.u32 @p0 s6, $0xE  }
0x27: {  	s6 =	sadd.s32 @p0 $0x11B8D, s6;
	s7 =	sshll.u32 @p0 s5, $0x11  }
0x28: {  	s6 =	sor.u32 @p0 s7, s6  }
0x29: {  	[sflag:s6] =	ssyncadd.remote.s32 @p0 $0x1;
	_ =	sdelay $0x1  }
0x2a: {  	s6 =	simm.s32 @p0 $0x1B8D  }
0x2b: {  	_ =	swait.eq @p0 [sflag:s6], $0x1  }
0x2c: {  	[sflag:s6] =	ssyncadd.s32 @p0 $0xFFFFFFFF  }
0x2d: {  	s7 =	sshll.u32 @!p0 s1, $0xE  }
0x2e: {  	s7 =	sor.u32 @!p0 $0x4000, s7;
	s6 =	simm.s32 @!p0 $0x1B8D  }
0x2f: {  	s5 =	sshll.u32 @!p0 s5, $0x11;
	s7 =	sadd.s32 @!p0 $0x11B8D, s7;
	_ =	swait.eq @!p0 [sflag:s6], $0x1  }
0x30: {  	s5 =	sor.u32 @!p0 s5, s7;
	[sflag:s6] =	ssyncadd.s32 @!p0 $0xFFFFFFFF  }
0x31: {  	s26 =	simm.s32 $0x1B8E;
	s25 =	sld [smem:$0x3FFE];
	[sflag:s5] =	ssyncadd.remote.s32 @!p0 $0x1  }
0x32: {  	s27 =	simm.s32 $execute0_lowered;
	[smem:$0x3FD2] =	sst s26  }
0x33: {  	s6 =	sshll.u32 s27, $0x1;
	_ =	strace $0x80000055;
	[dreg:$0x1] =	wrdreg $0xFFFFFFFF  }
0x34: {  	s28 =	simm.s32 $_size_execute0_lowered;
	s4 =	sadd.s32 s4, s6;
	[dreg:$0x0] =	wrdreg $0x0  }
0x35: {  	s6 =	sshll.u32 s28, $0x1;
	[dreg:$0x2] =	wrdreg s4  }
0x36: {  	[dreg:$0x3] =	wrdreg s6  }
0x37: {  	[dreg:$0x4] =	wrdreg $0xC0  }
0x38: {  	_ =	task [dreg:s23], $0x5FFFF  }
0x39: {  	[dreg:$0x1] =	wrdreg $0xFFFFFFFF  }
0x3a: {  	[dreg:$0x0] =	wrdreg $0x60  }
0x3b: {  	[dreg:$0x2] =	wrdreg s25  }
0x3c: {  	[dreg:$0x3] =	wrdreg s18  }
0x3d: {  	[dreg:$0x4] =	wrdreg $0xA  }
0x3e: {  	_ =	task.clear_ibuf [dreg:s23], $0x5FFFF;
	_ =	strace $0x90000055  }
0x3f: {  	s29 =	simm.s32 $0xA;
	_ =	strace $0x80000057  }
0x40: {  	_ =	swait.ge [sflag:s29], $0x1  }
0x41: {  	[sflag:s29] =	ssyncadd.s32 $0xFFFFFFFF  }
0x42: {  	_ =	strace $0x90000057  }
0x43: {  	_ =	sfence  }
0x44: {  	s30 =	sld [smem:$0x0];
	_ =	sdelay $0x2  }
0x45: {  	s31 =	sshll.u32 s1, $0xD;
	s1 =	sshrl.u32 s1, $0x2  }
0x46: {  	s4 =	sand.u32 $0x4000, s31;
	s1 =	sadd.s32 s1, s30  }
0x47: {  	s0 =	sor.u32 s4, s0;
	s1 =	sshll.u32 s1, $0x11  }
0x48: {  	s0 =	sor.u32 s1, s0  }
0x49: {  	s0 =	sadd.s32 $0x8F2B, s0  }
0x4a: {  	[sflag:s0] =	ssyncadd.remote.s32 $0x1  }
0x4b: {  	_ =	sfence.sel $0xFFFF  }
0x4c: {  	[dreg:$0x0] =	wrdreg $0xFFFFFFFF;
	(pc) =	sbr.abs _section_cstart, $3  }
0x4d: {  	[dreg:$0x1] =	wrdreg $0xFFFFFFFF  }
0x4e: {  	_ =	task.clear_ibuf [dreg:s23], $0x2FFFF;
	_ =	strace $0x9FFFFFFF  }
0x4f: {  	(tm) =	ssettm $0x7FFFFFFF  }
tec
execute0_lowered:
.L_overlay_start_1:
0x0: {  	(tag) =	ssettag $0x1  }
0x1: {  	s7 =	rddreg [dreg:$0x0]  }
0x2: {  	s2 =	rddreg [dreg:$0x1]  }
0x3: {  	s0 =	stileid.u32;
	s1 =	srdreg.scid;
	s31 =	simm.s32 $0x2  }
0x4: {  	s14 =	simm.s32 $0x0;
	s15 =	simm.s32 $0x0;
	s13 =	simm.s32 $0x0  }
0x5: {  	s3 =	sshll.u32 s0, $0x5;
	s4 =	sshll.u32 s1, $0x9;
	s5 =	sshll.u32 s0, $0x1  }
0x6: {  	s1 =	rddreg [dreg:$0x2];
	s4 =	sor.u32 s3, s4;
	s3 =	sand.u32 $0x6, s5  }
0x7: {  	_ =	strace $0x80000056;
	s4 =	sand.u32 $0x380, s4;
	s5 =	ssub.s32 $0xC8, s3  }
0x8: {  	s12 =	smov.u32 s3;
	s8 =	sshll.u32 s4, $0x4;
	s6 =	sand.u32 $0x6, s5  }
0x9: {  	s9 =	ssub.s32 $0x400, s4;
	s11 =	sshrl.u32 s5, $0x3;
	s5 =	simm.s32 $0x1  }
0xa: {  	p0 =	sne.s32 s6, $0x0;
	s6 =	simm.s32 $0x1;
	s10 =	sand.u32 $0x380, s9  }
0xb: {  	s6 =	simm.s32 @!p0 $0x0;
	p0 =	sne.s32 s10, $0x0;
	s10 =	simm.s32 $0x1  }
.Ltmp0:
0xc: {  	s9 =	sshrl.u32 s9, $0xA;
	s10 =	simm.s32 @!p0 $0x0;
	(pc) =	sbr.rel .LBB1_1-.Ltmp0, $4  }
0xd: {  	[sflag:s5] =	ssyncpa.u1 $0x0;
	s6 =	sadd.s32 s6, s11;
	s9 =	sadd.s32 s10, s9  }
0xe: {  	s8 =	sadd.s32 s8, s7;
	[sflag:s31] =	ssyncpa.u1 $0x0;
	s6 =	smul.u32 s6, s9  }
0xf: {  	s7 =	sadd.s32 $0x655400, s8;
	s8 =	sadd.s32 $0x659400, s8;
	p0 =	por $0x0, $0x0  }
0x10: {  	s11 =	simm.s32 $0x2000;
	s10 =	simm.s32 $0x400;
	s9 =	sadd.s32 $0x1, s6  }
.LBB1_7:
0x11: {  	s16 =	sadd.s32 $0x8, s12  }
0x12: {  	p2 =	sgt.s32 s16, $0xC7  }
0x13: {  	s16 =	smov.u32 @p2 s3;
	p2 =	sne.s32 s13, s9  }
.Ltmp1:
0x14: {  	p1 =	slt.u32 s13, $0x2;
	(pc) =	sbr.rel @!p2 .LBB1_8-.Ltmp1, $4  }
0x15: {  	s14 =	simm.s32 @!p1 $0x2  }
0x16: {  	s17 =	sadd.s32 $0x1, s13;
	s15 =	smov.u32 s12;
	_ =	swait.ge @!p1 [sflag:s14], $0x4000  }
0x17: {  	p0 =	por !p0, !p0;
	s13 =	smov.u32 s17;
	[sflag:s14] =	ssyncset.done @!p1 $0x0  }
0x18: {  	s12 =	smov.u32 s16;
	[sflag:s14] =	ssyncadd.s32 @!p1 $0xFFFFC000;
	s14 =	smov.u32 s4  }
.LBB1_1:
0x19: {  	p1 =	sge.u32 s13, s6  }
0x1a: {  	s16 =	sxor.u32 @!p1 $0xFFFFFFFF, s13  }
0x1b: {  	s17 =	sshll.u32 @!p1 s12, $0xE;
	s19 =	simm.s32 @!p1 $0x40;
	s16 =	sshll.u32 @!p1 s16, $0xE  }
0x1c: {  	s20 =	simm.s32 @!p1 $0x80;
	s18 =	sadd.s32 @!p1 s17, s7;
	s16 =	sand.u32 @!p1 $0x4000, s16  }
0x1d: {  	[tilespmem:s16], [sflag:$0x1] =	stream.strided.gather @!p1 [hbm4b:s18+s19], $0x2000, s20, s19, $0x38;
	[tilespmem:$0x10100] =	vst v63  }
0x1e: {  	s31 =	sadd.s32 $0xFFFFFFFF, s13;
	s17 =	sadd.s32 @!p1 s17, s8;
	s16 =	sor.u32 @!p1 $0x2000, s16  }
0x1f: {  	[tilespmem:s16], [sflag:$0x1] =	stream.strided.gather @!p1 [hbm4b:s17+s19], $0x2000, s20, s19, $0x38;
	[tilespmem:$0x10100] =	vst v63  }
0x20: {  	p1 =	sge.u32 s31, s6  }
.Ltmp2:
0x21: {  	_ = 	snop;
	(pc) =	sbr.rel @p1 .LBB1_7-.Ltmp2, $1  }
0x22: {  	_ =	sdelay $0x3  }
0x23: {  	s16 =	simm.s32 $0x1;
	s18 =	sand.u32 $0x1, s13  }
0x24: {  	_ =	swait.ge [sflag:s5], $0x4000;
	s16 =	simm.s32 @!p0 $0x0;
	s18 =	smul.u32 $0x10200, s18  }
0x25: {  	p2 =	por $0x1, $0x1;
	[sflag:s5] =	ssyncset.done $0x0;
	s17 =	smul.u32 $0x10200, s16  }
0x26: {  	s19 =	sshll.u32 s16, $0x10;
	[sflag:s5] =	ssyncadd.s32 $0xFFFFC000;
	s30 =	sshrl.u32 s18, $0x2  }
0x27: {  	s31 =	sshrl.u32 s19, $0x2;
	s19 =	simm.s32 $0x0;
	s17 =	sshrl.u32 s17, $0x2  }
0x28: {  	s16 =	sor.u32 $0x8000, s30;
	s18 =	sadd.s32 $0x20, s31;
	s17 =	sor.u32 $0x8000, s17  }
.LBB1_3:
0x29: {  	s20 =	sshll.u32 s19, $0xD  }
0x2a: {  	s20 =	sand.u32 $0x3FFFE000, s20  }
0x2b: {  	s22 =	sadd.s32 s20, s18  }
0x2c: {  	s31 =	smul.u32 $0x8100, s19;
	v3 =	vld [tilespmem:s22+$0x10]  }
0x2d: {  	v1 =	vld [tilespmem:s22+$0xFFFFFFF0]  }
0x2e: {  	s19 =	sshra.s32 s31, $0x2;
	v0 =	vld [tilespmem:s22+$0x0]  }
0x2f: {  	s19 =	sadd.s32 s19, s17;
	v2 =	vld [tilespmem:s22+$0xFFFFFFE0]  }
0x30: {  	s20 =	sadd.s32 $0x0, s19  }
0x31: {  	p1 =	por p2, p2;
	s21 =	simm.s32 $0x4;
	s22 =	sadd.s32 $0x40, s22;
	[tilespmem:s20+$0x1830 ss:$0x81] =	vst.msk $0xffff, v3  }
.LBB1_4:
0x32: {  	v3 =	vld [tilespmem:s22+$0x10];
	p2 =	sne.s32 s21, $0x1FC;
	[tilespmem:s20+$0x810 ss:$0x81] =	vst.msk $0xffff, v1;
	s23 =	smov.u32 s21;
	s21 =	sadd.s32 $0x4, s21  }
.Ltmp3:
0x33: {  	v1 =	vld [tilespmem:s22+$0xFFFFFFF0];
	[tilespmem:s20+$0x1020 ss:$0x81] =	vst.msk $0xffff, v0;
	(pc) =	sbr.rel @p2 .LBB1_4-.Ltmp3, $4  }
0x34: {  	v0 =	vld [tilespmem:s22+$0x0];
	[tilespmem:s20+$0x0 ss:$0x81] =	vst.msk $0xffff, v2  }
0x35: {  	s20 =	sshra.s32 s23, $0x2;
	v2 =	vld [tilespmem:s22+$0xFFFFFFE0]  }
0x36: {  	s20 =	sadd.s32 s20, s19  }
0x37: {  	s22 =	sadd.s32 $0x40, s22;
	[tilespmem:s20+$0x1830 ss:$0x81] =	vst.msk $0xffff, v3  }
.Ltmp4:
0x38: {  	(pc) =	sbr.rel @p1 .LBB1_3-.Ltmp4, $4  }
0x39: {  	_ = 	snop  }
0x3a: {  	[tilespmem:s20+$0x810 ss:$0x81] =	vst.msk $0xffff, v1  }
0x3b: {  	[tilespmem:s20+$0x1020 ss:$0x81] =	vst.msk $0xffff, v0  }
0x3c: {  	s19 =	simm.s32 $0x1;
	p2 =	por $0x0, $0x0;
	[tilespmem:s20+$0x0 ss:$0x81] =	vst.msk $0xffff, v2  }
.Ltmp5:
0x3d: {  	(pc) =	sbr.rel .LBB1_7-.Ltmp5, $4  }
0x3e: {  	_ = 	snop  }
0x3f: {  	s15 =	sshll.u32 s15, $0xD;
	s14 =	sadd.s32 s2, s14  }
0x40: {  	s14 =	sadd.s32 s15, s14  }
0x41: {  	[hbm4b:s14+s10] =	stream.strided.scatter [tilespmem:s16], [sflag:$0x2], $0x4000, s11, s10, $0x20;
	[tilespmem:$0x10100] =	vst v63  }
.LBB1_8:
0x42: {  	_ =	sfence.sel $0x180000  }
0x43: {  	s2 =	simm.s32 $0x1;
	[bflag:$0x0] =	sbarrier.arrive $0xFFFF  }
0x44: {  	s31 =	simm.s32 $0x2;
	[sflag:s2] =	ssyncpa.u1 $0x1  }
0x45: {  	[sflag:s31] =	ssyncpa.u1 $0x1  }
0x46: {  	p0 =	sne.s32 s0, $0x0;
	_ =	strace $0x90000056  }
0x47: {  	s0 =	sadd.s32 @!p0 $0x100000, s1;
	[bflag:$0x2] =	sbarrier.arrive $0xFFFF  }
0x48: {  	[sflag:s0] =	ssyncadd.tile.s32 @!p0 $0x1;
	_ =	shalt  }
.Lfunc_end1:
_tile_overlayer_lowered:
.L_overlay_start_2:
0x49: {  	(tag) =	ssettag $0x2  }
0x4a: {  	s0 =	rddreg [dreg:$0x0];
	s2 =	stileid.u32  }
0x4b: {  	s1 =	rddreg [dreg:$0x1];
	p0 =	sne.s32 s2, $0x0  }
0x4c: {  	s3 =	rddreg [dreg:$0x2];
	[bflag:$0x3] =	sbarrier.arrive $0xFFFF;
	s2 =	simm.s32 @!p0 $0x1C01  }
0x4d: {  	[timem:s3], [sflag:s2] =	dma.local @!p0 [hbm:s0], s1  }
0x4e: {  	s0 =	simm.s32 @!p0 $0x1  }
0x4f: {  	_ =	swait.ge @!p0 [sflag:s0], s1  }
0x50: {  	s1 =	ssub.s32 @!p0 $0x0, s1;
	[sflag:s0] =	ssyncset.done @!p0 $0x0  }
0x51: {  	[sflag:s0] =	ssyncadd.s32 @!p0 s1  }
0x52: {  	[bflag:$0x3] =	sbarrier.arrive $0xFFFF  }
0x53: {  	_ =	shalt  }

// kernel: sparse-core-data-format-call.2.cloned.1.call-start
scs
called_computation.2_lowered:
.L_overlay_start_0:
0x0: {  	s2 =	sld [smem:$0x3FD9]  }
0x1: {  	s3 =	sld [smem:$0x3FFE];
	_ =	sdelay $0x1  }
0x2: {  	s1 =	srdreg.scid  }
0x3: {  	s0 =	sand.u32 $0x1, s1  }
0x4: {  	s16 =	sshll.u32 s0, $0xA;
	s2 =	sadd.s32 s3, s2  }
0x5: {  	s2 =	sadd.s32 s2, s16  }
0x6: {  	[smem:$0x3FC3] =	sst s2  }
0x7: {  	_ = 	snop  }
0x8: {  	s2 =	sld [smem:$0x3FD0];
	_ =	sdelay $0x2  }
0x9: {  	s17 =	simm.s32 $0xC;
	s4 =	simm.s32 $0x10  }
0xa: {  	[smem:s4], [sflag:s17] =	dma.local [hbm:s2], $0x1  }
0xb: {  	_ =	swait.eq [sflag:s17], $0x1  }
0xc: {  	[sflag:s17] =	ssyncset.done $0x0  }
0xd: {  	[sflag:s17] =	ssyncadd.s32 $0xFFFFFFFF  }
0xe: {  	s18 =	sld [smem:$0x10];
	(tm) =	ssettm $0x1  }
0xf: {  	s19 =	sld [smem:$0x3FFB];
	_ =	sdelay $0x3  }
0x10: {  	_ =	strace s19  }
0x11: {  	s2 =	sld [smem:$0x3FFC];
	_ =	sdelay $0x3  }
0x12: {  	_ =	strace s2  }
0x13: {  	s2 =	sld [smem:$0x3FFD];
	_ =	sdelay $0x3  }
0x14: {  	_ =	strace s2  }
0x15: {  	_ =	strace $0x8FFFFFFF  }
0x16: {  	s20 =	sld [smem:$0x3FDB];
	_ =	sdelay $0x1  }
0x17: {  	s21 =	simm.s32 $_scs_section_size  }
0x18: {  	s5 =	simm.s32 $_size__tile_overlayer_lowered;
	s6 =	simm.s32 $_tile_overlayer_lowered  }
0x19: {  	s7 =	simm.s32 $0x1BFF;
	s22 =	sshll.u32 s6, $0x1;
	s4 =	sadd.s32 s21, s20  }
0x1a: {  	s23 =	simm.s32 $0x0;
	s5 =	sshll.u32 s5, $0x1;
	s6 =	sadd.s32 s22, s4  }
0x1b: {  	[timem:s23], [sflag:s7] =	dma.local [hbm:s6], s5  }
0x1c: {  	_ =	swait.ge [sflag:s7], s5  }
0x1d: {  	s5 =	ssub.s32 $0x0, s5;
	[sflag:s7] =	ssyncset.done $0x0  }
0x1e: {  	[sflag:s7] =	ssyncadd.s32 s5;
	_ =	sdelay $0x1  }
0x1f: {  	s24 =	simm.s32 $0x1B8B  }
0x20: {  	_ =	swait.ge [sflag:s24], $0x1  }
0x21: {  	[sflag:s24] =	ssyncset.done $0x0  }
0x22: {  	[sflag:s24] =	ssyncadd.s32 $0xFFFFFFFF  }
0x23: {  	s5 =	sld [smem:$0x0]  }
0x24: {  	s6 =	sand.u32 $0xFFFFFFFE, s1  }
0x25: {  	p0 =	sne.s32 s1, s6  }
0x26: {  	s6 =	sshll.u32 @p0 s6, $0xE  }
0x27: {  	s6 =	sadd.s32 @p0 $0x11B8D, s6;
	s7 =	sshll.u32 @p0 s5, $0x11  }
0x28: {  	s6 =	sor.u32 @p0 s7, s6  }
0x29: {  	[sflag:s6] =	ssyncadd.remote.s32 @p0 $0x1;
	_ =	sdelay $0x1  }
0x2a: {  	s6 =	simm.s32 @p0 $0x1B8D  }
0x2b: {  	_ =	swait.eq @p0 [sflag:s6], $0x1  }
0x2c: {  	[sflag:s6] =	ssyncadd.s32 @p0 $0xFFFFFFFF  }
0x2d: {  	s7 =	sshll.u32 @!p0 s1, $0xE  }
0x2e: {  	s7 =	sor.u32 @!p0 $0x4000, s7;
	s6 =	simm.s32 @!p0 $0x1B8D  }
0x2f: {  	s5 =	sshll.u32 @!p0 s5, $0x11;
	s7 =	sadd.s32 @!p0 $0x11B8D, s7;
	_ =	swait.eq @!p0 [sflag:s6], $0x1  }
0x30: {  	s5 =	sor.u32 @!p0 s5, s7;
	[sflag:s6] =	ssyncadd.s32 @!p0 $0xFFFFFFFF  }
0x31: {  	s26 =	simm.s32 $0x1B8E;
	s25 =	sld [smem:$0x3FFE];
	[sflag:s5] =	ssyncadd.remote.s32 @!p0 $0x1  }
0x32: {  	s27 =	simm.s32 $execute0_lowered;
	[smem:$0x3FD2] =	sst s26  }
0x33: {  	s6 =	sshll.u32 s27, $0x1;
	_ =	strace $0x8000004F;
	[dreg:$0x1] =	wrdreg $0xFFFFFFFF  }
0x34: {  	s28 =	simm.s32 $_size_execute0_lowered;
	s4 =	sadd.s32 s4, s6;
	[dreg:$0x0] =	wrdreg $0x0  }
0x35: {  	s6 =	sshll.u32 s28, $0x1;
	[dreg:$0x2] =	wrdreg s4  }
0x36: {  	[dreg:$0x3] =	wrdreg s6  }
0x37: {  	[dreg:$0x4] =	wrdreg $0xC0  }
0x38: {  	_ =	task [dreg:s23], $0x5FFFF  }
0x39: {  	[dreg:$0x1] =	wrdreg $0xFFFFFFFF  }
0x3a: {  	[dreg:$0x0] =	wrdreg $0x60  }
0x3b: {  	[dreg:$0x2] =	wrdreg s25  }
0x3c: {  	[dreg:$0x3] =	wrdreg s18  }
0x3d: {  	[dreg:$0x4] =	wrdreg $0x9  }
0x3e: {  	_ =	task.clear_ibuf [dreg:s23], $0x5FFFF;
	_ =	strace $0x9000004F  }
0x3f: {  	s29 =	simm.s32 $0x9;
	_ =	strace $0x80000051  }
0x40: {  	_ =	swait.ge [sflag:s29], $0x1  }
0x41: {  	[sflag:s29] =	ssyncadd.s32 $0xFFFFFFFF  }
0x42: {  	_ =	strace $0x90000051  }
0x43: {  	_ =	sfence  }
0x44: {  	s30 =	sld [smem:$0x0];
	_ =	sdelay $0x2  }
0x45: {  	s31 =	sshll.u32 s1, $0xD;
	s1 =	sshrl.u32 s1, $0x2  }
0x46: {  	s4 =	sand.u32 $0x4000, s31;
	s1 =	sadd.s32 s1, s30  }
0x47: {  	s0 =	sor.u32 s4, s0;
	s1 =	sshll.u32 s1, $0x11  }
0x48: {  	s0 =	sor.u32 s1, s0  }
0x49: {  	s0 =	sadd.s32 $0x8F2B, s0  }
0x4a: {  	[sflag:s0] =	ssyncadd.remote.s32 $0x1  }
0x4b: {  	_ =	sfence.sel $0xFFFF  }
0x4c: {  	[dreg:$0x0] =	wrdreg $0xFFFFFFFF;
	(pc) =	sbr.abs _section_cstart, $3  }
0x4d: {  	[dreg:$0x1] =	wrdreg $0xFFFFFFFF  }
0x4e: {  	_ =	task.clear_ibuf [dreg:s23], $0x2FFFF;
	_ =	strace $0x9FFFFFFF  }
0x4f: {  	(tm) =	ssettm $0x7FFFFFFF  }
tec
execute0_lowered:
.L_overlay_start_1:
0x0: {  	(tag) =	ssettag $0x1  }
0x1: {  	s7 =	rddreg [dreg:$0x0]  }
0x2: {  	s2 =	rddreg [dreg:$0x1]  }
0x3: {  	s0 =	stileid.u32;
	s1 =	srdreg.scid;
	s31 =	simm.s32 $0x2  }
0x4: {  	s14 =	simm.s32 $0x0;
	s15 =	simm.s32 $0x0;
	s13 =	simm.s32 $0x0  }
0x5: {  	s3 =	sshll.u32 s0, $0x5;
	s4 =	sshll.u32 s1, $0x9;
	s5 =	sshll.u32 s0, $0x1  }
0x6: {  	s1 =	rddreg [dreg:$0x2];
	s4 =	sor.u32 s3, s4;
	s3 =	sand.u32 $0x6, s5  }
0x7: {  	_ =	strace $0x80000050;
	s4 =	sand.u32 $0x380, s4;
	s5 =	ssub.s32 $0xC8, s3  }
0x8: {  	s12 =	smov.u32 s3;
	s8 =	sshll.u32 s4, $0x4;
	s6 =	sand.u32 $0x6, s5  }
0x9: {  	s9 =	ssub.s32 $0x400, s4;
	s11 =	sshrl.u32 s5, $0x3;
	s5 =	simm.s32 $0x1  }
0xa: {  	p0 =	sne.s32 s6, $0x0;
	s6 =	simm.s32 $0x1;
	s10 =	sand.u32 $0x380, s9  }
0xb: {  	s6 =	simm.s32 @!p0 $0x0;
	p0 =	sne.s32 s10, $0x0;
	s10 =	simm.s32 $0x1  }
.Ltmp0:
0xc: {  	s9 =	sshrl.u32 s9, $0xA;
	s10 =	simm.s32 @!p0 $0x0;
	(pc) =	sbr.rel .LBB1_1-.Ltmp0, $4  }
0xd: {  	[sflag:s5] =	ssyncpa.u1 $0x0;
	s6 =	sadd.s32 s6, s11;
	s9 =	sadd.s32 s10, s9  }
0xe: {  	s8 =	sadd.s32 s8, s7;
	[sflag:s31] =	ssyncpa.u1 $0x0;
	s6 =	smul.u32 s6, s9  }
0xf: {  	s7 =	sadd.s32 $0x15400, s8;
	s8 =	sadd.s32 $0x19400, s8;
	p0 =	por $0x0, $0x0  }
0x10: {  	s11 =	simm.s32 $0x2000;
	s10 =	simm.s32 $0x400;
	s9 =	sadd.s32 $0x1, s6  }
.LBB1_7:
0x11: {  	s16 =	sadd.s32 $0x8, s12  }
0x12: {  	p2 =	sgt.s32 s16, $0xC7  }
0x13: {  	s16 =	smov.u32 @p2 s3;
	p2 =	sne.s32 s13, s9  }
.Ltmp1:
0x14: {  	p1 =	slt.u32 s13, $0x2;
	(pc) =	sbr.rel @!p2 .LBB1_8-.Ltmp1, $4  }
0x15: {  	s14 =	simm.s32 @!p1 $0x2  }
0x16: {  	s17 =	sadd.s32 $0x1, s13;
	s15 =	smov.u32 s12;
	_ =	swait.ge @!p1 [sflag:s14], $0x4000  }
0x17: {  	p0 =	por !p0, !p0;
	s13 =	smov.u32 s17;
	[sflag:s14] =	ssyncset.done @!p1 $0x0  }
0x18: {  	s12 =	smov.u32 s16;
	[sflag:s14] =	ssyncadd.s32 @!p1 $0xFFFFC000;
	s14 =	smov.u32 s4  }
.LBB1_1:
0x19: {  	p1 =	sge.u32 s13, s6  }
0x1a: {  	s16 =	sxor.u32 @!p1 $0xFFFFFFFF, s13  }
0x1b: {  	s17 =	sshll.u32 @!p1 s12, $0xE;
	s19 =	simm.s32 @!p1 $0x40;
	s16 =	sshll.u32 @!p1 s16, $0xE  }
0x1c: {  	s20 =	simm.s32 @!p1 $0x80;
	s18 =	sadd.s32 @!p1 s17, s7;
	s16 =	sand.u32 @!p1 $0x4000, s16  }
0x1d: {  	[tilespmem:s16], [sflag:$0x1] =	stream.strided.gather @!p1 [hbm4b:s18+s19], $0x2000, s20, s19, $0x38;
	[tilespmem:$0x10100] =	vst v63  }
0x1e: {  	s31 =	sadd.s32 $0xFFFFFFFF, s13;
	s17 =	sadd.s32 @!p1 s17, s8;
	s16 =	sor.u32 @!p1 $0x2000, s16  }
0x1f: {  	[tilespmem:s16], [sflag:$0x1] =	stream.strided.gather @!p1 [hbm4b:s17+s19], $0x2000, s20, s19, $0x38;
	[tilespmem:$0x10100] =	vst v63  }
0x20: {  	p1 =	sge.u32 s31, s6  }
.Ltmp2:
0x21: {  	_ = 	snop;
	(pc) =	sbr.rel @p1 .LBB1_7-.Ltmp2, $1  }
0x22: {  	_ =	sdelay $0x3  }
0x23: {  	s16 =	simm.s32 $0x1;
	s18 =	sand.u32 $0x1, s13  }
0x24: {  	_ =	swait.ge [sflag:s5], $0x4000;
	s16 =	simm.s32 @!p0 $0x0;
	s18 =	smul.u32 $0x10200, s18  }
0x25: {  	p2 =	por $0x1, $0x1;
	[sflag:s5] =	ssyncset.done $0x0;
	s17 =	smul.u32 $0x10200, s16  }
0x26: {  	s19 =	sshll.u32 s16, $0x10;
	[sflag:s5] =	ssyncadd.s32 $0xFFFFC000;
	s30 =	sshrl.u32 s18, $0x2  }
0x27: {  	s31 =	sshrl.u32 s19, $0x2;
	s19 =	simm.s32 $0x0;
	s17 =	sshrl.u32 s17, $0x2  }
0x28: {  	s16 =	sor.u32 $0x8000, s30;
	s18 =	sadd.s32 $0x20, s31;
	s17 =	sor.u32 $0x8000, s17  }
.LBB1_3:
0x29: {  	s20 =	sshll.u32 s19, $0xD  }
0x2a: {  	s20 =	sand.u32 $0x3FFFE000, s20  }
0x2b: {  	s22 =	sadd.s32 s20, s18  }
0x2c: {  	s31 =	smul.u32 $0x8100, s19;
	v3 =	vld [tilespmem:s22+$0x10]  }
0x2d: {  	v1 =	vld [tilespmem:s22+$0xFFFFFFF0]  }
0x2e: {  	s19 =	sshra.s32 s31, $0x2;
	v0 =	vld [tilespmem:s22+$0x0]  }
0x2f: {  	s19 =	sadd.s32 s19, s17;
	v2 =	vld [tilespmem:s22+$0xFFFFFFE0]  }
0x30: {  	s20 =	sadd.s32 $0x0, s19  }
0x31: {  	p1 =	por p2, p2;
	s21 =	simm.s32 $0x4;
	s22 =	sadd.s32 $0x40, s22;
	[tilespmem:s20+$0x1830 ss:$0x81] =	vst.msk $0xffff, v3  }
.LBB1_4:
0x32: {  	v3 =	vld [tilespmem:s22+$0x10];
	p2 =	sne.s32 s21, $0x1FC;
	[tilespmem:s20+$0x810 ss:$0x81] =	vst.msk $0xffff, v1;
	s23 =	smov.u32 s21;
	s21 =	sadd.s32 $0x4, s21  }
.Ltmp3:
0x33: {  	v1 =	vld [tilespmem:s22+$0xFFFFFFF0];
	[tilespmem:s20+$0x1020 ss:$0x81] =	vst.msk $0xffff, v0;
	(pc) =	sbr.rel @p2 .LBB1_4-.Ltmp3, $4  }
0x34: {  	v0 =	vld [tilespmem:s22+$0x0];
	[tilespmem:s20+$0x0 ss:$0x81] =	vst.msk $0xffff, v2  }
0x35: {  	s20 =	sshra.s32 s23, $0x2;
	v2 =	vld [tilespmem:s22+$0xFFFFFFE0]  }
0x36: {  	s20 =	sadd.s32 s20, s19  }
0x37: {  	s22 =	sadd.s32 $0x40, s22;
	[tilespmem:s20+$0x1830 ss:$0x81] =	vst.msk $0xffff, v3  }
.Ltmp4:
0x38: {  	(pc) =	sbr.rel @p1 .LBB1_3-.Ltmp4, $4  }
0x39: {  	_ = 	snop  }
0x3a: {  	[tilespmem:s20+$0x810 ss:$0x81] =	vst.msk $0xffff, v1  }
0x3b: {  	[tilespmem:s20+$0x1020 ss:$0x81] =	vst.msk $0xffff, v0  }
0x3c: {  	s19 =	simm.s32 $0x1;
	p2 =	por $0x0, $0x0;
	[tilespmem:s20+$0x0 ss:$0x81] =	vst.msk $0xffff, v2  }
.Ltmp5:
0x3d: {  	(pc) =	sbr.rel .LBB1_7-.Ltmp5, $4  }
0x3e: {  	_ = 	snop  }
0x3f: {  	s15 =	sshll.u32 s15, $0xD;
	s14 =	sadd.s32 s2, s14  }
0x40: {  	s14 =	sadd.s32 s15, s14  }
0x41: {  	[hbm4b:s14+s10] =	stream.strided.scatter [tilespmem:s16], [sflag:$0x2], $0x4000, s11, s10, $0x20;
	[tilespmem:$0x10100] =	vst v63  }
.LBB1_8:
0x42: {  	_ =	sfence.sel $0x180000  }
0x43: {  	s2 =	simm.s32 $0x1;
	[bflag:$0x0] =	sbarrier.arrive $0xFFFF  }
0x44: {  	s31 =	simm.s32 $0x2;
	[sflag:s2] =	ssyncpa.u1 $0x1  }
0x45: {  	[sflag:s31] =	ssyncpa.u1 $0x1  }
0x46: {  	p0 =	sne.s32 s0, $0x0;
	_ =	strace $0x90000050  }
0x47: {  	s0 =	sadd.s32 @!p0 $0x100000, s1;
	[bflag:$0x2] =	sbarrier.arrive $0xFFFF  }
0x48: {  	[sflag:s0] =	ssyncadd.tile.s32 @!p0 $0x1;
	_ =	shalt  }
.Lfunc_end1:
_tile_overlayer_lowered:
.L_overlay_start_2:
0x49: {  	(tag) =	ssettag $0x2  }
0x4a: {  	s0 =	rddreg [dreg:$0x0];
	s2 =	stileid.u32  }
0x4b: {  	s1 =	rddreg [dreg:$0x1];
	p0 =	sne.s32 s2, $0x0  }
0x4c: {  	s3 =	rddreg [dreg:$0x2];
	[bflag:$0x3] =	sbarrier.arrive $0xFFFF;
	s2 =	simm.s32 @!p0 $0x1C01  }
0x4d: {  	[timem:s3], [sflag:s2] =	dma.local @!p0 [hbm:s0], s1  }
0x4e: {  	s0 =	simm.s32 @!p0 $0x1  }
0x4f: {  	_ =	swait.ge @!p0 [sflag:s0], s1  }
0x50: {  	s1 =	ssub.s32 @!p0 $0x0, s1;
	[sflag:s0] =	ssyncset.done @!p0 $0x0  }
0x51: {  	[sflag:s0] =	ssyncadd.s32 @!p0 s1  }
0x52: {  	[bflag:$0x3] =	sbarrier.arrive $0xFFFF  }
0x53: {  	_ =	shalt  }

// kernel: sparse-core-data-format-call.cloned.1.call-start
scs
called_computation_lowered:
.L_overlay_start_0:
0x0: {  	s2 =	sld [smem:$0x3FD9]  }
0x1: {  	s3 =	sld [smem:$0x3FFE];
	_ =	sdelay $0x1  }
0x2: {  	s1 =	srdreg.scid  }
0x3: {  	s0 =	sand.u32 $0x1, s1  }
0x4: {  	s16 =	sshll.u32 s0, $0xA;
	s2 =	sadd.s32 s3, s2  }
0x5: {  	s2 =	sadd.s32 s2, s16  }
0x6: {  	[smem:$0x3FC3] =	sst s2  }
0x7: {  	_ = 	snop  }
0x8: {  	s2 =	sld [smem:$0x3FD0];
	_ =	sdelay $0x2  }
0x9: {  	s17 =	simm.s32 $0xC;
	s4 =	simm.s32 $0x10  }
0xa: {  	[smem:s4], [sflag:s17] =	dma.local [hbm:s2], $0x1  }
0xb: {  	_ =	swait.eq [sflag:s17], $0x1  }
0xc: {  	[sflag:s17] =	ssyncset.done $0x0  }
0xd: {  	[sflag:s17] =	ssyncadd.s32 $0xFFFFFFFF  }
0xe: {  	s18 =	sld [smem:$0x12];
	(tm) =	ssettm $0x1  }
0xf: {  	s19 =	sld [smem:$0x3FFB];
	_ =	sdelay $0x3  }
0x10: {  	_ =	strace s19  }
0x11: {  	s2 =	sld [smem:$0x3FFC];
	_ =	sdelay $0x3  }
0x12: {  	_ =	strace s2  }
0x13: {  	s2 =	sld [smem:$0x3FFD];
	_ =	sdelay $0x3  }
0x14: {  	_ =	strace s2  }
0x15: {  	_ =	strace $0x8FFFFFFF  }
0x16: {  	s20 =	sld [smem:$0x3FDB];
	_ =	sdelay $0x1  }
0x17: {  	s21 =	simm.s32 $_scs_section_size  }
0x18: {  	s5 =	simm.s32 $_size__tile_overlayer_lowered;
	s6 =	simm.s32 $_tile_overlayer_lowered  }
0x19: {  	s7 =	simm.s32 $0x1BFF;
	s22 =	sshll.u32 s6, $0x1;
	s4 =	sadd.s32 s21, s20  }
0x1a: {  	s23 =	simm.s32 $0x0;
	s5 =	sshll.u32 s5, $0x1;
	s6 =	sadd.s32 s22, s4  }
0x1b: {  	[timem:s23], [sflag:s7] =	dma.local [hbm:s6], s5  }
0x1c: {  	_ =	swait.ge [sflag:s7], s5  }
0x1d: {  	s5 =	ssub.s32 $0x0, s5;
	[sflag:s7] =	ssyncset.done $0x0  }
0x1e: {  	[sflag:s7] =	ssyncadd.s32 s5;
	_ =	sdelay $0x1  }
0x1f: {  	s24 =	simm.s32 $0x1B8B  }
0x20: {  	_ =	swait.ge [sflag:s24], $0x1  }
0x21: {  	[sflag:s24] =	ssyncset.done $0x0  }
0x22: {  	[sflag:s24] =	ssyncadd.s32 $0xFFFFFFFF  }
0x23: {  	s5 =	sld [smem:$0x0]  }
0x24: {  	s6 =	sand.u32 $0xFFFFFFFE, s1  }
0x25: {  	p0 =	sne.s32 s1, s6  }
0x26: {  	s6 =	sshll.u32 @p0 s6, $0xE  }
0x27: {  	s6 =	sadd.s32 @p0 $0x11B8D, s6;
	s7 =	sshll.u32 @p0 s5, $0x11  }
0x28: {  	s6 =	sor.u32 @p0 s7, s6  }
0x29: {  	[sflag:s6] =	ssyncadd.remote.s32 @p0 $0x1;
	_ =	sdelay $0x1  }
0x2a: {  	s6 =	simm.s32 @p0 $0x1B8D  }
0x2b: {  	_ =	swait.eq @p0 [sflag:s6], $0x1  }
0x2c: {  	[sflag:s6] =	ssyncadd.s32 @p0 $0xFFFFFFFF  }
0x2d: {  	s7 =	sshll.u32 @!p0 s1, $0xE  }
0x2e: {  	s7 =	sor.u32 @!p0 $0x4000, s7;
	s6 =	simm.s32 @!p0 $0x1B8D  }
0x2f: {  	s5 =	sshll.u32 @!p0 s5, $0x11;
	s7 =	sadd.s32 @!p0 $0x11B8D, s7;
	_ =	swait.eq @!p0 [sflag:s6], $0x1  }
0x30: {  	s5 =	sor.u32 @!p0 s5, s7;
	[sflag:s6] =	ssyncadd.s32 @!p0 $0xFFFFFFFF  }
0x31: {  	s26 =	simm.s32 $0x1B8E;
	s25 =	sld [smem:$0x3FFE];
	[sflag:s5] =	ssyncadd.remote.s32 @!p0 $0x1  }
0x32: {  	s27 =	simm.s32 $execute0_lowered;
	[smem:$0x3FD2] =	sst s26  }
0x33: {  	s6 =	sshll.u32 s27, $0x1;
	_ =	strace $0x80000052;
	[dreg:$0x1] =	wrdreg $0xFFFFFFFF  }
0x34: {  	s28 =	simm.s32 $_size_execute0_lowered;
	s4 =	sadd.s32 s4, s6;
	[dreg:$0x0] =	wrdreg $0x0  }
0x35: {  	s6 =	sshll.u32 s28, $0x1;
	[dreg:$0x2] =	wrdreg s4  }
0x36: {  	[dreg:$0x3] =	wrdreg s6  }
0x37: {  	[dreg:$0x4] =	wrdreg $0xC0  }
0x38: {  	_ =	task [dreg:s23], $0x5FFFF  }
0x39: {  	[dreg:$0x1] =	wrdreg $0xFFFFFFFF  }
0x3a: {  	[dreg:$0x0] =	wrdreg $0x60  }
0x3b: {  	[dreg:$0x2] =	wrdreg s25  }
0x3c: {  	[dreg:$0x3] =	wrdreg s18  }
0x3d: {  	[dreg:$0x4] =	wrdreg $0xB  }
0x3e: {  	_ =	task.clear_ibuf [dreg:s23], $0x5FFFF;
	_ =	strace $0x90000052  }
0x3f: {  	s29 =	simm.s32 $0xB;
	_ =	strace $0x80000054  }
0x40: {  	_ =	swait.ge [sflag:s29], $0x1  }
0x41: {  	[sflag:s29] =	ssyncadd.s32 $0xFFFFFFFF  }
0x42: {  	_ =	strace $0x90000054  }
0x43: {  	_ =	sfence  }
0x44: {  	s30 =	sld [smem:$0x0];
	_ =	sdelay $0x2  }
0x45: {  	s31 =	sshll.u32 s1, $0xD;
	s1 =	sshrl.u32 s1, $0x2  }
0x46: {  	s4 =	sand.u32 $0x4000, s31;
	s1 =	sadd.s32 s1, s30  }
0x47: {  	s0 =	sor.u32 s4, s0;
	s1 =	sshll.u32 s1, $0x11  }
0x48: {  	s0 =	sor.u32 s1, s0  }
0x49: {  	s0 =	sadd.s32 $0x8F2B, s0  }
0x4a: {  	[sflag:s0] =	ssyncadd.remote.s32 $0x1  }
0x4b: {  	_ =	sfence.sel $0xFFFF  }
0x4c: {  	[dreg:$0x0] =	wrdreg $0xFFFFFFFF;
	(pc) =	sbr.abs _section_cstart, $3  }
0x4d: {  	[dreg:$0x1] =	wrdreg $0xFFFFFFFF  }
0x4e: {  	_ =	task.clear_ibuf [dreg:s23], $0x2FFFF;
	_ =	strace $0x9FFFFFFF  }
0x4f: {  	(tm) =	ssettm $0x7FFFFFFF  }
tec
execute0_lowered:
.L_overlay_start_1:
0x0: {  	(tag) =	ssettag $0x1  }
0x1: {  	s7 =	rddreg [dreg:$0x0]  }
0x2: {  	s2 =	rddreg [dreg:$0x1]  }
0x3: {  	s0 =	stileid.u32;
	s1 =	srdreg.scid;
	s31 =	simm.s32 $0x2  }
0x4: {  	s14 =	simm.s32 $0x0;
	s15 =	simm.s32 $0x0;
	s13 =	simm.s32 $0x0  }
0x5: {  	s3 =	sshll.u32 s0, $0x5;
	s4 =	sshll.u32 s1, $0x9;
	s5 =	sshll.u32 s0, $0x1  }
0x6: {  	s1 =	rddreg [dreg:$0x2];
	s4 =	sor.u32 s3, s4;
	s3 =	sand.u32 $0x6, s5  }
0x7: {  	_ =	strace $0x80000053;
	s4 =	sand.u32 $0x380, s4;
	s5 =	ssub.s32 $0xC8, s3  }
0x8: {  	s12 =	smov.u32 s3;
	s8 =	sshll.u32 s4, $0x4;
	s6 =	sand.u32 $0x6, s5  }
0x9: {  	s9 =	ssub.s32 $0x400, s4;
	s11 =	sshrl.u32 s5, $0x3;
	s5 =	simm.s32 $0x1  }
0xa: {  	p0 =	sne.s32 s6, $0x0;
	s6 =	simm.s32 $0x1;
	s10 =	sand.u32 $0x380, s9  }
0xb: {  	s6 =	simm.s32 @!p0 $0x0;
	p0 =	sne.s32 s10, $0x0;
	s10 =	simm.s32 $0x1  }
.Ltmp0:
0xc: {  	s9 =	sshrl.u32 s9, $0xA;
	s10 =	simm.s32 @!p0 $0x0;
	(pc) =	sbr.rel .LBB1_1-.Ltmp0, $4  }
0xd: {  	[sflag:s5] =	ssyncpa.u1 $0x0;
	s6 =	sadd.s32 s6, s11;
	s9 =	sadd.s32 s10, s9  }
0xe: {  	s8 =	sadd.s32 s8, s7;
	[sflag:s31] =	ssyncpa.u1 $0x0;
	s6 =	smul.u32 s6, s9  }
0xf: {  	s7 =	sadd.s32 $0x335400, s8;
	s8 =	sadd.s32 $0x339400, s8;
	p0 =	por $0x0, $0x0  }
0x10: {  	s11 =	simm.s32 $0x2000;
	s10 =	simm.s32 $0x400;
	s9 =	sadd.s32 $0x1, s6  }
.LBB1_7:
0x11: {  	s16 =	sadd.s32 $0x8, s12  }
0x12: {  	p2 =	sgt.s32 s16, $0xC7  }
0x13: {  	s16 =	smov.u32 @p2 s3;
	p2 =	sne.s32 s13, s9  }
.Ltmp1:
0x14: {  	p1 =	slt.u32 s13, $0x2;
	(pc) =	sbr.rel @!p2 .LBB1_8-.Ltmp1, $4  }
0x15: {  	s14 =	simm.s32 @!p1 $0x2  }
0x16: {  	s17 =	sadd.s32 $0x1, s13;
	s15 =	smov.u32 s12;
	_ =	swait.ge @!p1 [sflag:s14], $0x4000  }
0x17: {  	p0 =	por !p0, !p0;
	s13 =	smov.u32 s17;
	[sflag:s14] =	ssyncset.done @!p1 $0x0  }
0x18: {  	s12 =	smov.u32 s16;
	[sflag:s14] =	ssyncadd.s32 @!p1 $0xFFFFC000;
	s14 =	smov.u32 s4  }
.LBB1_1:
0x19: {  	p1 =	sge.u32 s13, s6  }
0x1a: {  	s16 =	sxor.u32 @!p1 $0xFFFFFFFF, s13  }
0x1b: {  	s17 =	sshll.u32 @!p1 s12, $0xE;
	s19 =	simm.s32 @!p1 $0x40;
	s16 =	sshll.u32 @!p1 s16, $0xE  }
0x1c: {  	s20 =	simm.s32 @!p1 $0x80;
	s18 =	sadd.s32 @!p1 s17, s7;
	s16 =	sand.u32 @!p1 $0x4000, s16  }
0x1d: {  	[tilespmem:s16], [sflag:$0x1] =	stream.strided.gather @!p1 [hbm4b:s18+s19], $0x2000, s20, s19, $0x38;
	[tilespmem:$0x10100] =	vst v63  }
0x1e: {  	s31 =	sadd.s32 $0xFFFFFFFF, s13;
	s17 =	sadd.s32 @!p1 s17, s8;
	s16 =	sor.u32 @!p1 $0x2000, s16  }
0x1f: {  	[tilespmem:s16], [sflag:$0x1] =	stream.strided.gather @!p1 [hbm4b:s17+s19], $0x2000, s20, s19, $0x38;
	[tilespmem:$0x10100] =	vst v63  }
0x20: {  	p1 =	sge.u32 s31, s6  }
.Ltmp2:
0x21: {  	_ = 	snop;
	(pc) =	sbr.rel @p1 .LBB1_7-.Ltmp2, $1  }
0x22: {  	_ =	sdelay $0x3  }
0x23: {  	s16 =	simm.s32 $0x1;
	s18 =	sand.u32 $0x1, s13  }
0x24: {  	_ =	swait.ge [sflag:s5], $0x4000;
	s16 =	simm.s32 @!p0 $0x0;
	s18 =	smul.u32 $0x10200, s18  }
0x25: {  	p2 =	por $0x1, $0x1;
	[sflag:s5] =	ssyncset.done $0x0;
	s17 =	smul.u32 $0x10200, s16  }
0x26: {  	s19 =	sshll.u32 s16, $0x10;
	[sflag:s5] =	ssyncadd.s32 $0xFFFFC000;
	s30 =	sshrl.u32 s18, $0x2  }
0x27: {  	s31 =	sshrl.u32 s19, $0x2;
	s19 =	simm.s32 $0x0;
	s17 =	sshrl.u32 s17, $0x2  }
0x28: {  	s16 =	sor.u32 $0x8000, s30;
	s18 =	sadd.s32 $0x20, s31;
	s17 =	sor.u32 $0x8000, s17  }
.LBB1_3:
0x29: {  	s20 =	sshll.u32 s19, $0xD  }
0x2a: {  	s20 =	sand.u32 $0x3FFFE000, s20  }
0x2b: {  	s22 =	sadd.s32 s20, s18  }
0x2c: {  	s31 =	smul.u32 $0x8100, s19;
	v3 =	vld [tilespmem:s22+$0x10]  }
0x2d: {  	v1 =	vld [tilespmem:s22+$0xFFFFFFF0]  }
0x2e: {  	s19 =	sshra.s32 s31, $0x2;
	v0 =	vld [tilespmem:s22+$0x0]  }
0x2f: {  	s19 =	sadd.s32 s19, s17;
	v2 =	vld [tilespmem:s22+$0xFFFFFFE0]  }
0x30: {  	s20 =	sadd.s32 $0x0, s19  }
0x31: {  	p1 =	por p2, p2;
	s21 =	simm.s32 $0x4;
	s22 =	sadd.s32 $0x40, s22;
	[tilespmem:s20+$0x1830 ss:$0x81] =	vst.msk $0xffff, v3  }
.LBB1_4:
0x32: {  	v3 =	vld [tilespmem:s22+$0x10];
	p2 =	sne.s32 s21, $0x1FC;
	[tilespmem:s20+$0x810 ss:$0x81] =	vst.msk $0xffff, v1;
	s23 =	smov.u32 s21;
	s21 =	sadd.s32 $0x4, s21  }
.Ltmp3:
0x33: {  	v1 =	vld [tilespmem:s22+$0xFFFFFFF0];
	[tilespmem:s20+$0x1020 ss:$0x81] =	vst.msk $0xffff, v0;
	(pc) =	sbr.rel @p2 .LBB1_4-.Ltmp3, $4  }
0x34: {  	v0 =	vld [tilespmem:s22+$0x0];
	[tilespmem:s20+$0x0 ss:$0x81] =	vst.msk $0xffff, v2  }
0x35: {  	s20 =	sshra.s32 s23, $0x2;
	v2 =	vld [tilespmem:s22+$0xFFFFFFE0]  }
0x36: {  	s20 =	sadd.s32 s20, s19  }
0x37: {  	s22 =	sadd.s32 $0x40, s22;
	[tilespmem:s20+$0x1830 ss:$0x81] =	vst.msk $0xffff, v3  }
.Ltmp4:
0x38: {  	(pc) =	sbr.rel @p1 .LBB1_3-.Ltmp4, $4  }
0x39: {  	_ = 	snop  }
0x3a: {  	[tilespmem:s20+$0x810 ss:$0x81] =	vst.msk $0xffff, v1  }
0x3b: {  	[tilespmem:s20+$0x1020 ss:$0x81] =	vst.msk $0xffff, v0  }
0x3c: {  	s19 =	simm.s32 $0x1;
	p2 =	por $0x0, $0x0;
	[tilespmem:s20+$0x0 ss:$0x81] =	vst.msk $0xffff, v2  }
.Ltmp5:
0x3d: {  	(pc) =	sbr.rel .LBB1_7-.Ltmp5, $4  }
0x3e: {  	_ = 	snop  }
0x3f: {  	s15 =	sshll.u32 s15, $0xD;
	s14 =	sadd.s32 s2, s14  }
0x40: {  	s14 =	sadd.s32 s15, s14  }
0x41: {  	[hbm4b:s14+s10] =	stream.strided.scatter [tilespmem:s16], [sflag:$0x2], $0x4000, s11, s10, $0x20;
	[tilespmem:$0x10100] =	vst v63  }
.LBB1_8:
0x42: {  	_ =	sfence.sel $0x180000  }
0x43: {  	s2 =	simm.s32 $0x1;
	[bflag:$0x0] =	sbarrier.arrive $0xFFFF  }
0x44: {  	s31 =	simm.s32 $0x2;
	[sflag:s2] =	ssyncpa.u1 $0x1  }
0x45: {  	[sflag:s31] =	ssyncpa.u1 $0x1  }
0x46: {  	p0 =	sne.s32 s0, $0x0;
	_ =	strace $0x90000053  }
0x47: {  	s0 =	sadd.s32 @!p0 $0x100000, s1;
	[bflag:$0x2] =	sbarrier.arrive $0xFFFF  }
0x48: {  	[sflag:s0] =	ssyncadd.tile.s32 @!p0 $0x1;
	_ =	shalt  }
.Lfunc_end1:
_tile_overlayer_lowered:
.L_overlay_start_2:
0x49: {  	(tag) =	ssettag $0x2  }
0x4a: {  	s0 =	rddreg [dreg:$0x0];
	s2 =	stileid.u32  }
0x4b: {  	s1 =	rddreg [dreg:$0x1];
	p0 =	sne.s32 s2, $0x0  }
0x4c: {  	s3 =	rddreg [dreg:$0x2];
	[bflag:$0x3] =	sbarrier.arrive $0xFFFF;
	s2 =	simm.s32 @!p0 $0x1C01  }
0x4d: {  	[timem:s3], [sflag:s2] =	dma.local @!p0 [hbm:s0], s1  }
0x4e: {  	s0 =	simm.s32 @!p0 $0x1  }
0x4f: {  	_ =	swait.ge @!p0 [sflag:s0], s1  }
0x50: {  	s1 =	ssub.s32 @!p0 $0x0, s1;
	[sflag:s0] =	ssyncset.done @!p0 $0x0  }
0x51: {  	[sflag:s0] =	ssyncadd.s32 @!p0 s1  }
0x52: {  	[bflag:$0x3] =	sbarrier.arrive $0xFFFF  }
0x53: {  	_ =	shalt  }

</sc_bundles>
